<compile_context>
chip_gen: v7x
topology: tpu7x:2x2x1
jax: 0.10.2.dev20260603
libtpu: 0.0.44.dev20260713+nightly
codegen_flags: <defaults>
</compile_context>

<pallas_src>
import jax
import jax.numpy as jnp
import numpy as np
from jax import lax
from jax.experimental import pallas as pl
from jax.experimental.pallas import tpu as pltpu
from jax.experimental.pallas import tpu_sc as plsc

_N = 10000
_E = 320000
_D = 128
_NC = 2
_NS = 16
_K = 125
_NW = _NC * _NS
_CHUNKS = _E // (_NW * _K)
_NP = 10240
_NPA = 10112
_RPT = _NPA // _NS

_NBUF = 2


_GRP = 8
_NGRP = _CHUNKS // _GRP


def _sc_agg_body(src_r, dst_r, hw_r, z_r, agg_o, sidx, didx, rows, acc, *sems):
    gsems, ssems, dsem = sems[:_NBUF], sems[_NBUF:2 * _NBUF], sems[2 * _NBUF]
    c = lax.axis_index("c")
    s = lax.axis_index("s")
    w = c * _NS + s
    tb = s * _RPT
    pltpu.sync_copy(z_r.at[pl.ds(tb, _RPT)], acc.at[pl.ds(tb, _RPT)])
    pltpu.sync_copy(src_r.at[pl.ds(w * _CHUNKS, _CHUNKS)], sidx)
    plsc.subcore_barrier()

    def didx_start(g):
        pltpu.async_copy(dst_r.at[pl.ds(w * _CHUNKS + g * _GRP, _GRP)],
                         didx.at[g % 2], dsem)

    def didx_wait(g):
        pltpu.make_async_copy(dst_r.at[pl.ds(w * _CHUNKS + g * _GRP, _GRP)],
                              didx.at[g % 2], dsem).wait()

    def gather_start(j, b):
        pltpu.async_copy(hw_r.at[sidx.at[j]], rows.at[b], gsems[b])

    def gather_wait(j, b):
        pltpu.make_async_copy(hw_r.at[sidx.at[j]], rows.at[b], gsems[b]).wait()

    def _didx_of(j):
        return didx.at[(j // _GRP) % 2, j % _GRP]

    def scatter_start(j, b):
        pltpu.async_copy(rows.at[b], acc.at[_didx_of(j)], ssems[b], add=True)

    def scatter_wait(j, b):
        pltpu.make_async_copy(rows.at[b], acc.at[_didx_of(j)], ssems[b]).wait()

    didx_start(0)
    didx_wait(0)
    didx_start(1)
    for b in range(_NBUF):
        gather_start(b, b)

    def step(q, carry):
        for b in range(_NBUF):
            j = q * _NBUF + b
            jp = j - 1
            bp = (b - 1) % _NBUF

            @pl.when(jp >= 0)
            def _():
                scatter_wait(jp, bp)
                jn = jp + _NBUF

                @pl.when(jn < _CHUNKS)
                def _():
                    gather_start(jn, bp)

                g = j // _GRP

                @pl.when(j % _GRP == 0)
                def _():
                    didx_wait(g)

                    @pl.when(g + 1 < _NGRP)
                    def _():
                        didx_start(g + 1)

            gather_wait(j, b)
            scatter_start(j, b)

        return carry

    lax.fori_loop(0, _CHUNKS // _NBUF, step, 0)
    scatter_wait(_CHUNKS - 1, (_CHUNKS - 1) % _NBUF)
    plsc.subcore_barrier()
    pltpu.sync_copy(acc.at[pl.ds(tb, _RPT)], agg_o.at[c, pl.ds(tb, _RPT)])


_EPW = _E // _NW


def _sc_deg_body(dst_r, deg_o, didx, hist, sem):
    c = lax.axis_index("c")
    s = lax.axis_index("s")
    w = c * _NS + s
    pltpu.sync_copy(dst_r.at[pl.ds(w * _EPW, _EPW)], didx)

    def zero(i, carry):
        hist[pl.ds(i * 16, 16)] = jnp.zeros((16,), jnp.float32)
        return carry

    lax.fori_loop(0, _NP // 16, zero, 0)
    ones = jnp.ones((16,), jnp.float32)

    def step(i, carry):
        plsc.addupdate_scatter(hist, [didx[pl.ds(i * 16, 16)]], ones)
        return carry

    lax.fori_loop(0, _EPW // 16, step, 0)
    pltpu.sync_copy(hist, deg_o.at[w])


def _mesh():
    return plsc.VectorSubcoreMesh(core_axis_name="c", subcore_axis_name="s",
                                  num_cores=_NC, num_subcores=_NS)


_Z128 = np.zeros((_NPA, _D), np.float32)


def _sc_agg(src2, dst2, hw):
    return pl.kernel(
        _sc_agg_body,
        out_type=jax.ShapeDtypeStruct((_NC, _NPA, _D), jnp.float32),
        mesh=_mesh(),
        scratch_types=[
            pltpu.VMEM((_CHUNKS, _K), jnp.int32),
            pltpu.VMEM((2, _GRP, _K), jnp.int32),
            pltpu.VMEM((_NBUF, _K, _D), jnp.float32),
            pltpu.VMEM_SHARED((_NPA, _D), jnp.float32),
        ] + [pltpu.SemaphoreType.DMA] * (2 * _NBUF + 1),
    )(src2, dst2, hw, _Z128)


def _sc_deg(dst1d):
    return pl.kernel(
        _sc_deg_body,
        out_type=jax.ShapeDtypeStruct((_NW, _NP), jnp.float32),
        mesh=_mesh(),
        scratch_types=[
            pltpu.VMEM((_EPW,), jnp.int32),
            pltpu.VMEM((_NP,), jnp.float32),
            pltpu.SemaphoreType.DMA,
        ],
        compiler_params=pltpu.CompilerParams(needs_layout_passes=False),
    )(dst1d)


_BM = 5000


def _tc1_body(x_r, ws_r, wn_r, b_r, hs_o, hw_o):
    x = x_r[...]
    dn = (((1,), (1,)), ((), ()))
    hs_o[...] = lax.dot_general(x, ws_r[...], dn,
                                preferred_element_type=jnp.float32) + b_r[...]
    hw_o[...] = lax.dot_general(x, wn_r[...], dn,
                                preferred_element_type=jnp.float32)


def _tc_inv_body(deg_r, inv_o):
    deg = jnp.sum(deg_r[...], axis=0)[:, None]
    inv_o[...] = 1.0 / jnp.maximum(deg, 1.0)


def _tc2_body(hs_r, agg_r, inv_r, ws_r, wn_r, b_r, h1s_o, h1w_o):
    h1 = hs_r[...] + (agg_r[0] + agg_r[1]) * inv_r[...]
    dn = (((1,), (1,)), ((), ()))
    h1s_o[...] = lax.dot_general(h1, ws_r[...], dn,
                                 preferred_element_type=jnp.float32) + b_r[...]
    h1w_o[...] = lax.dot_general(h1, wn_r[...], dn,
                                 preferred_element_type=jnp.float32)


def _tc3_body(hs_r, agg_r, inv_r, out_o):
    out_o[...] = hs_r[...] + (agg_r[0] + agg_r[1]) * inv_r[...]


_ROWS_SPEC = pl.BlockSpec((_BM, _D), lambda i: (i, 0))
_AGG_SPEC = pl.BlockSpec((_NC, _BM, _D), lambda i: (0, i, 0))
_INV_SPEC = pl.BlockSpec((_BM, 1), lambda i: (i, 0))


def _tc_inv(deg):
    return pl.pallas_call(
        _tc_inv_body,
        grid=(1,),
        in_specs=[pl.BlockSpec((_NW, _NP), lambda i: (0, 0))],
        out_specs=pl.BlockSpec((_NP, 1), lambda i: (0, 0)),
        out_shape=jax.ShapeDtypeStruct((_NP, 1), jnp.float32),
    )(deg)
_W_SPEC = pl.BlockSpec((_D, _D), lambda i: (0, 0))
_B_SPEC = pl.BlockSpec((1, _D), lambda i: (0, 0))


def _tc1(x, ws, wn, b):
    return pl.pallas_call(
        _tc1_body,
        grid=(_N // _BM,),
        in_specs=[_ROWS_SPEC, _W_SPEC, _W_SPEC, _B_SPEC],
        out_specs=[_ROWS_SPEC, _ROWS_SPEC],
        out_shape=[jax.ShapeDtypeStruct((_N, _D), jnp.float32)] * 2,
    )(x, ws, wn, b)


def _tc2(hs, agg, inv, ws, wn, b):
    return pl.pallas_call(
        _tc2_body,
        grid=(_N // _BM,),
        in_specs=[_ROWS_SPEC, _AGG_SPEC, _INV_SPEC, _W_SPEC, _W_SPEC, _B_SPEC],
        out_specs=[_ROWS_SPEC, _ROWS_SPEC],
        out_shape=[jax.ShapeDtypeStruct((_N, _D), jnp.float32)] * 2,
    )(hs, agg, inv, ws, wn, b)


def _tc3(hs, agg, inv):
    return pl.pallas_call(
        _tc3_body,
        grid=(_N // _BM,),
        in_specs=[_ROWS_SPEC, _AGG_SPEC, _INV_SPEC],
        out_specs=_ROWS_SPEC,
        out_shape=jax.ShapeDtypeStruct((_N, _D), jnp.float32),
    )(hs, agg, inv)


def kernel(in_feat, edge_index, W_self_0, W_neigh_0, b_0, W_self_1, W_neigh_1, b_1):
    src2 = edge_index[0].reshape(_E // _K, _K)
    dst2 = edge_index[1].reshape(_E // _K, _K)
    b0 = b_0.reshape(1, _D)
    b1 = b_1.reshape(1, _D)

    inv = _tc_inv(_sc_deg(edge_index[1]))
    hs0, hw0 = _tc1(in_feat, W_self_0, W_neigh_0, b0)
    agg0 = _sc_agg(src2, dst2, hw0)
    h1s, h1w = _tc2(hs0, agg0, inv, W_self_1, W_neigh_1, b1)
    agg1 = _sc_agg(src2, dst2, h1w)
    return _tc3(h1s, agg1, inv)

# --- scband reference (transcript-rebuilt; emitter-appended) ---
"""Pipeline reference for scband-graph-sage-43765716746407 (READ-ONLY COPY).

The authoritative reference and input builder live on the scoring server;
editing this copy changes nothing except your own understanding.
"""

import jax, jax.numpy as jnp
import numpy as np

N = 10000
E = 320000
D = 128


def setup_inputs(seed: int = 0) -> dict:
    key = jax.random.key(seed)
    ks = jax.random.split(key, 9)
    in_feat = jax.random.normal(ks[0], (N, D), dtype=jnp.float32)
    edge_index = jax.random.randint(ks[1], (2, E), 0, N, dtype=jnp.int32)
    scale = 1.0 / np.sqrt(D)
    W_self_0 = jax.random.uniform(ks[2], (D, D), dtype=jnp.float32, minval=-scale, maxval=scale)
    W_neigh_0 = jax.random.uniform(ks[3], (D, D), dtype=jnp.float32, minval=-scale, maxval=scale)
    b_0 = jnp.zeros((D,), dtype=jnp.float32)
    W_self_1 = jax.random.uniform(ks[4], (D, D), dtype=jnp.float32, minval=-scale, maxval=scale)
    W_neigh_1 = jax.random.uniform(ks[5], (D, D), dtype=jnp.float32, minval=-scale, maxval=scale)
    b_1 = jnp.zeros((D,), dtype=jnp.float32)
    return {
        "in_feat": in_feat,
        "edge_index": edge_index,
        "W_self_0": W_self_0,
        "W_neigh_0": W_neigh_0,
        "b_0": b_0,
        "W_self_1": W_self_1,
        "W_neigh_1": W_neigh_1,
        "b_1": b_1,
    }


def _sage_layer(h, src, dst, W_self, W_neigh, b):
    # DGL SAGEConv with aggregator_type='mean':
    #   h_neigh = mean over in-neighbors of h_src
    #   rst = fc_self(h_self) + fc_neigh(h_neigh) + bias
    d = h.shape[1]
    deg = jnp.zeros((N,), dtype=h.dtype).at[dst].add(1.0)
    agg = jnp.zeros((N, d), dtype=h.dtype).at[dst].add(h[src])
    h_neigh = agg / jnp.clip(deg, 1.0, None)[:, None]
    return h @ W_self.T + h_neigh @ W_neigh.T + b


def reference(in_feat, edge_index, W_self_0, W_neigh_0, b_0, W_self_1, W_neigh_1, b_1):
    src = edge_index[0]
    dst = edge_index[1]
    h = _sage_layer(in_feat, src, dst, W_self_0, W_neigh_0, b_0)
    h = _sage_layer(h, src, dst, W_self_1, W_neigh_1, b_1)
    return h

if __name__ == "__main__":
    import jax
    _d = setup_inputs()
    print(jax.jit(kernel)(*tuple(_d.values())))

</pallas_src>

<mosaic_0001>
#map = affine_map<(d0, d1) -> (0, 0)>
#map1 = affine_map<(d0, d1) -> (0, 0, 0)>
module attributes {stable_mosaic.version = 14 : i64} {
  func.func @_sc_agg_body(%arg0: i32, %arg1: i32, %arg2: memref<2560x125xi32, #tpu.memory_space<hbm>>, %arg3: memref<2560x125xi32, #tpu.memory_space<hbm>>, %arg4: memref<10000x128xf32, #tpu.memory_space<hbm>>, %arg5: memref<10112x128xf32, #tpu.memory_space<hbm>>, %arg6: memref<2x10112x128xf32, #tpu.memory_space<hbm>>, %arg7: memref<80x125xi32, #tpu.memory_space<vmem>>, %arg8: memref<2x8x125xi32, #tpu.memory_space<vmem>>, %arg9: memref<2x125x128xf32, #tpu.memory_space<vmem>>, %arg10: memref<10112x128xf32, #tpu.memory_space<vmem_shared>>, %arg11: memref<!tpu.dma_semaphore, #tpu.memory_space<semaphore_mem>>, %arg12: memref<!tpu.dma_semaphore, #tpu.memory_space<semaphore_mem>>, %arg13: memref<!tpu.dma_semaphore, #tpu.memory_space<semaphore_mem>>, %arg14: memref<!tpu.dma_semaphore, #tpu.memory_space<semaphore_mem>>, %arg15: memref<!tpu.dma_semaphore, #tpu.memory_space<semaphore_mem>>) attributes {dimension_semantics = [#tpu.dimension_semantics<core_parallel>, #tpu.dimension_semantics<subcore_parallel>], iteration_bounds = array<i64: 2, 16>, scalar_prefetch = 0 : i64, scratch_operands = 9 : i64, tpu.core_type = #tpu.core_type<sc_vector_subcore>, window_params = [{transform_indices = #map}, {transform_indices = #map}, {transform_indices = #map}, {transform_indices = #map}, {transform_indices = #map1}]} {
    %mul3A = arith.constant 16 : i32
    %mul3A_0 = arith.muli %arg0, %mul3A : i32
    %add3A = arith.addi %mul3A_0, %arg1 : i32
    %mul3A_1 = arith.constant 632 : i32
    %mul3A_2 = arith.muli %arg1, %mul3A_1 : i32
    "tpu.region"() ({
      %run_scoped3A = tpu.sem_alloc : memref<!tpu.dma_semaphore, #tpu.memory_space<semaphore_mem>>
      %dma_start3A_97 = arith.constant 0 : i32
      %dma_start3A_98 = tpu.memref_slice %arg10[%mul3A_2, %dma_start3A_97] : memref<10112x128xf32, #tpu.memory_space<vmem_shared>> -> memref<632x128xf32, #tpu.memory_space<vmem_shared>>
      %dma_start3A_99 = arith.constant 0 : i32
      %dma_start3A_100 = tpu.memref_slice %arg5[%mul3A_2, %dma_start3A_99] : memref<10112x128xf32, #tpu.memory_space<hbm>> -> memref<632x128xf32, #tpu.memory_space<hbm>>
      tpu.enqueue_dma source(%dma_start3A_100 : memref<632x128xf32, #tpu.memory_space<hbm>>) target(%dma_start3A_98 : memref<632x128xf32, #tpu.memory_space<vmem_shared>>) target_semaphore(%run_scoped3A : memref<!tpu.dma_semaphore, #tpu.memory_space<semaphore_mem>>)
      %dma_wait3A_101 = arith.constant 0 : i32
      %dma_wait3A_102 = tpu.memref_slice %arg10[%mul3A_2, %dma_wait3A_101] : memref<10112x128xf32, #tpu.memory_space<vmem_shared>> -> memref<632x128xf32, #tpu.memory_space<vmem_shared>>
      %dma_wait3A_103 = arith.constant 0 : i32
      %dma_wait3A_104 = tpu.memref_slice %arg5[%mul3A_2, %dma_wait3A_103] : memref<10112x128xf32, #tpu.memory_space<hbm>> -> memref<632x128xf32, #tpu.memory_space<hbm>>
      tpu.wait_dma2 semaphore(%run_scoped3A : memref<!tpu.dma_semaphore, #tpu.memory_space<semaphore_mem>>) src(%dma_wait3A_104 : memref<632x128xf32, #tpu.memory_space<hbm>>) dst(%dma_wait3A_102 : memref<632x128xf32, #tpu.memory_space<vmem_shared>>)
      tpu.yield
    }) : () -> ()
    %mul3A_3 = arith.constant 80 : i32
    %mul3A_4 = arith.muli %add3A, %mul3A_3 : i32
    "tpu.region"() ({
      %run_scoped3A = tpu.sem_alloc : memref<!tpu.dma_semaphore, #tpu.memory_space<semaphore_mem>>
      %dma_start3A_97 = arith.constant 0 : i32
      %dma_start3A_98 = tpu.memref_slice %arg2[%mul3A_4, %dma_start3A_97] : memref<2560x125xi32, #tpu.memory_space<hbm>> -> memref<80x125xi32, #tpu.memory_space<hbm>>
      %dma_start3A_99 = arith.constant 0 : i32
      %dma_start3A_100 = tpu.memref_slice %arg2[%mul3A_4, %dma_start3A_99] : memref<2560x125xi32, #tpu.memory_space<hbm>> -> memref<80x125xi32, #tpu.memory_space<hbm>>
      tpu.enqueue_dma source(%dma_start3A_100 : memref<80x125xi32, #tpu.memory_space<hbm>>) target(%arg7 : memref<80x125xi32, #tpu.memory_space<vmem>>) target_semaphore(%run_scoped3A : memref<!tpu.dma_semaphore, #tpu.memory_space<semaphore_mem>>)
      %dma_wait3A_101 = arith.constant 0 : i32
      %dma_wait3A_102 = tpu.memref_slice %arg2[%mul3A_4, %dma_wait3A_101] : memref<2560x125xi32, #tpu.memory_space<hbm>> -> memref<80x125xi32, #tpu.memory_space<hbm>>
      %dma_wait3A_103 = arith.constant 0 : i32
      %dma_wait3A_104 = tpu.memref_slice %arg2[%mul3A_4, %dma_wait3A_103] : memref<2560x125xi32, #tpu.memory_space<hbm>> -> memref<80x125xi32, #tpu.memory_space<hbm>>
      tpu.wait_dma2 semaphore(%run_scoped3A : memref<!tpu.dma_semaphore, #tpu.memory_space<semaphore_mem>>) src(%dma_wait3A_104 : memref<80x125xi32, #tpu.memory_space<hbm>>) dst(%arg7 : memref<80x125xi32, #tpu.memory_space<vmem>>)
      tpu.yield
    }) : () -> ()
    %barrier3A = arith.constant 0 : index
    tpu.barrier barrier_id(%barrier3A)
    %mul3A_5 = arith.constant 80 : i32
    %mul3A_6 = arith.muli %add3A, %mul3A_5 : i32
    %add3A_7 = arith.constant 0 : i32
    %add3A_8 = arith.addi %mul3A_6, %add3A_7 : i32
    %dma_start3A = arith.constant 0 : i32
    %dma_start3A_9 = arith.constant 0 : i32
    %dma_start3A_10 = arith.constant 0 : i32
    %dma_start3A_11 = tpu.memref_slice %arg8[%dma_start3A, %dma_start3A_9, %dma_start3A_10] : memref<2x8x125xi32, #tpu.memory_space<vmem>> -> memref<1x8x125xi32, #tpu.memory_space<vmem>>
    %dma_start3A_12 = tpu.memref_squeeze %dma_start3A_11 : memref<1x8x125xi32, #tpu.memory_space<vmem>> -> memref<8x125xi32, #tpu.memory_space<vmem>>
    %dma_start3A_13 = arith.constant 0 : i32
    %dma_start3A_14 = tpu.memref_slice %arg3[%add3A_8, %dma_start3A_13] : memref<2560x125xi32, #tpu.memory_space<hbm>> -> memref<8x125xi32, #tpu.memory_space<hbm>>
    %dma_start3A_15 = arith.constant 0 : i32
    %dma_start3A_16 = arith.constant 0 : i32
    %dma_start3A_17 = tpu.memref_slice %arg8[%dma_start3A, %dma_start3A_15, %dma_start3A_16] : memref<2x8x125xi32, #tpu.memory_space<vmem>> -> memref<1x8x125xi32, #tpu.memory_space<vmem>>
    %dma_start3A_18 = tpu.memref_squeeze %dma_start3A_17 : memref<1x8x125xi32, #tpu.memory_space<vmem>> -> memref<8x125xi32, #tpu.memory_space<vmem>>
    %dma_start3A_19 = arith.constant 0 : i32
    %dma_start3A_20 = tpu.memref_slice %arg3[%add3A_8, %dma_start3A_19] : memref<2560x125xi32, #tpu.memory_space<hbm>> -> memref<8x125xi32, #tpu.memory_space<hbm>>
    tpu.enqueue_dma source(%dma_start3A_20 : memref<8x125xi32, #tpu.memory_space<hbm>>) target(%dma_start3A_18 : memref<8x125xi32, #tpu.memory_space<vmem>>) target_semaphore(%arg15 : memref<!tpu.dma_semaphore, #tpu.memory_space<semaphore_mem>>)
    %mul3A_21 = arith.constant 80 : i32
    %mul3A_22 = arith.muli %add3A, %mul3A_21 : i32
    %add3A_23 = arith.constant 0 : i32
    %add3A_24 = arith.addi %mul3A_22, %add3A_23 : i32
    %dma_wait3A = arith.constant 0 : i32
    %dma_wait3A_25 = arith.constant 0 : i32
    %dma_wait3A_26 = arith.constant 0 : i32
    %dma_wait3A_27 = tpu.memref_slice %arg8[%dma_wait3A, %dma_wait3A_25, %dma_wait3A_26] : memref<2x8x125xi32, #tpu.memory_space<vmem>> -> memref<1x8x125xi32, #tpu.memory_space<vmem>>
    %dma_wait3A_28 = tpu.memref_squeeze %dma_wait3A_27 : memref<1x8x125xi32, #tpu.memory_space<vmem>> -> memref<8x125xi32, #tpu.memory_space<vmem>>
    %dma_wait3A_29 = arith.constant 0 : i32
    %dma_wait3A_30 = tpu.memref_slice %arg3[%add3A_24, %dma_wait3A_29] : memref<2560x125xi32, #tpu.memory_space<hbm>> -> memref<8x125xi32, #tpu.memory_space<hbm>>
    %dma_wait3A_31 = arith.constant 0 : i32
    %dma_wait3A_32 = arith.constant 0 : i32
    %dma_wait3A_33 = tpu.memref_slice %arg8[%dma_wait3A, %dma_wait3A_31, %dma_wait3A_32] : memref<2x8x125xi32, #tpu.memory_space<vmem>> -> memref<1x8x125xi32, #tpu.memory_space<vmem>>
    %dma_wait3A_34 = tpu.memref_squeeze %dma_wait3A_33 : memref<1x8x125xi32, #tpu.memory_space<vmem>> -> memref<8x125xi32, #tpu.memory_space<vmem>>
    %dma_wait3A_35 = arith.constant 0 : i32
    %dma_wait3A_36 = tpu.memref_slice %arg3[%add3A_24, %dma_wait3A_35] : memref<2560x125xi32, #tpu.memory_space<hbm>> -> memref<8x125xi32, #tpu.memory_space<hbm>>
    tpu.wait_dma2 semaphore(%arg15 : memref<!tpu.dma_semaphore, #tpu.memory_space<semaphore_mem>>) src(%dma_wait3A_36 : memref<8x125xi32, #tpu.memory_space<hbm>>) dst(%dma_wait3A_34 : memref<8x125xi32, #tpu.memory_space<vmem>>)
    %mul3A_37 = arith.constant 80 : i32
    %mul3A_38 = arith.muli %add3A, %mul3A_37 : i32
    %add3A_39 = arith.constant 8 : i32
    %add3A_40 = arith.addi %mul3A_38, %add3A_39 : i32
    %dma_start3A_41 = arith.constant 1 : i32
    %dma_start3A_42 = arith.constant 0 : i32
    %dma_start3A_43 = arith.constant 0 : i32
    %dma_start3A_44 = tpu.memref_slice %arg8[%dma_start3A_41, %dma_start3A_42, %dma_start3A_43] : memref<2x8x125xi32, #tpu.memory_space<vmem>> -> memref<1x8x125xi32, #tpu.memory_space<vmem>>
    %dma_start3A_45 = tpu.memref_squeeze %dma_start3A_44 : memref<1x8x125xi32, #tpu.memory_space<vmem>> -> memref<8x125xi32, #tpu.memory_space<vmem>>
    %dma_start3A_46 = arith.constant 0 : i32
    %dma_start3A_47 = tpu.memref_slice %arg3[%add3A_40, %dma_start3A_46] : memref<2560x125xi32, #tpu.memory_space<hbm>> -> memref<8x125xi32, #tpu.memory_space<hbm>>
    %dma_start3A_48 = arith.constant 0 : i32
    %dma_start3A_49 = arith.constant 0 : i32
    %dma_start3A_50 = tpu.memref_slice %arg8[%dma_start3A_41, %dma_start3A_48, %dma_start3A_49] : memref<2x8x125xi32, #tpu.memory_space<vmem>> -> memref<1x8x125xi32, #tpu.memory_space<vmem>>
    %dma_start3A_51 = tpu.memref_squeeze %dma_start3A_50 : memref<1x8x125xi32, #tpu.memory_space<vmem>> -> memref<8x125xi32, #tpu.memory_space<vmem>>
    %dma_start3A_52 = arith.constant 0 : i32
    %dma_start3A_53 = tpu.memref_slice %arg3[%add3A_40, %dma_start3A_52] : memref<2560x125xi32, #tpu.memory_space<hbm>> -> memref<8x125xi32, #tpu.memory_space<hbm>>
    tpu.enqueue_dma source(%dma_start3A_53 : memref<8x125xi32, #tpu.memory_space<hbm>>) target(%dma_start3A_51 : memref<8x125xi32, #tpu.memory_space<vmem>>) target_semaphore(%arg15 : memref<!tpu.dma_semaphore, #tpu.memory_space<semaphore_mem>>)
    %dma_start3A_54 = arith.constant 0 : i32
    %dma_start3A_55 = arith.constant 0 : i32
    %dma_start3A_56 = arith.constant 0 : i32
    %dma_start3A_57 = arith.constant 0 : i32
    %dma_start3A_58 = tpu.memref_slice %arg9[%dma_start3A_55, %dma_start3A_56, %dma_start3A_57] : memref<2x125x128xf32, #tpu.memory_space<vmem>> -> memref<1x125x128xf32, #tpu.memory_space<vmem>>
    %dma_start3A_59 = tpu.memref_squeeze %dma_start3A_58 : memref<1x125x128xf32, #tpu.memory_space<vmem>> -> memref<125x128xf32, #tpu.memory_space<vmem>>
    %dma_start3A_60 = arith.constant 0 : i32
    %dma_start3A_61 = tpu.memref_slice %arg7[%dma_start3A_54, %dma_start3A_60] : memref<80x125xi32, #tpu.memory_space<vmem>> -> memref<1x125xi32, #tpu.memory_space<vmem>>
    %dma_start3A_62 = tpu.memref_squeeze %dma_start3A_61 : memref<1x125xi32, #tpu.memory_space<vmem>> -> memref<125xi32, #tpu.memory_space<vmem>>
    %dma_start3A_63 = arith.constant 0 : i32
    %dma_start3A_64 = arith.constant 0 : i32
    %dma_start3A_65 = tpu.memref_slice %arg4[%dma_start3A_63, %dma_start3A_64] : memref<10000x128xf32, #tpu.memory_space<hbm>> -> memref<10000x128xf32, #tpu.memory_space<hbm>>
    tpu.enqueue_indirect_dma source(%dma_start3A_65 : memref<10000x128xf32, #tpu.memory_space<hbm>>) target(%dma_start3A_59 : memref<125x128xf32, #tpu.memory_space<vmem>>) offsets(%dma_start3A_62 : memref<125xi32, #tpu.memory_space<vmem>>) semaphore(%arg11 : memref<!tpu.dma_semaphore, #tpu.memory_space<semaphore_mem>>)
    %dma_start3A_66 = arith.constant 1 : i32
    %dma_start3A_67 = arith.constant 1 : i32
    %dma_start3A_68 = arith.constant 0 : i32
    %dma_start3A_69 = arith.constant 0 : i32
    %dma_start3A_70 = tpu.memref_slice %arg9[%dma_start3A_67, %dma_start3A_68, %dma_start3A_69] : memref<2x125x128xf32, #tpu.memory_space<vmem>> -> memref<1x125x128xf32, #tpu.memory_space<vmem>>
    %dma_start3A_71 = tpu.memref_squeeze %dma_start3A_70 : memref<1x125x128xf32, #tpu.memory_space<vmem>> -> memref<125x128xf32, #tpu.memory_space<vmem>>
    %dma_start3A_72 = arith.constant 0 : i32
    %dma_start3A_73 = tpu.memref_slice %arg7[%dma_start3A_66, %dma_start3A_72] : memref<80x125xi32, #tpu.memory_space<vmem>> -> memref<1x125xi32, #tpu.memory_space<vmem>>
    %dma_start3A_74 = tpu.memref_squeeze %dma_start3A_73 : memref<1x125xi32, #tpu.memory_space<vmem>> -> memref<125xi32, #tpu.memory_space<vmem>>
    %dma_start3A_75 = arith.constant 0 : i32
    %dma_start3A_76 = arith.constant 0 : i32
    %dma_start3A_77 = tpu.memref_slice %arg4[%dma_start3A_75, %dma_start3A_76] : memref<10000x128xf32, #tpu.memory_space<hbm>> -> memref<10000x128xf32, #tpu.memory_space<hbm>>
    tpu.enqueue_indirect_dma source(%dma_start3A_77 : memref<10000x128xf32, #tpu.memory_space<hbm>>) target(%dma_start3A_71 : memref<125x128xf32, #tpu.memory_space<vmem>>) offsets(%dma_start3A_74 : memref<125xi32, #tpu.memory_space<vmem>>) semaphore(%arg12 : memref<!tpu.dma_semaphore, #tpu.memory_space<semaphore_mem>>)
    %scan3A = arith.constant 0 : i32
    %scan3A_78 = arith.constant 0 : i32
    %scan3A_79 = arith.constant 40 : i32
    %scan3A_80 = arith.addi %scan3A_78, %scan3A_79 : i32
    %scan3A_81 = arith.constant 1 : i32
    scf.for %scan3A_97 = %scan3A_78 to %scan3A_80 step %scan3A_81  : i32 {
      %mul3A_98 = arith.constant 2 : i32
      %mul3A_99 = arith.muli %scan3A_97, %mul3A_98 : i32
      %add3A_100 = arith.constant 0 : i32
      %add3A_101 = arith.addi %mul3A_99, %add3A_100 : i32
      %sub3A = arith.constant 1 : i32
      %sub3A_102 = arith.subi %add3A_101, %sub3A : i32
      %ge3A = arith.constant 0 : i32
      %ge3A_103 = arith.cmpi sge, %sub3A_102, %ge3A : i32
      %convert_element_type3A = arith.extui %ge3A_103 : i1 to i32
      %cond3A = arith.constant 0 : i32
      %cond3A_104 = arith.cmpi ne, %convert_element_type3A, %cond3A : i32
      scf.if %cond3A_104 {
        %jit3A_263 = arith.constant 8 : i32
        %div3A_264 = arith.divsi %sub3A_102, %jit3A_263 : i32
        %sign3A_265 = arith.constant 0 : i32
        %sign3A_266 = arith.cmpi sgt, %sub3A_102, %sign3A_265 : i32
        %sign3A_267 = arith.extui %sign3A_266 : i1 to i32
        %sign3A_268 = arith.constant 0 : i32
        %sign3A_269 = arith.cmpi slt, %sub3A_102, %sign3A_268 : i32
        %sign3A_270 = arith.extui %sign3A_269 : i1 to i32
        %sign3A_271 = arith.subi %sign3A_267, %sign3A_270 : i32
        %sign3A_272 = arith.constant 0 : i32
        %sign3A_273 = arith.cmpi sgt, %jit3A_263, %sign3A_272 : i32
        %sign3A_274 = arith.extui %sign3A_273 : i1 to i32
        %sign3A_275 = arith.constant 0 : i32
        %sign3A_276 = arith.cmpi slt, %jit3A_263, %sign3A_275 : i32
        %sign3A_277 = arith.extui %sign3A_276 : i1 to i32
        %sign3A_278 = arith.subi %sign3A_274, %sign3A_277 : i32
        %ne3A_279 = arith.cmpi ne, %sign3A_271, %sign3A_278 : i32
        %rem3A_280 = arith.remsi %sub3A_102, %jit3A_263 : i32
        %ne3A_281 = arith.constant 0 : i32
        %ne3A_282 = arith.cmpi ne, %rem3A_280, %ne3A_281 : i32
        %and3A_283 = arith.andi %ne3A_279, %ne3A_282 : i1
        %sub3A_284 = arith.constant 1 : i32
        %sub3A_285 = arith.subi %div3A_264, %sub3A_284 : i32
        %select_n3A_286 = arith.select %and3A_283, %sub3A_285, %div3A_264 : i32
        %jit3A_287 = arith.constant 2 : i32
        %eq3A_288 = arith.constant 0 : i32
        %eq3A_289 = arith.cmpi eq, %jit3A_287, %eq3A_288 : i32
        %jit3A_290 = arith.constant 1 : i32
        %select_n3A_291 = arith.select %eq3A_289, %jit3A_290, %jit3A_287 : i32
        %rem3A_292 = arith.remsi %select_n3A_286, %select_n3A_291 : i32
        %ne3A_293 = arith.constant 0 : i32
        %ne3A_294 = arith.cmpi ne, %rem3A_292, %ne3A_293 : i32
        %lt3A_295 = arith.constant 0 : i32
        %lt3A_296 = arith.cmpi slt, %rem3A_292, %lt3A_295 : i32
        %lt3A_297 = arith.constant 0 : i32
        %lt3A_298 = arith.cmpi slt, %select_n3A_291, %lt3A_297 : i32
        %ne3A_299 = arith.xori %lt3A_296, %lt3A_298 : i1
        %and3A_300 = arith.andi %ne3A_299, %ne3A_294 : i1
        %add3A_301 = arith.addi %rem3A_292, %select_n3A_291 : i32
        %select_n3A_302 = arith.select %and3A_300, %add3A_301, %rem3A_292 : i32
        %jit3A_303 = arith.constant 8 : i32
        %eq3A_304 = arith.constant 0 : i32
        %eq3A_305 = arith.cmpi eq, %jit3A_303, %eq3A_304 : i32
        %jit3A_306 = arith.constant 1 : i32
        %select_n3A_307 = arith.select %eq3A_305, %jit3A_306, %jit3A_303 : i32
        %rem3A_308 = arith.remsi %sub3A_102, %select_n3A_307 : i32
        %ne3A_309 = arith.constant 0 : i32
        %ne3A_310 = arith.cmpi ne, %rem3A_308, %ne3A_309 : i32
        %lt3A_311 = arith.constant 0 : i32
        %lt3A_312 = arith.cmpi slt, %rem3A_308, %lt3A_311 : i32
        %lt3A_313 = arith.constant 0 : i32
        %lt3A_314 = arith.cmpi slt, %select_n3A_307, %lt3A_313 : i32
        %ne3A_315 = arith.xori %lt3A_312, %lt3A_314 : i1
        %and3A_316 = arith.andi %ne3A_315, %ne3A_310 : i1
        %add3A_317 = arith.addi %rem3A_308, %select_n3A_307 : i32
        %select_n3A_318 = arith.select %and3A_316, %add3A_317, %rem3A_308 : i32
        %dma_wait3A_319 = arith.constant 1 : i32
        %dma_wait3A_320 = arith.constant 0 : i32
        %dma_wait3A_321 = arith.constant 0 : i32
        %dma_wait3A_322 = tpu.memref_slice %arg9[%dma_wait3A_319, %dma_wait3A_320, %dma_wait3A_321] : memref<2x125x128xf32, #tpu.memory_space<vmem>> -> memref<1x125x128xf32, #tpu.memory_space<vmem>>
        %dma_wait3A_323 = tpu.memref_squeeze %dma_wait3A_322 : memref<1x125x128xf32, #tpu.memory_space<vmem>> -> memref<125x128xf32, #tpu.memory_space<vmem>>
        %dma_wait3A_324 = arith.constant 0 : i32
        %dma_wait3A_325 = tpu.memref_slice %arg8[%select_n3A_302, %select_n3A_318, %dma_wait3A_324] : memref<2x8x125xi32, #tpu.memory_space<vmem>> -> memref<1x1x125xi32, #tpu.memory_space<vmem>>
        %dma_wait3A_326 = tpu.memref_squeeze %dma_wait3A_325 : memref<1x1x125xi32, #tpu.memory_space<vmem>> -> memref<125xi32, #tpu.memory_space<vmem>>
        %dma_wait3A_327 = arith.constant 0 : i32
        %dma_wait3A_328 = arith.constant 0 : i32
        %dma_wait3A_329 = tpu.memref_slice %arg10[%dma_wait3A_327, %dma_wait3A_328] : memref<10112x128xf32, #tpu.memory_space<vmem_shared>> -> memref<10112x128xf32, #tpu.memory_space<vmem_shared>>
        tpu.wait_indirect_dma semaphore(%arg14 : memref<!tpu.dma_semaphore, #tpu.memory_space<semaphore_mem>>) src(%dma_wait3A_323 : memref<125x128xf32, #tpu.memory_space<vmem>>) dst(%dma_wait3A_329 : memref<10112x128xf32, #tpu.memory_space<vmem_shared>>)
        %add3A_330 = arith.constant 2 : i32
        %add3A_331 = arith.addi %sub3A_102, %add3A_330 : i32
        %lt3A_332 = arith.constant 80 : i32
        %lt3A_333 = arith.cmpi slt, %add3A_331, %lt3A_332 : i32
        %convert_element_type3A_334 = arith.extui %lt3A_333 : i1 to i32
        %cond3A_335 = arith.constant 0 : i32
        %cond3A_336 = arith.cmpi ne, %convert_element_type3A_334, %cond3A_335 : i32
        scf.if %cond3A_336 {
          %dma_start3A_382 = arith.constant 1 : i32
          %dma_start3A_383 = arith.constant 0 : i32
          %dma_start3A_384 = arith.constant 0 : i32
          %dma_start3A_385 = tpu.memref_slice %arg9[%dma_start3A_382, %dma_start3A_383, %dma_start3A_384] : memref<2x125x128xf32, #tpu.memory_space<vmem>> -> memref<1x125x128xf32, #tpu.memory_space<vmem>>
          %dma_start3A_386 = tpu.memref_squeeze %dma_start3A_385 : memref<1x125x128xf32, #tpu.memory_space<vmem>> -> memref<125x128xf32, #tpu.memory_space<vmem>>
          %dma_start3A_387 = arith.constant 0 : i32
          %dma_start3A_388 = tpu.memref_slice %arg7[%add3A_331, %dma_start3A_387] : memref<80x125xi32, #tpu.memory_space<vmem>> -> memref<1x125xi32, #tpu.memory_space<vmem>>
          %dma_start3A_389 = tpu.memref_squeeze %dma_start3A_388 : memref<1x125xi32, #tpu.memory_space<vmem>> -> memref<125xi32, #tpu.memory_space<vmem>>
          %dma_start3A_390 = arith.constant 0 : i32
          %dma_start3A_391 = arith.constant 0 : i32
          %dma_start3A_392 = tpu.memref_slice %arg4[%dma_start3A_390, %dma_start3A_391] : memref<10000x128xf32, #tpu.memory_space<hbm>> -> memref<10000x128xf32, #tpu.memory_space<hbm>>
          tpu.enqueue_indirect_dma source(%dma_start3A_392 : memref<10000x128xf32, #tpu.memory_space<hbm>>) target(%dma_start3A_386 : memref<125x128xf32, #tpu.memory_space<vmem>>) offsets(%dma_start3A_389 : memref<125xi32, #tpu.memory_space<vmem>>) semaphore(%arg12 : memref<!tpu.dma_semaphore, #tpu.memory_space<semaphore_mem>>)
        } else {
        }
        %jit3A_337 = arith.constant 8 : i32
        %div3A_338 = arith.divsi %add3A_101, %jit3A_337 : i32
        %sign3A_339 = arith.constant 0 : i32
        %sign3A_340 = arith.cmpi sgt, %add3A_101, %sign3A_339 : i32
        %sign3A_341 = arith.extui %sign3A_340 : i1 to i32
        %sign3A_342 = arith.constant 0 : i32
        %sign3A_343 = arith.cmpi slt, %add3A_101, %sign3A_342 : i32
        %sign3A_344 = arith.extui %sign3A_343 : i1 to i32
        %sign3A_345 = arith.subi %sign3A_341, %sign3A_344 : i32
        %sign3A_346 = arith.constant 0 : i32
        %sign3A_347 = arith.cmpi sgt, %jit3A_337, %sign3A_346 : i32
        %sign3A_348 = arith.extui %sign3A_347 : i1 to i32
        %sign3A_349 = arith.constant 0 : i32
        %sign3A_350 = arith.cmpi slt, %jit3A_337, %sign3A_349 : i32
        %sign3A_351 = arith.extui %sign3A_350 : i1 to i32
        %sign3A_352 = arith.subi %sign3A_348, %sign3A_351 : i32
        %ne3A_353 = arith.cmpi ne, %sign3A_345, %sign3A_352 : i32
        %rem3A_354 = arith.remsi %add3A_101, %jit3A_337 : i32
        %ne3A_355 = arith.constant 0 : i32
        %ne3A_356 = arith.cmpi ne, %rem3A_354, %ne3A_355 : i32
        %and3A_357 = arith.andi %ne3A_353, %ne3A_356 : i1
        %sub3A_358 = arith.constant 1 : i32
        %sub3A_359 = arith.subi %div3A_338, %sub3A_358 : i32
        %select_n3A_360 = arith.select %and3A_357, %sub3A_359, %div3A_338 : i32
        %jit3A_361 = arith.constant 8 : i32
        %eq3A_362 = arith.constant 0 : i32
        %eq3A_363 = arith.cmpi eq, %jit3A_361, %eq3A_362 : i32
        %jit3A_364 = arith.constant 1 : i32
        %select_n3A_365 = arith.select %eq3A_363, %jit3A_364, %jit3A_361 : i32
        %rem3A_366 = arith.remsi %add3A_101, %select_n3A_365 : i32
        %ne3A_367 = arith.constant 0 : i32
        %ne3A_368 = arith.cmpi ne, %rem3A_366, %ne3A_367 : i32
        %lt3A_369 = arith.constant 0 : i32
        %lt3A_370 = arith.cmpi slt, %rem3A_366, %lt3A_369 : i32
        %lt3A_371 = arith.constant 0 : i32
        %lt3A_372 = arith.cmpi slt, %select_n3A_365, %lt3A_371 : i32
        %ne3A_373 = arith.xori %lt3A_370, %lt3A_372 : i1
        %and3A_374 = arith.andi %ne3A_373, %ne3A_368 : i1
        %add3A_375 = arith.addi %rem3A_366, %select_n3A_365 : i32
        %select_n3A_376 = arith.select %and3A_374, %add3A_375, %rem3A_366 : i32
        %eq3A_377 = arith.constant 0 : i32
        %eq3A_378 = arith.cmpi eq, %select_n3A_376, %eq3A_377 : i32
        %convert_element_type3A_379 = arith.extui %eq3A_378 : i1 to i32
        %cond3A_380 = arith.constant 0 : i32
        %cond3A_381 = arith.cmpi ne, %convert_element_type3A_379, %cond3A_380 : i32
        scf.if %cond3A_381 {
          %mul3A_382 = arith.constant 80 : i32
          %mul3A_383 = arith.muli %add3A, %mul3A_382 : i32
          %mul3A_384 = arith.constant 8 : i32
          %mul3A_385 = arith.muli %select_n3A_360, %mul3A_384 : i32
          %add3A_386 = arith.addi %mul3A_383, %mul3A_385 : i32
          %jit3A_387 = arith.constant 2 : i32
          %eq3A_388 = arith.constant 0 : i32
          %eq3A_389 = arith.cmpi eq, %jit3A_387, %eq3A_388 : i32
          %jit3A_390 = arith.constant 1 : i32
          %select_n3A_391 = arith.select %eq3A_389, %jit3A_390, %jit3A_387 : i32
          %rem3A_392 = arith.remsi %select_n3A_360, %select_n3A_391 : i32
          %ne3A_393 = arith.constant 0 : i32
          %ne3A_394 = arith.cmpi ne, %rem3A_392, %ne3A_393 : i32
          %lt3A_395 = arith.constant 0 : i32
          %lt3A_396 = arith.cmpi slt, %rem3A_392, %lt3A_395 : i32
          %lt3A_397 = arith.constant 0 : i32
          %lt3A_398 = arith.cmpi slt, %select_n3A_391, %lt3A_397 : i32
          %ne3A_399 = arith.xori %lt3A_396, %lt3A_398 : i1
          %and3A_400 = arith.andi %ne3A_399, %ne3A_394 : i1
          %add3A_401 = arith.addi %rem3A_392, %select_n3A_391 : i32
          %select_n3A_402 = arith.select %and3A_400, %add3A_401, %rem3A_392 : i32
          %dma_wait3A_403 = arith.constant 0 : i32
          %dma_wait3A_404 = arith.constant 0 : i32
          %dma_wait3A_405 = tpu.memref_slice %arg8[%select_n3A_402, %dma_wait3A_403, %dma_wait3A_404] : memref<2x8x125xi32, #tpu.memory_space<vmem>> -> memref<1x8x125xi32, #tpu.memory_space<vmem>>
          %dma_wait3A_406 = tpu.memref_squeeze %dma_wait3A_405 : memref<1x8x125xi32, #tpu.memory_space<vmem>> -> memref<8x125xi32, #tpu.memory_space<vmem>>
          %dma_wait3A_407 = arith.constant 0 : i32
          %dma_wait3A_408 = tpu.memref_slice %arg3[%add3A_386, %dma_wait3A_407] : memref<2560x125xi32, #tpu.memory_space<hbm>> -> memref<8x125xi32, #tpu.memory_space<hbm>>
          %dma_wait3A_409 = arith.constant 0 : i32
          %dma_wait3A_410 = arith.constant 0 : i32
          %dma_wait3A_411 = tpu.memref_slice %arg8[%select_n3A_402, %dma_wait3A_409, %dma_wait3A_410] : memref<2x8x125xi32, #tpu.memory_space<vmem>> -> memref<1x8x125xi32, #tpu.memory_space<vmem>>
          %dma_wait3A_412 = tpu.memref_squeeze %dma_wait3A_411 : memref<1x8x125xi32, #tpu.memory_space<vmem>> -> memref<8x125xi32, #tpu.memory_space<vmem>>
          %dma_wait3A_413 = arith.constant 0 : i32
          %dma_wait3A_414 = tpu.memref_slice %arg3[%add3A_386, %dma_wait3A_413] : memref<2560x125xi32, #tpu.memory_space<hbm>> -> memref<8x125xi32, #tpu.memory_space<hbm>>
          tpu.wait_dma2 semaphore(%arg15 : memref<!tpu.dma_semaphore, #tpu.memory_space<semaphore_mem>>) src(%dma_wait3A_414 : memref<8x125xi32, #tpu.memory_space<hbm>>) dst(%dma_wait3A_412 : memref<8x125xi32, #tpu.memory_space<vmem>>)
          %add3A_415 = arith.constant 1 : i32
          %add3A_416 = arith.addi %select_n3A_360, %add3A_415 : i32
          %lt3A_417 = arith.constant 10 : i32
          %lt3A_418 = arith.cmpi slt, %add3A_416, %lt3A_417 : i32
          %convert_element_type3A_419 = arith.extui %lt3A_418 : i1 to i32
          %cond3A_420 = arith.constant 0 : i32
          %cond3A_421 = arith.cmpi ne, %convert_element_type3A_419, %cond3A_420 : i32
          scf.if %cond3A_421 {
            %add3A_422 = arith.constant 1 : i32
            %add3A_423 = arith.addi %select_n3A_360, %add3A_422 : i32
            %mul3A_424 = arith.constant 80 : i32
            %mul3A_425 = arith.muli %add3A, %mul3A_424 : i32
            %mul3A_426 = arith.constant 8 : i32
            %mul3A_427 = arith.muli %add3A_423, %mul3A_426 : i32
            %add3A_428 = arith.addi %mul3A_425, %mul3A_427 : i32
            %jit3A_429 = arith.constant 2 : i32
            %eq3A_430 = arith.constant 0 : i32
            %eq3A_431 = arith.cmpi eq, %jit3A_429, %eq3A_430 : i32
            %jit3A_432 = arith.constant 1 : i32
            %select_n3A_433 = arith.select %eq3A_431, %jit3A_432, %jit3A_429 : i32
            %rem3A_434 = arith.remsi %add3A_423, %select_n3A_433 : i32
            %ne3A_435 = arith.constant 0 : i32
            %ne3A_436 = arith.cmpi ne, %rem3A_434, %ne3A_435 : i32
            %lt3A_437 = arith.constant 0 : i32
            %lt3A_438 = arith.cmpi slt, %rem3A_434, %lt3A_437 : i32
            %lt3A_439 = arith.constant 0 : i32
            %lt3A_440 = arith.cmpi slt, %select_n3A_433, %lt3A_439 : i32
            %ne3A_441 = arith.xori %lt3A_438, %lt3A_440 : i1
            %and3A_442 = arith.andi %ne3A_441, %ne3A_436 : i1
            %add3A_443 = arith.addi %rem3A_434, %select_n3A_433 : i32
            %select_n3A_444 = arith.select %and3A_442, %add3A_443, %rem3A_434 : i32
            %dma_start3A_445 = arith.constant 0 : i32
            %dma_start3A_446 = arith.constant 0 : i32
            %dma_start3A_447 = tpu.memref_slice %arg8[%select_n3A_444, %dma_start3A_445, %dma_start3A_446] : memref<2x8x125xi32, #tpu.memory_space<vmem>> -> memref<1x8x125xi32, #tpu.memory_space<vmem>>
            %dma_start3A_448 = tpu.memref_squeeze %dma_start3A_447 : memref<1x8x125xi32, #tpu.memory_space<vmem>> -> memref<8x125xi32, #tpu.memory_space<vmem>>
            %dma_start3A_449 = arith.constant 0 : i32
            %dma_start3A_450 = tpu.memref_slice %arg3[%add3A_428, %dma_start3A_449] : memref<2560x125xi32, #tpu.memory_space<hbm>> -> memref<8x125xi32, #tpu.memory_space<hbm>>
            %dma_start3A_451 = arith.constant 0 : i32
            %dma_start3A_452 = arith.constant 0 : i32
            %dma_start3A_453 = tpu.memref_slice %arg8[%select_n3A_444, %dma_start3A_451, %dma_start3A_452] : memref<2x8x125xi32, #tpu.memory_space<vmem>> -> memref<1x8x125xi32, #tpu.memory_space<vmem>>
            %dma_start3A_454 = tpu.memref_squeeze %dma_start3A_453 : memref<1x8x125xi32, #tpu.memory_space<vmem>> -> memref<8x125xi32, #tpu.memory_space<vmem>>
            %dma_start3A_455 = arith.constant 0 : i32
            %dma_start3A_456 = tpu.memref_slice %arg3[%add3A_428, %dma_start3A_455] : memref<2560x125xi32, #tpu.memory_space<hbm>> -> memref<8x125xi32, #tpu.memory_space<hbm>>
            tpu.enqueue_dma source(%dma_start3A_456 : memref<8x125xi32, #tpu.memory_space<hbm>>) target(%dma_start3A_454 : memref<8x125xi32, #tpu.memory_space<vmem>>) target_semaphore(%arg15 : memref<!tpu.dma_semaphore, #tpu.memory_space<semaphore_mem>>)
          } else {
          }
        } else {
        }
      } else {
      }
      %dma_wait3A_105 = arith.constant 0 : i32
      %dma_wait3A_106 = arith.constant 0 : i32
      %dma_wait3A_107 = arith.constant 0 : i32
      %dma_wait3A_108 = tpu.memref_slice %arg9[%dma_wait3A_105, %dma_wait3A_106, %dma_wait3A_107] : memref<2x125x128xf32, #tpu.memory_space<vmem>> -> memref<1x125x128xf32, #tpu.memory_space<vmem>>
      %dma_wait3A_109 = tpu.memref_squeeze %dma_wait3A_108 : memref<1x125x128xf32, #tpu.memory_space<vmem>> -> memref<125x128xf32, #tpu.memory_space<vmem>>
      %dma_wait3A_110 = arith.constant 0 : i32
      %dma_wait3A_111 = tpu.memref_slice %arg7[%add3A_101, %dma_wait3A_110] : memref<80x125xi32, #tpu.memory_space<vmem>> -> memref<1x125xi32, #tpu.memory_space<vmem>>
      %dma_wait3A_112 = tpu.memref_squeeze %dma_wait3A_111 : memref<1x125xi32, #tpu.memory_space<vmem>> -> memref<125xi32, #tpu.memory_space<vmem>>
      %dma_wait3A_113 = arith.constant 0 : i32
      %dma_wait3A_114 = arith.constant 0 : i32
      %dma_wait3A_115 = tpu.memref_slice %arg4[%dma_wait3A_113, %dma_wait3A_114] : memref<10000x128xf32, #tpu.memory_space<hbm>> -> memref<10000x128xf32, #tpu.memory_space<hbm>>
      tpu.wait_indirect_dma semaphore(%arg11 : memref<!tpu.dma_semaphore, #tpu.memory_space<semaphore_mem>>) src(%dma_wait3A_115 : memref<10000x128xf32, #tpu.memory_space<hbm>>) dst(%dma_wait3A_109 : memref<125x128xf32, #tpu.memory_space<vmem>>)
      %jit3A = arith.constant 8 : i32
      %div3A = arith.divsi %add3A_101, %jit3A : i32
      %sign3A = arith.constant 0 : i32
      %sign3A_116 = arith.cmpi sgt, %add3A_101, %sign3A : i32
      %sign3A_117 = arith.extui %sign3A_116 : i1 to i32
      %sign3A_118 = arith.constant 0 : i32
      %sign3A_119 = arith.cmpi slt, %add3A_101, %sign3A_118 : i32
      %sign3A_120 = arith.extui %sign3A_119 : i1 to i32
      %sign3A_121 = arith.subi %sign3A_117, %sign3A_120 : i32
      %sign3A_122 = arith.constant 0 : i32
      %sign3A_123 = arith.cmpi sgt, %jit3A, %sign3A_122 : i32
      %sign3A_124 = arith.extui %sign3A_123 : i1 to i32
      %sign3A_125 = arith.constant 0 : i32
      %sign3A_126 = arith.cmpi slt, %jit3A, %sign3A_125 : i32
      %sign3A_127 = arith.extui %sign3A_126 : i1 to i32
      %sign3A_128 = arith.subi %sign3A_124, %sign3A_127 : i32
      %ne3A = arith.cmpi ne, %sign3A_121, %sign3A_128 : i32
      %rem3A = arith.remsi %add3A_101, %jit3A : i32
      %ne3A_129 = arith.constant 0 : i32
      %ne3A_130 = arith.cmpi ne, %rem3A, %ne3A_129 : i32
      %and3A = arith.andi %ne3A, %ne3A_130 : i1
      %sub3A_131 = arith.constant 1 : i32
      %sub3A_132 = arith.subi %div3A, %sub3A_131 : i32
      %select_n3A = arith.select %and3A, %sub3A_132, %div3A : i32
      %jit3A_133 = arith.constant 2 : i32
      %eq3A = arith.constant 0 : i32
      %eq3A_134 = arith.cmpi eq, %jit3A_133, %eq3A : i32
      %jit3A_135 = arith.constant 1 : i32
      %select_n3A_136 = arith.select %eq3A_134, %jit3A_135, %jit3A_133 : i32
      %rem3A_137 = arith.remsi %select_n3A, %select_n3A_136 : i32
      %ne3A_138 = arith.constant 0 : i32
      %ne3A_139 = arith.cmpi ne, %rem3A_137, %ne3A_138 : i32
      %lt3A = arith.constant 0 : i32
      %lt3A_140 = arith.cmpi slt, %rem3A_137, %lt3A : i32
      %lt3A_141 = arith.constant 0 : i32
      %lt3A_142 = arith.cmpi slt, %select_n3A_136, %lt3A_141 : i32
      %ne3A_143 = arith.xori %lt3A_140, %lt3A_142 : i1
      %and3A_144 = arith.andi %ne3A_143, %ne3A_139 : i1
      %add3A_145 = arith.addi %rem3A_137, %select_n3A_136 : i32
      %select_n3A_146 = arith.select %and3A_144, %add3A_145, %rem3A_137 : i32
      %jit3A_147 = arith.constant 8 : i32
      %eq3A_148 = arith.constant 0 : i32
      %eq3A_149 = arith.cmpi eq, %jit3A_147, %eq3A_148 : i32
      %jit3A_150 = arith.constant 1 : i32
      %select_n3A_151 = arith.select %eq3A_149, %jit3A_150, %jit3A_147 : i32
      %rem3A_152 = arith.remsi %add3A_101, %select_n3A_151 : i32
      %ne3A_153 = arith.constant 0 : i32
      %ne3A_154 = arith.cmpi ne, %rem3A_152, %ne3A_153 : i32
      %lt3A_155 = arith.constant 0 : i32
      %lt3A_156 = arith.cmpi slt, %rem3A_152, %lt3A_155 : i32
      %lt3A_157 = arith.constant 0 : i32
      %lt3A_158 = arith.cmpi slt, %select_n3A_151, %lt3A_157 : i32
      %ne3A_159 = arith.xori %lt3A_156, %lt3A_158 : i1
      %and3A_160 = arith.andi %ne3A_159, %ne3A_154 : i1
      %add3A_161 = arith.addi %rem3A_152, %select_n3A_151 : i32
      %select_n3A_162 = arith.select %and3A_160, %add3A_161, %rem3A_152 : i32
      %dma_start3A_163 = arith.constant 0 : i32
      %dma_start3A_164 = arith.constant 0 : i32
      %dma_start3A_165 = arith.constant 0 : i32
      %dma_start3A_166 = tpu.memref_slice %arg9[%dma_start3A_163, %dma_start3A_164, %dma_start3A_165] : memref<2x125x128xf32, #tpu.memory_space<vmem>> -> memref<1x125x128xf32, #tpu.memory_space<vmem>>
      %dma_start3A_167 = tpu.memref_squeeze %dma_start3A_166 : memref<1x125x128xf32, #tpu.memory_space<vmem>> -> memref<125x128xf32, #tpu.memory_space<vmem>>
      %dma_start3A_168 = arith.constant 0 : i32
      %dma_start3A_169 = tpu.memref_slice %arg8[%select_n3A_146, %select_n3A_162, %dma_start3A_168] : memref<2x8x125xi32, #tpu.memory_space<vmem>> -> memref<1x1x125xi32, #tpu.memory_space<vmem>>
      %dma_start3A_170 = tpu.memref_squeeze %dma_start3A_169 : memref<1x1x125xi32, #tpu.memory_space<vmem>> -> memref<125xi32, #tpu.memory_space<vmem>>
      %dma_start3A_171 = arith.constant 0 : i32
      %dma_start3A_172 = arith.constant 0 : i32
      %dma_start3A_173 = tpu.memref_slice %arg10[%dma_start3A_171, %dma_start3A_172] : memref<10112x128xf32, #tpu.memory_space<vmem_shared>> -> memref<10112x128xf32, #tpu.memory_space<vmem_shared>>
      tpu.enqueue_indirect_dma source(%dma_start3A_167 : memref<125x128xf32, #tpu.memory_space<vmem>>) target(%dma_start3A_173 : memref<10112x128xf32, #tpu.memory_space<vmem_shared>>) offsets(%dma_start3A_170 : memref<125xi32, #tpu.memory_space<vmem>>) semaphore(%arg13 : memref<!tpu.dma_semaphore, #tpu.memory_space<semaphore_mem>>) {add = true}
      %mul3A_174 = arith.constant 2 : i32
      %mul3A_175 = arith.muli %scan3A_97, %mul3A_174 : i32
      %add3A_176 = arith.constant 1 : i32
      %add3A_177 = arith.addi %mul3A_175, %add3A_176 : i32
      %sub3A_178 = arith.constant 1 : i32
      %sub3A_179 = arith.subi %add3A_177, %sub3A_178 : i32
      %ge3A_180 = arith.constant 0 : i32
      %ge3A_181 = arith.cmpi sge, %sub3A_179, %ge3A_180 : i32
      %convert_element_type3A_182 = arith.extui %ge3A_181 : i1 to i32
      %cond3A_183 = arith.constant 0 : i32
      %cond3A_184 = arith.cmpi ne, %convert_element_type3A_182, %cond3A_183 : i32
      scf.if %cond3A_184 {
        %jit3A_263 = arith.constant 8 : i32
        %div3A_264 = arith.divsi %sub3A_179, %jit3A_263 : i32
        %sign3A_265 = arith.constant 0 : i32
        %sign3A_266 = arith.cmpi sgt, %sub3A_179, %sign3A_265 : i32
        %sign3A_267 = arith.extui %sign3A_266 : i1 to i32
        %sign3A_268 = arith.constant 0 : i32
        %sign3A_269 = arith.cmpi slt, %sub3A_179, %sign3A_268 : i32
        %sign3A_270 = arith.extui %sign3A_269 : i1 to i32
        %sign3A_271 = arith.subi %sign3A_267, %sign3A_270 : i32
        %sign3A_272 = arith.constant 0 : i32
        %sign3A_273 = arith.cmpi sgt, %jit3A_263, %sign3A_272 : i32
        %sign3A_274 = arith.extui %sign3A_273 : i1 to i32
        %sign3A_275 = arith.constant 0 : i32
        %sign3A_276 = arith.cmpi slt, %jit3A_263, %sign3A_275 : i32
        %sign3A_277 = arith.extui %sign3A_276 : i1 to i32
        %sign3A_278 = arith.subi %sign3A_274, %sign3A_277 : i32
        %ne3A_279 = arith.cmpi ne, %sign3A_271, %sign3A_278 : i32
        %rem3A_280 = arith.remsi %sub3A_179, %jit3A_263 : i32
        %ne3A_281 = arith.constant 0 : i32
        %ne3A_282 = arith.cmpi ne, %rem3A_280, %ne3A_281 : i32
        %and3A_283 = arith.andi %ne3A_279, %ne3A_282 : i1
        %sub3A_284 = arith.constant 1 : i32
        %sub3A_285 = arith.subi %div3A_264, %sub3A_284 : i32
        %select_n3A_286 = arith.select %and3A_283, %sub3A_285, %div3A_264 : i32
        %jit3A_287 = arith.constant 2 : i32
        %eq3A_288 = arith.constant 0 : i32
        %eq3A_289 = arith.cmpi eq, %jit3A_287, %eq3A_288 : i32
        %jit3A_290 = arith.constant 1 : i32
        %select_n3A_291 = arith.select %eq3A_289, %jit3A_290, %jit3A_287 : i32
        %rem3A_292 = arith.remsi %select_n3A_286, %select_n3A_291 : i32
        %ne3A_293 = arith.constant 0 : i32
        %ne3A_294 = arith.cmpi ne, %rem3A_292, %ne3A_293 : i32
        %lt3A_295 = arith.constant 0 : i32
        %lt3A_296 = arith.cmpi slt, %rem3A_292, %lt3A_295 : i32
        %lt3A_297 = arith.constant 0 : i32
        %lt3A_298 = arith.cmpi slt, %select_n3A_291, %lt3A_297 : i32
        %ne3A_299 = arith.xori %lt3A_296, %lt3A_298 : i1
        %and3A_300 = arith.andi %ne3A_299, %ne3A_294 : i1
        %add3A_301 = arith.addi %rem3A_292, %select_n3A_291 : i32
        %select_n3A_302 = arith.select %and3A_300, %add3A_301, %rem3A_292 : i32
        %jit3A_303 = arith.constant 8 : i32
        %eq3A_304 = arith.constant 0 : i32
        %eq3A_305 = arith.cmpi eq, %jit3A_303, %eq3A_304 : i32
        %jit3A_306 = arith.constant 1 : i32
        %select_n3A_307 = arith.select %eq3A_305, %jit3A_306, %jit3A_303 : i32
        %rem3A_308 = arith.remsi %sub3A_179, %select_n3A_307 : i32
        %ne3A_309 = arith.constant 0 : i32
        %ne3A_310 = arith.cmpi ne, %rem3A_308, %ne3A_309 : i32
        %lt3A_311 = arith.constant 0 : i32
        %lt3A_312 = arith.cmpi slt, %rem3A_308, %lt3A_311 : i32
        %lt3A_313 = arith.constant 0 : i32
        %lt3A_314 = arith.cmpi slt, %select_n3A_307, %lt3A_313 : i32
        %ne3A_315 = arith.xori %lt3A_312, %lt3A_314 : i1
        %and3A_316 = arith.andi %ne3A_315, %ne3A_310 : i1
        %add3A_317 = arith.addi %rem3A_308, %select_n3A_307 : i32
        %select_n3A_318 = arith.select %and3A_316, %add3A_317, %rem3A_308 : i32
        %dma_wait3A_319 = arith.constant 0 : i32
        %dma_wait3A_320 = arith.constant 0 : i32
        %dma_wait3A_321 = arith.constant 0 : i32
        %dma_wait3A_322 = tpu.memref_slice %arg9[%dma_wait3A_319, %dma_wait3A_320, %dma_wait3A_321] : memref<2x125x128xf32, #tpu.memory_space<vmem>> -> memref<1x125x128xf32, #tpu.memory_space<vmem>>
        %dma_wait3A_323 = tpu.memref_squeeze %dma_wait3A_322 : memref<1x125x128xf32, #tpu.memory_space<vmem>> -> memref<125x128xf32, #tpu.memory_space<vmem>>
        %dma_wait3A_324 = arith.constant 0 : i32
        %dma_wait3A_325 = tpu.memref_slice %arg8[%select_n3A_302, %select_n3A_318, %dma_wait3A_324] : memref<2x8x125xi32, #tpu.memory_space<vmem>> -> memref<1x1x125xi32, #tpu.memory_space<vmem>>
        %dma_wait3A_326 = tpu.memref_squeeze %dma_wait3A_325 : memref<1x1x125xi32, #tpu.memory_space<vmem>> -> memref<125xi32, #tpu.memory_space<vmem>>
        %dma_wait3A_327 = arith.constant 0 : i32
        %dma_wait3A_328 = arith.constant 0 : i32
        %dma_wait3A_329 = tpu.memref_slice %arg10[%dma_wait3A_327, %dma_wait3A_328] : memref<10112x128xf32, #tpu.memory_space<vmem_shared>> -> memref<10112x128xf32, #tpu.memory_space<vmem_shared>>
        tpu.wait_indirect_dma semaphore(%arg13 : memref<!tpu.dma_semaphore, #tpu.memory_space<semaphore_mem>>) src(%dma_wait3A_323 : memref<125x128xf32, #tpu.memory_space<vmem>>) dst(%dma_wait3A_329 : memref<10112x128xf32, #tpu.memory_space<vmem_shared>>)
        %add3A_330 = arith.constant 2 : i32
        %add3A_331 = arith.addi %sub3A_179, %add3A_330 : i32
        %lt3A_332 = arith.constant 80 : i32
        %lt3A_333 = arith.cmpi slt, %add3A_331, %lt3A_332 : i32
        %convert_element_type3A_334 = arith.extui %lt3A_333 : i1 to i32
        %cond3A_335 = arith.constant 0 : i32
        %cond3A_336 = arith.cmpi ne, %convert_element_type3A_334, %cond3A_335 : i32
        scf.if %cond3A_336 {
          %dma_start3A_382 = arith.constant 0 : i32
          %dma_start3A_383 = arith.constant 0 : i32
          %dma_start3A_384 = arith.constant 0 : i32
          %dma_start3A_385 = tpu.memref_slice %arg9[%dma_start3A_382, %dma_start3A_383, %dma_start3A_384] : memref<2x125x128xf32, #tpu.memory_space<vmem>> -> memref<1x125x128xf32, #tpu.memory_space<vmem>>
          %dma_start3A_386 = tpu.memref_squeeze %dma_start3A_385 : memref<1x125x128xf32, #tpu.memory_space<vmem>> -> memref<125x128xf32, #tpu.memory_space<vmem>>
          %dma_start3A_387 = arith.constant 0 : i32
          %dma_start3A_388 = tpu.memref_slice %arg7[%add3A_331, %dma_start3A_387] : memref<80x125xi32, #tpu.memory_space<vmem>> -> memref<1x125xi32, #tpu.memory_space<vmem>>
          %dma_start3A_389 = tpu.memref_squeeze %dma_start3A_388 : memref<1x125xi32, #tpu.memory_space<vmem>> -> memref<125xi32, #tpu.memory_space<vmem>>
          %dma_start3A_390 = arith.constant 0 : i32
          %dma_start3A_391 = arith.constant 0 : i32
          %dma_start3A_392 = tpu.memref_slice %arg4[%dma_start3A_390, %dma_start3A_391] : memref<10000x128xf32, #tpu.memory_space<hbm>> -> memref<10000x128xf32, #tpu.memory_space<hbm>>
          tpu.enqueue_indirect_dma source(%dma_start3A_392 : memref<10000x128xf32, #tpu.memory_space<hbm>>) target(%dma_start3A_386 : memref<125x128xf32, #tpu.memory_space<vmem>>) offsets(%dma_start3A_389 : memref<125xi32, #tpu.memory_space<vmem>>) semaphore(%arg11 : memref<!tpu.dma_semaphore, #tpu.memory_space<semaphore_mem>>)
        } else {
        }
        %jit3A_337 = arith.constant 8 : i32
        %div3A_338 = arith.divsi %add3A_177, %jit3A_337 : i32
        %sign3A_339 = arith.constant 0 : i32
        %sign3A_340 = arith.cmpi sgt, %add3A_177, %sign3A_339 : i32
        %sign3A_341 = arith.extui %sign3A_340 : i1 to i32
        %sign3A_342 = arith.constant 0 : i32
        %sign3A_343 = arith.cmpi slt, %add3A_177, %sign3A_342 : i32
        %sign3A_344 = arith.extui %sign3A_343 : i1 to i32
        %sign3A_345 = arith.subi %sign3A_341, %sign3A_344 : i32
        %sign3A_346 = arith.constant 0 : i32
        %sign3A_347 = arith.cmpi sgt, %jit3A_337, %sign3A_346 : i32
        %sign3A_348 = arith.extui %sign3A_347 : i1 to i32
        %sign3A_349 = arith.constant 0 : i32
        %sign3A_350 = arith.cmpi slt, %jit3A_337, %sign3A_349 : i32
        %sign3A_351 = arith.extui %sign3A_350 : i1 to i32
        %sign3A_352 = arith.subi %sign3A_348, %sign3A_351 : i32
        %ne3A_353 = arith.cmpi ne, %sign3A_345, %sign3A_352 : i32
        %rem3A_354 = arith.remsi %add3A_177, %jit3A_337 : i32
        %ne3A_355 = arith.constant 0 : i32
        %ne3A_356 = arith.cmpi ne, %rem3A_354, %ne3A_355 : i32
        %and3A_357 = arith.andi %ne3A_353, %ne3A_356 : i1
        %sub3A_358 = arith.constant 1 : i32
        %sub3A_359 = arith.subi %div3A_338, %sub3A_358 : i32
        %select_n3A_360 = arith.select %and3A_357, %sub3A_359, %div3A_338 : i32
        %jit3A_361 = arith.constant 8 : i32
        %eq3A_362 = arith.constant 0 : i32
        %eq3A_363 = arith.cmpi eq, %jit3A_361, %eq3A_362 : i32
        %jit3A_364 = arith.constant 1 : i32
        %select_n3A_365 = arith.select %eq3A_363, %jit3A_364, %jit3A_361 : i32
        %rem3A_366 = arith.remsi %add3A_177, %select_n3A_365 : i32
        %ne3A_367 = arith.constant 0 : i32
        %ne3A_368 = arith.cmpi ne, %rem3A_366, %ne3A_367 : i32
        %lt3A_369 = arith.constant 0 : i32
        %lt3A_370 = arith.cmpi slt, %rem3A_366, %lt3A_369 : i32
        %lt3A_371 = arith.constant 0 : i32
        %lt3A_372 = arith.cmpi slt, %select_n3A_365, %lt3A_371 : i32
        %ne3A_373 = arith.xori %lt3A_370, %lt3A_372 : i1
        %and3A_374 = arith.andi %ne3A_373, %ne3A_368 : i1
        %add3A_375 = arith.addi %rem3A_366, %select_n3A_365 : i32
        %select_n3A_376 = arith.select %and3A_374, %add3A_375, %rem3A_366 : i32
        %eq3A_377 = arith.constant 0 : i32
        %eq3A_378 = arith.cmpi eq, %select_n3A_376, %eq3A_377 : i32
        %convert_element_type3A_379 = arith.extui %eq3A_378 : i1 to i32
        %cond3A_380 = arith.constant 0 : i32
        %cond3A_381 = arith.cmpi ne, %convert_element_type3A_379, %cond3A_380 : i32
        scf.if %cond3A_381 {
          %mul3A_382 = arith.constant 80 : i32
          %mul3A_383 = arith.muli %add3A, %mul3A_382 : i32
          %mul3A_384 = arith.constant 8 : i32
          %mul3A_385 = arith.muli %select_n3A_360, %mul3A_384 : i32
          %add3A_386 = arith.addi %mul3A_383, %mul3A_385 : i32
          %jit3A_387 = arith.constant 2 : i32
          %eq3A_388 = arith.constant 0 : i32
          %eq3A_389 = arith.cmpi eq, %jit3A_387, %eq3A_388 : i32
          %jit3A_390 = arith.constant 1 : i32
          %select_n3A_391 = arith.select %eq3A_389, %jit3A_390, %jit3A_387 : i32
          %rem3A_392 = arith.remsi %select_n3A_360, %select_n3A_391 : i32
          %ne3A_393 = arith.constant 0 : i32
          %ne3A_394 = arith.cmpi ne, %rem3A_392, %ne3A_393 : i32
          %lt3A_395 = arith.constant 0 : i32
          %lt3A_396 = arith.cmpi slt, %rem3A_392, %lt3A_395 : i32
          %lt3A_397 = arith.constant 0 : i32
          %lt3A_398 = arith.cmpi slt, %select_n3A_391, %lt3A_397 : i32
          %ne3A_399 = arith.xori %lt3A_396, %lt3A_398 : i1
          %and3A_400 = arith.andi %ne3A_399, %ne3A_394 : i1
          %add3A_401 = arith.addi %rem3A_392, %select_n3A_391 : i32
          %select_n3A_402 = arith.select %and3A_400, %add3A_401, %rem3A_392 : i32
          %dma_wait3A_403 = arith.constant 0 : i32
          %dma_wait3A_404 = arith.constant 0 : i32
          %dma_wait3A_405 = tpu.memref_slice %arg8[%select_n3A_402, %dma_wait3A_403, %dma_wait3A_404] : memref<2x8x125xi32, #tpu.memory_space<vmem>> -> memref<1x8x125xi32, #tpu.memory_space<vmem>>
          %dma_wait3A_406 = tpu.memref_squeeze %dma_wait3A_405 : memref<1x8x125xi32, #tpu.memory_space<vmem>> -> memref<8x125xi32, #tpu.memory_space<vmem>>
          %dma_wait3A_407 = arith.constant 0 : i32
          %dma_wait3A_408 = tpu.memref_slice %arg3[%add3A_386, %dma_wait3A_407] : memref<2560x125xi32, #tpu.memory_space<hbm>> -> memref<8x125xi32, #tpu.memory_space<hbm>>
          %dma_wait3A_409 = arith.constant 0 : i32
          %dma_wait3A_410 = arith.constant 0 : i32
          %dma_wait3A_411 = tpu.memref_slice %arg8[%select_n3A_402, %dma_wait3A_409, %dma_wait3A_410] : memref<2x8x125xi32, #tpu.memory_space<vmem>> -> memref<1x8x125xi32, #tpu.memory_space<vmem>>
          %dma_wait3A_412 = tpu.memref_squeeze %dma_wait3A_411 : memref<1x8x125xi32, #tpu.memory_space<vmem>> -> memref<8x125xi32, #tpu.memory_space<vmem>>
          %dma_wait3A_413 = arith.constant 0 : i32
          %dma_wait3A_414 = tpu.memref_slice %arg3[%add3A_386, %dma_wait3A_413] : memref<2560x125xi32, #tpu.memory_space<hbm>> -> memref<8x125xi32, #tpu.memory_space<hbm>>
          tpu.wait_dma2 semaphore(%arg15 : memref<!tpu.dma_semaphore, #tpu.memory_space<semaphore_mem>>) src(%dma_wait3A_414 : memref<8x125xi32, #tpu.memory_space<hbm>>) dst(%dma_wait3A_412 : memref<8x125xi32, #tpu.memory_space<vmem>>)
          %add3A_415 = arith.constant 1 : i32
          %add3A_416 = arith.addi %select_n3A_360, %add3A_415 : i32
          %lt3A_417 = arith.constant 10 : i32
          %lt3A_418 = arith.cmpi slt, %add3A_416, %lt3A_417 : i32
          %convert_element_type3A_419 = arith.extui %lt3A_418 : i1 to i32
          %cond3A_420 = arith.constant 0 : i32
          %cond3A_421 = arith.cmpi ne, %convert_element_type3A_419, %cond3A_420 : i32
          scf.if %cond3A_421 {
            %add3A_422 = arith.constant 1 : i32
            %add3A_423 = arith.addi %select_n3A_360, %add3A_422 : i32
            %mul3A_424 = arith.constant 80 : i32
            %mul3A_425 = arith.muli %add3A, %mul3A_424 : i32
            %mul3A_426 = arith.constant 8 : i32
            %mul3A_427 = arith.muli %add3A_423, %mul3A_426 : i32
            %add3A_428 = arith.addi %mul3A_425, %mul3A_427 : i32
            %jit3A_429 = arith.constant 2 : i32
            %eq3A_430 = arith.constant 0 : i32
            %eq3A_431 = arith.cmpi eq, %jit3A_429, %eq3A_430 : i32
            %jit3A_432 = arith.constant 1 : i32
            %select_n3A_433 = arith.select %eq3A_431, %jit3A_432, %jit3A_429 : i32
            %rem3A_434 = arith.remsi %add3A_423, %select_n3A_433 : i32
            %ne3A_435 = arith.constant 0 : i32
            %ne3A_436 = arith.cmpi ne, %rem3A_434, %ne3A_435 : i32
            %lt3A_437 = arith.constant 0 : i32
            %lt3A_438 = arith.cmpi slt, %rem3A_434, %lt3A_437 : i32
            %lt3A_439 = arith.constant 0 : i32
            %lt3A_440 = arith.cmpi slt, %select_n3A_433, %lt3A_439 : i32
            %ne3A_441 = arith.xori %lt3A_438, %lt3A_440 : i1
            %and3A_442 = arith.andi %ne3A_441, %ne3A_436 : i1
            %add3A_443 = arith.addi %rem3A_434, %select_n3A_433 : i32
            %select_n3A_444 = arith.select %and3A_442, %add3A_443, %rem3A_434 : i32
            %dma_start3A_445 = arith.constant 0 : i32
            %dma_start3A_446 = arith.constant 0 : i32
            %dma_start3A_447 = tpu.memref_slice %arg8[%select_n3A_444, %dma_start3A_445, %dma_start3A_446] : memref<2x8x125xi32, #tpu.memory_space<vmem>> -> memref<1x8x125xi32, #tpu.memory_space<vmem>>
            %dma_start3A_448 = tpu.memref_squeeze %dma_start3A_447 : memref<1x8x125xi32, #tpu.memory_space<vmem>> -> memref<8x125xi32, #tpu.memory_space<vmem>>
            %dma_start3A_449 = arith.constant 0 : i32
            %dma_start3A_450 = tpu.memref_slice %arg3[%add3A_428, %dma_start3A_449] : memref<2560x125xi32, #tpu.memory_space<hbm>> -> memref<8x125xi32, #tpu.memory_space<hbm>>
            %dma_start3A_451 = arith.constant 0 : i32
            %dma_start3A_452 = arith.constant 0 : i32
            %dma_start3A_453 = tpu.memref_slice %arg8[%select_n3A_444, %dma_start3A_451, %dma_start3A_452] : memref<2x8x125xi32, #tpu.memory_space<vmem>> -> memref<1x8x125xi32, #tpu.memory_space<vmem>>
            %dma_start3A_454 = tpu.memref_squeeze %dma_start3A_453 : memref<1x8x125xi32, #tpu.memory_space<vmem>> -> memref<8x125xi32, #tpu.memory_space<vmem>>
            %dma_start3A_455 = arith.constant 0 : i32
            %dma_start3A_456 = tpu.memref_slice %arg3[%add3A_428, %dma_start3A_455] : memref<2560x125xi32, #tpu.memory_space<hbm>> -> memref<8x125xi32, #tpu.memory_space<hbm>>
            tpu.enqueue_dma source(%dma_start3A_456 : memref<8x125xi32, #tpu.memory_space<hbm>>) target(%dma_start3A_454 : memref<8x125xi32, #tpu.memory_space<vmem>>) target_semaphore(%arg15 : memref<!tpu.dma_semaphore, #tpu.memory_space<semaphore_mem>>)
          } else {
          }
        } else {
        }
      } else {
      }
      %dma_wait3A_185 = arith.constant 1 : i32
      %dma_wait3A_186 = arith.constant 0 : i32
      %dma_wait3A_187 = arith.constant 0 : i32
      %dma_wait3A_188 = tpu.memref_slice %arg9[%dma_wait3A_185, %dma_wait3A_186, %dma_wait3A_187] : memref<2x125x128xf32, #tpu.memory_space<vmem>> -> memref<1x125x128xf32, #tpu.memory_space<vmem>>
      %dma_wait3A_189 = tpu.memref_squeeze %dma_wait3A_188 : memref<1x125x128xf32, #tpu.memory_space<vmem>> -> memref<125x128xf32, #tpu.memory_space<vmem>>
      %dma_wait3A_190 = arith.constant 0 : i32
      %dma_wait3A_191 = tpu.memref_slice %arg7[%add3A_177, %dma_wait3A_190] : memref<80x125xi32, #tpu.memory_space<vmem>> -> memref<1x125xi32, #tpu.memory_space<vmem>>
      %dma_wait3A_192 = tpu.memref_squeeze %dma_wait3A_191 : memref<1x125xi32, #tpu.memory_space<vmem>> -> memref<125xi32, #tpu.memory_space<vmem>>
      %dma_wait3A_193 = arith.constant 0 : i32
      %dma_wait3A_194 = arith.constant 0 : i32
      %dma_wait3A_195 = tpu.memref_slice %arg4[%dma_wait3A_193, %dma_wait3A_194] : memref<10000x128xf32, #tpu.memory_space<hbm>> -> memref<10000x128xf32, #tpu.memory_space<hbm>>
      tpu.wait_indirect_dma semaphore(%arg12 : memref<!tpu.dma_semaphore, #tpu.memory_space<semaphore_mem>>) src(%dma_wait3A_195 : memref<10000x128xf32, #tpu.memory_space<hbm>>) dst(%dma_wait3A_189 : memref<125x128xf32, #tpu.memory_space<vmem>>)
      %jit3A_196 = arith.constant 8 : i32
      %div3A_197 = arith.divsi %add3A_177, %jit3A_196 : i32
      %sign3A_198 = arith.constant 0 : i32
      %sign3A_199 = arith.cmpi sgt, %add3A_177, %sign3A_198 : i32
      %sign3A_200 = arith.extui %sign3A_199 : i1 to i32
      %sign3A_201 = arith.constant 0 : i32
      %sign3A_202 = arith.cmpi slt, %add3A_177, %sign3A_201 : i32
      %sign3A_203 = arith.extui %sign3A_202 : i1 to i32
      %sign3A_204 = arith.subi %sign3A_200, %sign3A_203 : i32
      %sign3A_205 = arith.constant 0 : i32
      %sign3A_206 = arith.cmpi sgt, %jit3A_196, %sign3A_205 : i32
      %sign3A_207 = arith.extui %sign3A_206 : i1 to i32
      %sign3A_208 = arith.constant 0 : i32
      %sign3A_209 = arith.cmpi slt, %jit3A_196, %sign3A_208 : i32
      %sign3A_210 = arith.extui %sign3A_209 : i1 to i32
      %sign3A_211 = arith.subi %sign3A_207, %sign3A_210 : i32
      %ne3A_212 = arith.cmpi ne, %sign3A_204, %sign3A_211 : i32
      %rem3A_213 = arith.remsi %add3A_177, %jit3A_196 : i32
      %ne3A_214 = arith.constant 0 : i32
      %ne3A_215 = arith.cmpi ne, %rem3A_213, %ne3A_214 : i32
      %and3A_216 = arith.andi %ne3A_212, %ne3A_215 : i1
      %sub3A_217 = arith.constant 1 : i32
      %sub3A_218 = arith.subi %div3A_197, %sub3A_217 : i32
      %select_n3A_219 = arith.select %and3A_216, %sub3A_218, %div3A_197 : i32
      %jit3A_220 = arith.constant 2 : i32
      %eq3A_221 = arith.constant 0 : i32
      %eq3A_222 = arith.cmpi eq, %jit3A_220, %eq3A_221 : i32
      %jit3A_223 = arith.constant 1 : i32
      %select_n3A_224 = arith.select %eq3A_222, %jit3A_223, %jit3A_220 : i32
      %rem3A_225 = arith.remsi %select_n3A_219, %select_n3A_224 : i32
      %ne3A_226 = arith.constant 0 : i32
      %ne3A_227 = arith.cmpi ne, %rem3A_225, %ne3A_226 : i32
      %lt3A_228 = arith.constant 0 : i32
      %lt3A_229 = arith.cmpi slt, %rem3A_225, %lt3A_228 : i32
      %lt3A_230 = arith.constant 0 : i32
      %lt3A_231 = arith.cmpi slt, %select_n3A_224, %lt3A_230 : i32
      %ne3A_232 = arith.xori %lt3A_229, %lt3A_231 : i1
      %and3A_233 = arith.andi %ne3A_232, %ne3A_227 : i1
      %add3A_234 = arith.addi %rem3A_225, %select_n3A_224 : i32
      %select_n3A_235 = arith.select %and3A_233, %add3A_234, %rem3A_225 : i32
      %jit3A_236 = arith.constant 8 : i32
      %eq3A_237 = arith.constant 0 : i32
      %eq3A_238 = arith.cmpi eq, %jit3A_236, %eq3A_237 : i32
      %jit3A_239 = arith.constant 1 : i32
      %select_n3A_240 = arith.select %eq3A_238, %jit3A_239, %jit3A_236 : i32
      %rem3A_241 = arith.remsi %add3A_177, %select_n3A_240 : i32
      %ne3A_242 = arith.constant 0 : i32
      %ne3A_243 = arith.cmpi ne, %rem3A_241, %ne3A_242 : i32
      %lt3A_244 = arith.constant 0 : i32
      %lt3A_245 = arith.cmpi slt, %rem3A_241, %lt3A_244 : i32
      %lt3A_246 = arith.constant 0 : i32
      %lt3A_247 = arith.cmpi slt, %select_n3A_240, %lt3A_246 : i32
      %ne3A_248 = arith.xori %lt3A_245, %lt3A_247 : i1
      %and3A_249 = arith.andi %ne3A_248, %ne3A_243 : i1
      %add3A_250 = arith.addi %rem3A_241, %select_n3A_240 : i32
      %select_n3A_251 = arith.select %and3A_249, %add3A_250, %rem3A_241 : i32
      %dma_start3A_252 = arith.constant 1 : i32
      %dma_start3A_253 = arith.constant 0 : i32
      %dma_start3A_254 = arith.constant 0 : i32
      %dma_start3A_255 = tpu.memref_slice %arg9[%dma_start3A_252, %dma_start3A_253, %dma_start3A_254] : memref<2x125x128xf32, #tpu.memory_space<vmem>> -> memref<1x125x128xf32, #tpu.memory_space<vmem>>
      %dma_start3A_256 = tpu.memref_squeeze %dma_start3A_255 : memref<1x125x128xf32, #tpu.memory_space<vmem>> -> memref<125x128xf32, #tpu.memory_space<vmem>>
      %dma_start3A_257 = arith.constant 0 : i32
      %dma_start3A_258 = tpu.memref_slice %arg8[%select_n3A_235, %select_n3A_251, %dma_start3A_257] : memref<2x8x125xi32, #tpu.memory_space<vmem>> -> memref<1x1x125xi32, #tpu.memory_space<vmem>>
      %dma_start3A_259 = tpu.memref_squeeze %dma_start3A_258 : memref<1x1x125xi32, #tpu.memory_space<vmem>> -> memref<125xi32, #tpu.memory_space<vmem>>
      %dma_start3A_260 = arith.constant 0 : i32
      %dma_start3A_261 = arith.constant 0 : i32
      %dma_start3A_262 = tpu.memref_slice %arg10[%dma_start3A_260, %dma_start3A_261] : memref<10112x128xf32, #tpu.memory_space<vmem_shared>> -> memref<10112x128xf32, #tpu.memory_space<vmem_shared>>
      tpu.enqueue_indirect_dma source(%dma_start3A_256 : memref<125x128xf32, #tpu.memory_space<vmem>>) target(%dma_start3A_262 : memref<10112x128xf32, #tpu.memory_space<vmem_shared>>) offsets(%dma_start3A_259 : memref<125xi32, #tpu.memory_space<vmem>>) semaphore(%arg14 : memref<!tpu.dma_semaphore, #tpu.memory_space<semaphore_mem>>) {add = true}
    }
    %scan3A_82 = arith.constant 40 : i32
    %dma_wait3A_83 = arith.constant 1 : i32
    %dma_wait3A_84 = arith.constant 1 : i32
    %dma_wait3A_85 = arith.constant 7 : i32
    %dma_wait3A_86 = arith.constant 0 : i32
    %dma_wait3A_87 = arith.constant 0 : i32
    %dma_wait3A_88 = tpu.memref_slice %arg9[%dma_wait3A_83, %dma_wait3A_86, %dma_wait3A_87] : memref<2x125x128xf32, #tpu.memory_space<vmem>> -> memref<1x125x128xf32, #tpu.memory_space<vmem>>
    %dma_wait3A_89 = tpu.memref_squeeze %dma_wait3A_88 : memref<1x125x128xf32, #tpu.memory_space<vmem>> -> memref<125x128xf32, #tpu.memory_space<vmem>>
    %dma_wait3A_90 = arith.constant 0 : i32
    %dma_wait3A_91 = tpu.memref_slice %arg8[%dma_wait3A_84, %dma_wait3A_85, %dma_wait3A_90] : memref<2x8x125xi32, #tpu.memory_space<vmem>> -> memref<1x1x125xi32, #tpu.memory_space<vmem>>
    %dma_wait3A_92 = tpu.memref_squeeze %dma_wait3A_91 : memref<1x1x125xi32, #tpu.memory_space<vmem>> -> memref<125xi32, #tpu.memory_space<vmem>>
    %dma_wait3A_93 = arith.constant 0 : i32
    %dma_wait3A_94 = arith.constant 0 : i32
    %dma_wait3A_95 = tpu.memref_slice %arg10[%dma_wait3A_93, %dma_wait3A_94] : memref<10112x128xf32, #tpu.memory_space<vmem_shared>> -> memref<10112x128xf32, #tpu.memory_space<vmem_shared>>
    tpu.wait_indirect_dma semaphore(%arg14 : memref<!tpu.dma_semaphore, #tpu.memory_space<semaphore_mem>>) src(%dma_wait3A_89 : memref<125x128xf32, #tpu.memory_space<vmem>>) dst(%dma_wait3A_95 : memref<10112x128xf32, #tpu.memory_space<vmem_shared>>)
    %barrier3A_96 = arith.constant 0 : index
    tpu.barrier barrier_id(%barrier3A_96)
    "tpu.region"() ({
      %run_scoped3A = tpu.sem_alloc : memref<!tpu.dma_semaphore, #tpu.memory_space<semaphore_mem>>
      %dma_start3A_97 = arith.constant 0 : i32
      %dma_start3A_98 = tpu.memref_slice %arg6[%arg0, %mul3A_2, %dma_start3A_97] : memref<2x10112x128xf32, #tpu.memory_space<hbm>> -> memref<1x632x128xf32, #tpu.memory_space<hbm>>
      %dma_start3A_99 = tpu.memref_squeeze %dma_start3A_98 : memref<1x632x128xf32, #tpu.memory_space<hbm>> -> memref<632x128xf32, #tpu.memory_space<hbm>>
      %dma_start3A_100 = arith.constant 0 : i32
      %dma_start3A_101 = tpu.memref_slice %arg10[%mul3A_2, %dma_start3A_100] : memref<10112x128xf32, #tpu.memory_space<vmem_shared>> -> memref<632x128xf32, #tpu.memory_space<vmem_shared>>
      tpu.enqueue_dma source(%dma_start3A_101 : memref<632x128xf32, #tpu.memory_space<vmem_shared>>) target(%dma_start3A_99 : memref<632x128xf32, #tpu.memory_space<hbm>>) target_semaphore(%run_scoped3A : memref<!tpu.dma_semaphore, #tpu.memory_space<semaphore_mem>>)
      %dma_wait3A_102 = arith.constant 0 : i32
      %dma_wait3A_103 = tpu.memref_slice %arg6[%arg0, %mul3A_2, %dma_wait3A_102] : memref<2x10112x128xf32, #tpu.memory_space<hbm>> -> memref<1x632x128xf32, #tpu.memory_space<hbm>>
      %dma_wait3A_104 = tpu.memref_squeeze %dma_wait3A_103 : memref<1x632x128xf32, #tpu.memory_space<hbm>> -> memref<632x128xf32, #tpu.memory_space<hbm>>
      %dma_wait3A_105 = arith.constant 0 : i32
      %dma_wait3A_106 = tpu.memref_slice %arg10[%mul3A_2, %dma_wait3A_105] : memref<10112x128xf32, #tpu.memory_space<vmem_shared>> -> memref<632x128xf32, #tpu.memory_space<vmem_shared>>
      tpu.wait_dma2 semaphore(%run_scoped3A : memref<!tpu.dma_semaphore, #tpu.memory_space<semaphore_mem>>) src(%dma_wait3A_106 : memref<632x128xf32, #tpu.memory_space<vmem_shared>>) dst(%dma_wait3A_104 : memref<632x128xf32, #tpu.memory_space<hbm>>)
      tpu.yield
    }) : () -> ()
    return
  }
}

#map = affine_map<(d0, d1) -> (0)>
#map1 = affine_map<(d0, d1) -> (0, 0)>
module attributes {stable_mosaic.version = 14 : i64} {
  func.func @_sc_deg_body(%arg0: i32, %arg1: i32, %arg2: memref<320000xi32, #tpu.memory_space<hbm>>, %arg3: memref<32x10240xf32, #tpu.memory_space<hbm>>, %arg4: memref<10000xi32, #tpu.memory_space<vmem>>, %arg5: memref<10240xf32, #tpu.memory_space<vmem>>, %arg6: memref<!tpu.dma_semaphore, #tpu.memory_space<semaphore_mem>>) attributes {dimension_semantics = [#tpu.dimension_semantics<core_parallel>, #tpu.dimension_semantics<subcore_parallel>], iteration_bounds = array<i64: 2, 16>, scalar_prefetch = 0 : i64, scratch_operands = 3 : i64, tpu.core_type = #tpu.core_type<sc_vector_subcore>, window_params = [{transform_indices = #map}, {transform_indices = #map1}]} {
    %mul3A = arith.constant 16 : i32
    %mul3A_0 = arith.muli %arg0, %mul3A : i32
    %add3A = arith.addi %mul3A_0, %arg1 : i32
    %mul3A_1 = arith.constant 10000 : i32
    %mul3A_2 = arith.muli %add3A, %mul3A_1 : i32
    "tpu.region"() ({
      %run_scoped3A = tpu.sem_alloc : memref<!tpu.dma_semaphore, #tpu.memory_space<semaphore_mem>>
      %dma_start3A = tpu.memref_slice %arg2[%mul3A_2] : memref<320000xi32, #tpu.memory_space<hbm>> -> memref<10000xi32, #tpu.memory_space<hbm>>
      %dma_start3A_15 = tpu.memref_slice %arg2[%mul3A_2] : memref<320000xi32, #tpu.memory_space<hbm>> -> memref<10000xi32, #tpu.memory_space<hbm>>
      tpu.enqueue_dma source(%dma_start3A_15 : memref<10000xi32, #tpu.memory_space<hbm>>) target(%arg4 : memref<10000xi32, #tpu.memory_space<vmem>>) target_semaphore(%run_scoped3A : memref<!tpu.dma_semaphore, #tpu.memory_space<semaphore_mem>>)
      %dma_wait3A = tpu.memref_slice %arg2[%mul3A_2] : memref<320000xi32, #tpu.memory_space<hbm>> -> memref<10000xi32, #tpu.memory_space<hbm>>
      %dma_wait3A_16 = tpu.memref_slice %arg2[%mul3A_2] : memref<320000xi32, #tpu.memory_space<hbm>> -> memref<10000xi32, #tpu.memory_space<hbm>>
      tpu.wait_dma2 semaphore(%run_scoped3A : memref<!tpu.dma_semaphore, #tpu.memory_space<semaphore_mem>>) src(%dma_wait3A_16 : memref<10000xi32, #tpu.memory_space<hbm>>) dst(%arg4 : memref<10000xi32, #tpu.memory_space<vmem>>)
      tpu.yield
    }) : () -> ()
    %scan3A = arith.constant 0 : i32
    %scan3A_3 = arith.constant 0 : i32
    %scan3A_4 = arith.constant 640 : i32
    %scan3A_5 = arith.addi %scan3A_3, %scan3A_4 : i32
    %scan3A_6 = arith.constant 1 : i32
    scf.for %scan3A_15 = %scan3A_3 to %scan3A_5 step %scan3A_6  : i32 {
      %broadcast_in_dim3A_16 = arith.constant 0.000000e+00 : f32
      %broadcast_in_dim3A_17 = vector.broadcast %broadcast_in_dim3A_16 : f32 to vector<16xf32>
      %mul3A_18 = arith.constant 16 : i32
      %mul3A_19 = arith.muli %scan3A_15, %mul3A_18 : i32
      %swap3A = arith.index_cast %mul3A_19 : i32 to index
      %swap3A_20 = tpu.vector_load %arg5[%swap3A] {strides = array<i32>} : memref<10240xf32, #tpu.memory_space<vmem>>, vector<16xf32>,
      tpu.vector_store %arg5[%swap3A], %broadcast_in_dim3A_17 {strides = array<i32>} : memref<10240xf32, #tpu.memory_space<vmem>>, vector<16xf32>,
    }
    %scan3A_7 = arith.constant 640 : i32
    %broadcast_in_dim3A = arith.constant 1.000000e+00 : f32
    %broadcast_in_dim3A_8 = vector.broadcast %broadcast_in_dim3A : f32 to vector<16xf32>
    %scan3A_9 = arith.constant 0 : i32
    %scan3A_10 = arith.constant 0 : i32
    %scan3A_11 = arith.constant 625 : i32
    %scan3A_12 = arith.addi %scan3A_10, %scan3A_11 : i32
    %scan3A_13 = arith.constant 1 : i32
    scf.for %scan3A_15 = %scan3A_10 to %scan3A_12 step %scan3A_13  : i32 {
      %mul3A_16 = arith.constant 16 : i32
      %mul3A_17 = arith.muli %scan3A_15, %mul3A_16 : i32
      %get3A = arith.index_cast %mul3A_17 : i32 to index
      %get3A_18 = tpu.vector_load %arg4[%get3A] {strides = array<i32>} : memref<10000xi32, #tpu.memory_space<vmem>>, vector<16xi32>,
      tpu.vector_store_idx %arg5[%get3A_18], %broadcast_in_dim3A_8 {add = true} : memref<10240xf32, #tpu.memory_space<vmem>>[vector<16xi32>], vector<16xf32>,
    }
    %scan3A_14 = arith.constant 625 : i32
    "tpu.region"() ({
      %run_scoped3A = tpu.sem_alloc : memref<!tpu.dma_semaphore, #tpu.memory_space<semaphore_mem>>
      %dma_start3A = arith.constant 0 : i32
      %dma_start3A_15 = tpu.memref_slice %arg3[%add3A, %dma_start3A] : memref<32x10240xf32, #tpu.memory_space<hbm>> -> memref<1x10240xf32, #tpu.memory_space<hbm>>
      %dma_start3A_16 = tpu.memref_squeeze %dma_start3A_15 : memref<1x10240xf32, #tpu.memory_space<hbm>> -> memref<10240xf32, #tpu.memory_space<hbm>>
      %dma_start3A_17 = arith.constant 0 : i32
      %dma_start3A_18 = tpu.memref_slice %arg3[%add3A, %dma_start3A_17] : memref<32x10240xf32, #tpu.memory_space<hbm>> -> memref<1x10240xf32, #tpu.memory_space<hbm>>
      %dma_start3A_19 = tpu.memref_squeeze %dma_start3A_18 : memref<1x10240xf32, #tpu.memory_space<hbm>> -> memref<10240xf32, #tpu.memory_space<hbm>>
      tpu.enqueue_dma source(%arg5 : memref<10240xf32, #tpu.memory_space<vmem>>) target(%dma_start3A_19 : memref<10240xf32, #tpu.memory_space<hbm>>) target_semaphore(%run_scoped3A : memref<!tpu.dma_semaphore, #tpu.memory_space<semaphore_mem>>)
      %dma_wait3A = arith.constant 0 : i32
      %dma_wait3A_20 = tpu.memref_slice %arg3[%add3A, %dma_wait3A] : memref<32x10240xf32, #tpu.memory_space<hbm>> -> memref<1x10240xf32, #tpu.memory_space<hbm>>
      %dma_wait3A_21 = tpu.memref_squeeze %dma_wait3A_20 : memref<1x10240xf32, #tpu.memory_space<hbm>> -> memref<10240xf32, #tpu.memory_space<hbm>>
      %dma_wait3A_22 = arith.constant 0 : i32
      %dma_wait3A_23 = tpu.memref_slice %arg3[%add3A, %dma_wait3A_22] : memref<32x10240xf32, #tpu.memory_space<hbm>> -> memref<1x10240xf32, #tpu.memory_space<hbm>>
      %dma_wait3A_24 = tpu.memref_squeeze %dma_wait3A_23 : memref<1x10240xf32, #tpu.memory_space<hbm>> -> memref<10240xf32, #tpu.memory_space<hbm>>
      tpu.wait_dma2 semaphore(%run_scoped3A : memref<!tpu.dma_semaphore, #tpu.memory_space<semaphore_mem>>) src(%arg5 : memref<10240xf32, #tpu.memory_space<vmem>>) dst(%dma_wait3A_24 : memref<10240xf32, #tpu.memory_space<hbm>>)
      tpu.yield
    }) : () -> ()
    return
  }
}

#map = affine_map<(d0, d1) -> (0, 0)>
#map1 = affine_map<(d0, d1) -> (0, 0, 0)>
module attributes {stable_mosaic.version = 14 : i64} {
  func.func @_sc_agg_body(%arg0: i32, %arg1: i32, %arg2: memref<2560x125xi32, #tpu.memory_space<hbm>>, %arg3: memref<2560x125xi32, #tpu.memory_space<hbm>>, %arg4: memref<10000x128xf32, #tpu.memory_space<hbm>>, %arg5: memref<10112x128xf32, #tpu.memory_space<hbm>>, %arg6: memref<2x10112x128xf32, #tpu.memory_space<hbm>>, %arg7: memref<80x125xi32, #tpu.memory_space<vmem>>, %arg8: memref<2x8x125xi32, #tpu.memory_space<vmem>>, %arg9: memref<2x125x128xf32, #tpu.memory_space<vmem>>, %arg10: memref<10112x128xf32, #tpu.memory_space<vmem_shared>>, %arg11: memref<!tpu.dma_semaphore, #tpu.memory_space<semaphore_mem>>, %arg12: memref<!tpu.dma_semaphore, #tpu.memory_space<semaphore_mem>>, %arg13: memref<!tpu.dma_semaphore, #tpu.memory_space<semaphore_mem>>, %arg14: memref<!tpu.dma_semaphore, #tpu.memory_space<semaphore_mem>>, %arg15: memref<!tpu.dma_semaphore, #tpu.memory_space<semaphore_mem>>) attributes {dimension_semantics = [#tpu.dimension_semantics<core_parallel>, #tpu.dimension_semantics<subcore_parallel>], iteration_bounds = array<i64: 2, 16>, scalar_prefetch = 0 : i64, scratch_operands = 9 : i64, tpu.core_type = #tpu.core_type<sc_vector_subcore>, window_params = [{transform_indices = #map}, {transform_indices = #map}, {transform_indices = #map}, {transform_indices = #map}, {transform_indices = #map1}]} {
    %mul3A = arith.constant 16 : i32
    %mul3A_0 = arith.muli %arg0, %mul3A : i32
    %add3A = arith.addi %mul3A_0, %arg1 : i32
    %mul3A_1 = arith.constant 632 : i32
    %mul3A_2 = arith.muli %arg1, %mul3A_1 : i32
    "tpu.region"() ({
      %run_scoped3A = tpu.sem_alloc : memref<!tpu.dma_semaphore, #tpu.memory_space<semaphore_mem>>
      %dma_start3A_97 = arith.constant 0 : i32
      %dma_start3A_98 = tpu.memref_slice %arg10[%mul3A_2, %dma_start3A_97] : memref<10112x128xf32, #tpu.memory_space<vmem_shared>> -> memref<632x128xf32, #tpu.memory_space<vmem_shared>>
      %dma_start3A_99 = arith.constant 0 : i32
      %dma_start3A_100 = tpu.memref_slice %arg5[%mul3A_2, %dma_start3A_99] : memref<10112x128xf32, #tpu.memory_space<hbm>> -> memref<632x128xf32, #tpu.memory_space<hbm>>
      tpu.enqueue_dma source(%dma_start3A_100 : memref<632x128xf32, #tpu.memory_space<hbm>>) target(%dma_start3A_98 : memref<632x128xf32, #tpu.memory_space<vmem_shared>>) target_semaphore(%run_scoped3A : memref<!tpu.dma_semaphore, #tpu.memory_space<semaphore_mem>>)
      %dma_wait3A_101 = arith.constant 0 : i32
      %dma_wait3A_102 = tpu.memref_slice %arg10[%mul3A_2, %dma_wait3A_101] : memref<10112x128xf32, #tpu.memory_space<vmem_shared>> -> memref<632x128xf32, #tpu.memory_space<vmem_shared>>
      %dma_wait3A_103 = arith.constant 0 : i32
      %dma_wait3A_104 = tpu.memref_slice %arg5[%mul3A_2, %dma_wait3A_103] : memref<10112x128xf32, #tpu.memory_space<hbm>> -> memref<632x128xf32, #tpu.memory_space<hbm>>
      tpu.wait_dma2 semaphore(%run_scoped3A : memref<!tpu.dma_semaphore, #tpu.memory_space<semaphore_mem>>) src(%dma_wait3A_104 : memref<632x128xf32, #tpu.memory_space<hbm>>) dst(%dma_wait3A_102 : memref<632x128xf32, #tpu.memory_space<vmem_shared>>)
      tpu.yield
    }) : () -> ()
    %mul3A_3 = arith.constant 80 : i32
    %mul3A_4 = arith.muli %add3A, %mul3A_3 : i32
    "tpu.region"() ({
      %run_scoped3A = tpu.sem_alloc : memref<!tpu.dma_semaphore, #tpu.memory_space<semaphore_mem>>
      %dma_start3A_97 = arith.constant 0 : i32
      %dma_start3A_98 = tpu.memref_slice %arg2[%mul3A_4, %dma_start3A_97] : memref<2560x125xi32, #tpu.memory_space<hbm>> -> memref<80x125xi32, #tpu.memory_space<hbm>>
      %dma_start3A_99 = arith.constant 0 : i32
      %dma_start3A_100 = tpu.memref_slice %arg2[%mul3A_4, %dma_start3A_99] : memref<2560x125xi32, #tpu.memory_space<hbm>> -> memref<80x125xi32, #tpu.memory_space<hbm>>
      tpu.enqueue_dma source(%dma_start3A_100 : memref<80x125xi32, #tpu.memory_space<hbm>>) target(%arg7 : memref<80x125xi32, #tpu.memory_space<vmem>>) target_semaphore(%run_scoped3A : memref<!tpu.dma_semaphore, #tpu.memory_space<semaphore_mem>>)
      %dma_wait3A_101 = arith.constant 0 : i32
      %dma_wait3A_102 = tpu.memref_slice %arg2[%mul3A_4, %dma_wait3A_101] : memref<2560x125xi32, #tpu.memory_space<hbm>> -> memref<80x125xi32, #tpu.memory_space<hbm>>
      %dma_wait3A_103 = arith.constant 0 : i32
      %dma_wait3A_104 = tpu.memref_slice %arg2[%mul3A_4, %dma_wait3A_103] : memref<2560x125xi32, #tpu.memory_space<hbm>> -> memref<80x125xi32, #tpu.memory_space<hbm>>
      tpu.wait_dma2 semaphore(%run_scoped3A : memref<!tpu.dma_semaphore, #tpu.memory_space<semaphore_mem>>) src(%dma_wait3A_104 : memref<80x125xi32, #tpu.memory_space<hbm>>) dst(%arg7 : memref<80x125xi32, #tpu.memory_space<vmem>>)
      tpu.yield
    }) : () -> ()
    %barrier3A = arith.constant 0 : index
    tpu.barrier barrier_id(%barrier3A)
    %mul3A_5 = arith.constant 80 : i32
    %mul3A_6 = arith.muli %add3A, %mul3A_5 : i32
    %add3A_7 = arith.constant 0 : i32
    %add3A_8 = arith.addi %mul3A_6, %add3A_7 : i32
    %dma_start3A = arith.constant 0 : i32
    %dma_start3A_9 = arith.constant 0 : i32
    %dma_start3A_10 = arith.constant 0 : i32
    %dma_start3A_11 = tpu.memref_slice %arg8[%dma_start3A, %dma_start3A_9, %dma_start3A_10] : memref<2x8x125xi32, #tpu.memory_space<vmem>> -> memref<1x8x125xi32, #tpu.memory_space<vmem>>
    %dma_start3A_12 = tpu.memref_squeeze %dma_start3A_11 : memref<1x8x125xi32, #tpu.memory_space<vmem>> -> memref<8x125xi32, #tpu.memory_space<vmem>>
    %dma_start3A_13 = arith.constant 0 : i32
    %dma_start3A_14 = tpu.memref_slice %arg3[%add3A_8, %dma_start3A_13] : memref<2560x125xi32, #tpu.memory_space<hbm>> -> memref<8x125xi32, #tpu.memory_space<hbm>>
    %dma_start3A_15 = arith.constant 0 : i32
    %dma_start3A_16 = arith.constant 0 : i32
    %dma_start3A_17 = tpu.memref_slice %arg8[%dma_start3A, %dma_start3A_15, %dma_start3A_16] : memref<2x8x125xi32, #tpu.memory_space<vmem>> -> memref<1x8x125xi32, #tpu.memory_space<vmem>>
    %dma_start3A_18 = tpu.memref_squeeze %dma_start3A_17 : memref<1x8x125xi32, #tpu.memory_space<vmem>> -> memref<8x125xi32, #tpu.memory_space<vmem>>
    %dma_start3A_19 = arith.constant 0 : i32
    %dma_start3A_20 = tpu.memref_slice %arg3[%add3A_8, %dma_start3A_19] : memref<2560x125xi32, #tpu.memory_space<hbm>> -> memref<8x125xi32, #tpu.memory_space<hbm>>
    tpu.enqueue_dma source(%dma_start3A_20 : memref<8x125xi32, #tpu.memory_space<hbm>>) target(%dma_start3A_18 : memref<8x125xi32, #tpu.memory_space<vmem>>) target_semaphore(%arg15 : memref<!tpu.dma_semaphore, #tpu.memory_space<semaphore_mem>>)
    %mul3A_21 = arith.constant 80 : i32
    %mul3A_22 = arith.muli %add3A, %mul3A_21 : i32
    %add3A_23 = arith.constant 0 : i32
    %add3A_24 = arith.addi %mul3A_22, %add3A_23 : i32
    %dma_wait3A = arith.constant 0 : i32
    %dma_wait3A_25 = arith.constant 0 : i32
    %dma_wait3A_26 = arith.constant 0 : i32
    %dma_wait3A_27 = tpu.memref_slice %arg8[%dma_wait3A, %dma_wait3A_25, %dma_wait3A_26] : memref<2x8x125xi32, #tpu.memory_space<vmem>> -> memref<1x8x125xi32, #tpu.memory_space<vmem>>
    %dma_wait3A_28 = tpu.memref_squeeze %dma_wait3A_27 : memref<1x8x125xi32, #tpu.memory_space<vmem>> -> memref<8x125xi32, #tpu.memory_space<vmem>>
    %dma_wait3A_29 = arith.constant 0 : i32
    %dma_wait3A_30 = tpu.memref_slice %arg3[%add3A_24, %dma_wait3A_29] : memref<2560x125xi32, #tpu.memory_space<hbm>> -> memref<8x125xi32, #tpu.memory_space<hbm>>
    %dma_wait3A_31 = arith.constant 0 : i32
    %dma_wait3A_32 = arith.constant 0 : i32
    %dma_wait3A_33 = tpu.memref_slice %arg8[%dma_wait3A, %dma_wait3A_31, %dma_wait3A_32] : memref<2x8x125xi32, #tpu.memory_space<vmem>> -> memref<1x8x125xi32, #tpu.memory_space<vmem>>
    %dma_wait3A_34 = tpu.memref_squeeze %dma_wait3A_33 : memref<1x8x125xi32, #tpu.memory_space<vmem>> -> memref<8x125xi32, #tpu.memory_space<vmem>>
    %dma_wait3A_35 = arith.constant 0 : i32
    %dma_wait3A_36 = tpu.memref_slice %arg3[%add3A_24, %dma_wait3A_35] : memref<2560x125xi32, #tpu.memory_space<hbm>> -> memref<8x125xi32, #tpu.memory_space<hbm>>
    tpu.wait_dma2 semaphore(%arg15 : memref<!tpu.dma_semaphore, #tpu.memory_space<semaphore_mem>>) src(%dma_wait3A_36 : memref<8x125xi32, #tpu.memory_space<hbm>>) dst(%dma_wait3A_34 : memref<8x125xi32, #tpu.memory_space<vmem>>)
    %mul3A_37 = arith.constant 80 : i32
    %mul3A_38 = arith.muli %add3A, %mul3A_37 : i32
    %add3A_39 = arith.constant 8 : i32
    %add3A_40 = arith.addi %mul3A_38, %add3A_39 : i32
    %dma_start3A_41 = arith.constant 1 : i32
    %dma_start3A_42 = arith.constant 0 : i32
    %dma_start3A_43 = arith.constant 0 : i32
    %dma_start3A_44 = tpu.memref_slice %arg8[%dma_start3A_41, %dma_start3A_42, %dma_start3A_43] : memref<2x8x125xi32, #tpu.memory_space<vmem>> -> memref<1x8x125xi32, #tpu.memory_space<vmem>>
    %dma_start3A_45 = tpu.memref_squeeze %dma_start3A_44 : memref<1x8x125xi32, #tpu.memory_space<vmem>> -> memref<8x125xi32, #tpu.memory_space<vmem>>
    %dma_start3A_46 = arith.constant 0 : i32
    %dma_start3A_47 = tpu.memref_slice %arg3[%add3A_40, %dma_start3A_46] : memref<2560x125xi32, #tpu.memory_space<hbm>> -> memref<8x125xi32, #tpu.memory_space<hbm>>
    %dma_start3A_48 = arith.constant 0 : i32
    %dma_start3A_49 = arith.constant 0 : i32
    %dma_start3A_50 = tpu.memref_slice %arg8[%dma_start3A_41, %dma_start3A_48, %dma_start3A_49] : memref<2x8x125xi32, #tpu.memory_space<vmem>> -> memref<1x8x125xi32, #tpu.memory_space<vmem>>
    %dma_start3A_51 = tpu.memref_squeeze %dma_start3A_50 : memref<1x8x125xi32, #tpu.memory_space<vmem>> -> memref<8x125xi32, #tpu.memory_space<vmem>>
    %dma_start3A_52 = arith.constant 0 : i32
    %dma_start3A_53 = tpu.memref_slice %arg3[%add3A_40, %dma_start3A_52] : memref<2560x125xi32, #tpu.memory_space<hbm>> -> memref<8x125xi32, #tpu.memory_space<hbm>>
    tpu.enqueue_dma source(%dma_start3A_53 : memref<8x125xi32, #tpu.memory_space<hbm>>) target(%dma_start3A_51 : memref<8x125xi32, #tpu.memory_space<vmem>>) target_semaphore(%arg15 : memref<!tpu.dma_semaphore, #tpu.memory_space<semaphore_mem>>)
    %dma_start3A_54 = arith.constant 0 : i32
    %dma_start3A_55 = arith.constant 0 : i32
    %dma_start3A_56 = arith.constant 0 : i32
    %dma_start3A_57 = arith.constant 0 : i32
    %dma_start3A_58 = tpu.memref_slice %arg9[%dma_start3A_55, %dma_start3A_56, %dma_start3A_57] : memref<2x125x128xf32, #tpu.memory_space<vmem>> -> memref<1x125x128xf32, #tpu.memory_space<vmem>>
    %dma_start3A_59 = tpu.memref_squeeze %dma_start3A_58 : memref<1x125x128xf32, #tpu.memory_space<vmem>> -> memref<125x128xf32, #tpu.memory_space<vmem>>
    %dma_start3A_60 = arith.constant 0 : i32
    %dma_start3A_61 = tpu.memref_slice %arg7[%dma_start3A_54, %dma_start3A_60] : memref<80x125xi32, #tpu.memory_space<vmem>> -> memref<1x125xi32, #tpu.memory_space<vmem>>
    %dma_start3A_62 = tpu.memref_squeeze %dma_start3A_61 : memref<1x125xi32, #tpu.memory_space<vmem>> -> memref<125xi32, #tpu.memory_space<vmem>>
    %dma_start3A_63 = arith.constant 0 : i32
    %dma_start3A_64 = arith.constant 0 : i32
    %dma_start3A_65 = tpu.memref_slice %arg4[%dma_start3A_63, %dma_start3A_64] : memref<10000x128xf32, #tpu.memory_space<hbm>> -> memref<10000x128xf32, #tpu.memory_space<hbm>>
    tpu.enqueue_indirect_dma source(%dma_start3A_65 : memref<10000x128xf32, #tpu.memory_space<hbm>>) target(%dma_start3A_59 : memref<125x128xf32, #tpu.memory_space<vmem>>) offsets(%dma_start3A_62 : memref<125xi32, #tpu.memory_space<vmem>>) semaphore(%arg11 : memref<!tpu.dma_semaphore, #tpu.memory_space<semaphore_mem>>)
    %dma_start3A_66 = arith.constant 1 : i32
    %dma_start3A_67 = arith.constant 1 : i32
    %dma_start3A_68 = arith.constant 0 : i32
    %dma_start3A_69 = arith.constant 0 : i32
    %dma_start3A_70 = tpu.memref_slice %arg9[%dma_start3A_67, %dma_start3A_68, %dma_start3A_69] : memref<2x125x128xf32, #tpu.memory_space<vmem>> -> memref<1x125x128xf32, #tpu.memory_space<vmem>>
    %dma_start3A_71 = tpu.memref_squeeze %dma_start3A_70 : memref<1x125x128xf32, #tpu.memory_space<vmem>> -> memref<125x128xf32, #tpu.memory_space<vmem>>
    %dma_start3A_72 = arith.constant 0 : i32
    %dma_start3A_73 = tpu.memref_slice %arg7[%dma_start3A_66, %dma_start3A_72] : memref<80x125xi32, #tpu.memory_space<vmem>> -> memref<1x125xi32, #tpu.memory_space<vmem>>
    %dma_start3A_74 = tpu.memref_squeeze %dma_start3A_73 : memref<1x125xi32, #tpu.memory_space<vmem>> -> memref<125xi32, #tpu.memory_space<vmem>>
    %dma_start3A_75 = arith.constant 0 : i32
    %dma_start3A_76 = arith.constant 0 : i32
    %dma_start3A_77 = tpu.memref_slice %arg4[%dma_start3A_75, %dma_start3A_76] : memref<10000x128xf32, #tpu.memory_space<hbm>> -> memref<10000x128xf32, #tpu.memory_space<hbm>>
    tpu.enqueue_indirect_dma source(%dma_start3A_77 : memref<10000x128xf32, #tpu.memory_space<hbm>>) target(%dma_start3A_71 : memref<125x128xf32, #tpu.memory_space<vmem>>) offsets(%dma_start3A_74 : memref<125xi32, #tpu.memory_space<vmem>>) semaphore(%arg12 : memref<!tpu.dma_semaphore, #tpu.memory_space<semaphore_mem>>)
    %scan3A = arith.constant 0 : i32
    %scan3A_78 = arith.constant 0 : i32
    %scan3A_79 = arith.constant 40 : i32
    %scan3A_80 = arith.addi %scan3A_78, %scan3A_79 : i32
    %scan3A_81 = arith.constant 1 : i32
    scf.for %scan3A_97 = %scan3A_78 to %scan3A_80 step %scan3A_81  : i32 {
      %mul3A_98 = arith.constant 2 : i32
      %mul3A_99 = arith.muli %scan3A_97, %mul3A_98 : i32
      %add3A_100 = arith.constant 0 : i32
      %add3A_101 = arith.addi %mul3A_99, %add3A_100 : i32
      %sub3A = arith.constant 1 : i32
      %sub3A_102 = arith.subi %add3A_101, %sub3A : i32
      %ge3A = arith.constant 0 : i32
      %ge3A_103 = arith.cmpi sge, %sub3A_102, %ge3A : i32
      %convert_element_type3A = arith.extui %ge3A_103 : i1 to i32
      %cond3A = arith.constant 0 : i32
      %cond3A_104 = arith.cmpi ne, %convert_element_type3A, %cond3A : i32
      scf.if %cond3A_104 {
        %jit3A_263 = arith.constant 8 : i32
        %div3A_264 = arith.divsi %sub3A_102, %jit3A_263 : i32
        %sign3A_265 = arith.constant 0 : i32
        %sign3A_266 = arith.cmpi sgt, %sub3A_102, %sign3A_265 : i32
        %sign3A_267 = arith.extui %sign3A_266 : i1 to i32
        %sign3A_268 = arith.constant 0 : i32
        %sign3A_269 = arith.cmpi slt, %sub3A_102, %sign3A_268 : i32
        %sign3A_270 = arith.extui %sign3A_269 : i1 to i32
        %sign3A_271 = arith.subi %sign3A_267, %sign3A_270 : i32
        %sign3A_272 = arith.constant 0 : i32
        %sign3A_273 = arith.cmpi sgt, %jit3A_263, %sign3A_272 : i32
        %sign3A_274 = arith.extui %sign3A_273 : i1 to i32
        %sign3A_275 = arith.constant 0 : i32
        %sign3A_276 = arith.cmpi slt, %jit3A_263, %sign3A_275 : i32
        %sign3A_277 = arith.extui %sign3A_276 : i1 to i32
        %sign3A_278 = arith.subi %sign3A_274, %sign3A_277 : i32
        %ne3A_279 = arith.cmpi ne, %sign3A_271, %sign3A_278 : i32
        %rem3A_280 = arith.remsi %sub3A_102, %jit3A_263 : i32
        %ne3A_281 = arith.constant 0 : i32
        %ne3A_282 = arith.cmpi ne, %rem3A_280, %ne3A_281 : i32
        %and3A_283 = arith.andi %ne3A_279, %ne3A_282 : i1
        %sub3A_284 = arith.constant 1 : i32
        %sub3A_285 = arith.subi %div3A_264, %sub3A_284 : i32
        %select_n3A_286 = arith.select %and3A_283, %sub3A_285, %div3A_264 : i32
        %jit3A_287 = arith.constant 2 : i32
        %eq3A_288 = arith.constant 0 : i32
        %eq3A_289 = arith.cmpi eq, %jit3A_287, %eq3A_288 : i32
        %jit3A_290 = arith.constant 1 : i32
        %select_n3A_291 = arith.select %eq3A_289, %jit3A_290, %jit3A_287 : i32
        %rem3A_292 = arith.remsi %select_n3A_286, %select_n3A_291 : i32
        %ne3A_293 = arith.constant 0 : i32
        %ne3A_294 = arith.cmpi ne, %rem3A_292, %ne3A_293 : i32
        %lt3A_295 = arith.constant 0 : i32
        %lt3A_296 = arith.cmpi slt, %rem3A_292, %lt3A_295 : i32
        %lt3A_297 = arith.constant 0 : i32
        %lt3A_298 = arith.cmpi slt, %select_n3A_291, %lt3A_297 : i32
        %ne3A_299 = arith.xori %lt3A_296, %lt3A_298 : i1
        %and3A_300 = arith.andi %ne3A_299, %ne3A_294 : i1
        %add3A_301 = arith.addi %rem3A_292, %select_n3A_291 : i32
        %select_n3A_302 = arith.select %and3A_300, %add3A_301, %rem3A_292 : i32
        %jit3A_303 = arith.constant 8 : i32
        %eq3A_304 = arith.constant 0 : i32
        %eq3A_305 = arith.cmpi eq, %jit3A_303, %eq3A_304 : i32
        %jit3A_306 = arith.constant 1 : i32
        %select_n3A_307 = arith.select %eq3A_305, %jit3A_306, %jit3A_303 : i32
        %rem3A_308 = arith.remsi %sub3A_102, %select_n3A_307 : i32
        %ne3A_309 = arith.constant 0 : i32
        %ne3A_310 = arith.cmpi ne, %rem3A_308, %ne3A_309 : i32
        %lt3A_311 = arith.constant 0 : i32
        %lt3A_312 = arith.cmpi slt, %rem3A_308, %lt3A_311 : i32
        %lt3A_313 = arith.constant 0 : i32
        %lt3A_314 = arith.cmpi slt, %select_n3A_307, %lt3A_313 : i32
        %ne3A_315 = arith.xori %lt3A_312, %lt3A_314 : i1
        %and3A_316 = arith.andi %ne3A_315, %ne3A_310 : i1
        %add3A_317 = arith.addi %rem3A_308, %select_n3A_307 : i32
        %select_n3A_318 = arith.select %and3A_316, %add3A_317, %rem3A_308 : i32
        %dma_wait3A_319 = arith.constant 1 : i32
        %dma_wait3A_320 = arith.constant 0 : i32
        %dma_wait3A_321 = arith.constant 0 : i32
        %dma_wait3A_322 = tpu.memref_slice %arg9[%dma_wait3A_319, %dma_wait3A_320, %dma_wait3A_321] : memref<2x125x128xf32, #tpu.memory_space<vmem>> -> memref<1x125x128xf32, #tpu.memory_space<vmem>>
        %dma_wait3A_323 = tpu.memref_squeeze %dma_wait3A_322 : memref<1x125x128xf32, #tpu.memory_space<vmem>> -> memref<125x128xf32, #tpu.memory_space<vmem>>
        %dma_wait3A_324 = arith.constant 0 : i32
        %dma_wait3A_325 = tpu.memref_slice %arg8[%select_n3A_302, %select_n3A_318, %dma_wait3A_324] : memref<2x8x125xi32, #tpu.memory_space<vmem>> -> memref<1x1x125xi32, #tpu.memory_space<vmem>>
        %dma_wait3A_326 = tpu.memref_squeeze %dma_wait3A_325 : memref<1x1x125xi32, #tpu.memory_space<vmem>> -> memref<125xi32, #tpu.memory_space<vmem>>
        %dma_wait3A_327 = arith.constant 0 : i32
        %dma_wait3A_328 = arith.constant 0 : i32
        %dma_wait3A_329 = tpu.memref_slice %arg10[%dma_wait3A_327, %dma_wait3A_328] : memref<10112x128xf32, #tpu.memory_space<vmem_shared>> -> memref<10112x128xf32, #tpu.memory_space<vmem_shared>>
        tpu.wait_indirect_dma semaphore(%arg14 : memref<!tpu.dma_semaphore, #tpu.memory_space<semaphore_mem>>) src(%dma_wait3A_323 : memref<125x128xf32, #tpu.memory_space<vmem>>) dst(%dma_wait3A_329 : memref<10112x128xf32, #tpu.memory_space<vmem_shared>>)
        %add3A_330 = arith.constant 2 : i32
        %add3A_331 = arith.addi %sub3A_102, %add3A_330 : i32
        %lt3A_332 = arith.constant 80 : i32
        %lt3A_333 = arith.cmpi slt, %add3A_331, %lt3A_332 : i32
        %convert_element_type3A_334 = arith.extui %lt3A_333 : i1 to i32
        %cond3A_335 = arith.constant 0 : i32
        %cond3A_336 = arith.cmpi ne, %convert_element_type3A_334, %cond3A_335 : i32
        scf.if %cond3A_336 {
          %dma_start3A_382 = arith.constant 1 : i32
          %dma_start3A_383 = arith.constant 0 : i32
          %dma_start3A_384 = arith.constant 0 : i32
          %dma_start3A_385 = tpu.memref_slice %arg9[%dma_start3A_382, %dma_start3A_383, %dma_start3A_384] : memref<2x125x128xf32, #tpu.memory_space<vmem>> -> memref<1x125x128xf32, #tpu.memory_space<vmem>>
          %dma_start3A_386 = tpu.memref_squeeze %dma_start3A_385 : memref<1x125x128xf32, #tpu.memory_space<vmem>> -> memref<125x128xf32, #tpu.memory_space<vmem>>
          %dma_start3A_387 = arith.constant 0 : i32
          %dma_start3A_388 = tpu.memref_slice %arg7[%add3A_331, %dma_start3A_387] : memref<80x125xi32, #tpu.memory_space<vmem>> -> memref<1x125xi32, #tpu.memory_space<vmem>>
          %dma_start3A_389 = tpu.memref_squeeze %dma_start3A_388 : memref<1x125xi32, #tpu.memory_space<vmem>> -> memref<125xi32, #tpu.memory_space<vmem>>
          %dma_start3A_390 = arith.constant 0 : i32
          %dma_start3A_391 = arith.constant 0 : i32
          %dma_start3A_392 = tpu.memref_slice %arg4[%dma_start3A_390, %dma_start3A_391] : memref<10000x128xf32, #tpu.memory_space<hbm>> -> memref<10000x128xf32, #tpu.memory_space<hbm>>
          tpu.enqueue_indirect_dma source(%dma_start3A_392 : memref<10000x128xf32, #tpu.memory_space<hbm>>) target(%dma_start3A_386 : memref<125x128xf32, #tpu.memory_space<vmem>>) offsets(%dma_start3A_389 : memref<125xi32, #tpu.memory_space<vmem>>) semaphore(%arg12 : memref<!tpu.dma_semaphore, #tpu.memory_space<semaphore_mem>>)
        } else {
        }
        %jit3A_337 = arith.constant 8 : i32
        %div3A_338 = arith.divsi %add3A_101, %jit3A_337 : i32
        %sign3A_339 = arith.constant 0 : i32
        %sign3A_340 = arith.cmpi sgt, %add3A_101, %sign3A_339 : i32
        %sign3A_341 = arith.extui %sign3A_340 : i1 to i32
        %sign3A_342 = arith.constant 0 : i32
        %sign3A_343 = arith.cmpi slt, %add3A_101, %sign3A_342 : i32
        %sign3A_344 = arith.extui %sign3A_343 : i1 to i32
        %sign3A_345 = arith.subi %sign3A_341, %sign3A_344 : i32
        %sign3A_346 = arith.constant 0 : i32
        %sign3A_347 = arith.cmpi sgt, %jit3A_337, %sign3A_346 : i32
        %sign3A_348 = arith.extui %sign3A_347 : i1 to i32
        %sign3A_349 = arith.constant 0 : i32
        %sign3A_350 = arith.cmpi slt, %jit3A_337, %sign3A_349 : i32
        %sign3A_351 = arith.extui %sign3A_350 : i1 to i32
        %sign3A_352 = arith.subi %sign3A_348, %sign3A_351 : i32
        %ne3A_353 = arith.cmpi ne, %sign3A_345, %sign3A_352 : i32
        %rem3A_354 = arith.remsi %add3A_101, %jit3A_337 : i32
        %ne3A_355 = arith.constant 0 : i32
        %ne3A_356 = arith.cmpi ne, %rem3A_354, %ne3A_355 : i32
        %and3A_357 = arith.andi %ne3A_353, %ne3A_356 : i1
        %sub3A_358 = arith.constant 1 : i32
        %sub3A_359 = arith.subi %div3A_338, %sub3A_358 : i32
        %select_n3A_360 = arith.select %and3A_357, %sub3A_359, %div3A_338 : i32
        %jit3A_361 = arith.constant 8 : i32
        %eq3A_362 = arith.constant 0 : i32
        %eq3A_363 = arith.cmpi eq, %jit3A_361, %eq3A_362 : i32
        %jit3A_364 = arith.constant 1 : i32
        %select_n3A_365 = arith.select %eq3A_363, %jit3A_364, %jit3A_361 : i32
        %rem3A_366 = arith.remsi %add3A_101, %select_n3A_365 : i32
        %ne3A_367 = arith.constant 0 : i32
        %ne3A_368 = arith.cmpi ne, %rem3A_366, %ne3A_367 : i32
        %lt3A_369 = arith.constant 0 : i32
        %lt3A_370 = arith.cmpi slt, %rem3A_366, %lt3A_369 : i32
        %lt3A_371 = arith.constant 0 : i32
        %lt3A_372 = arith.cmpi slt, %select_n3A_365, %lt3A_371 : i32
        %ne3A_373 = arith.xori %lt3A_370, %lt3A_372 : i1
        %and3A_374 = arith.andi %ne3A_373, %ne3A_368 : i1
        %add3A_375 = arith.addi %rem3A_366, %select_n3A_365 : i32
        %select_n3A_376 = arith.select %and3A_374, %add3A_375, %rem3A_366 : i32
        %eq3A_377 = arith.constant 0 : i32
        %eq3A_378 = arith.cmpi eq, %select_n3A_376, %eq3A_377 : i32
        %convert_element_type3A_379 = arith.extui %eq3A_378 : i1 to i32
        %cond3A_380 = arith.constant 0 : i32
        %cond3A_381 = arith.cmpi ne, %convert_element_type3A_379, %cond3A_380 : i32
        scf.if %cond3A_381 {
          %mul3A_382 = arith.constant 80 : i32
          %mul3A_383 = arith.muli %add3A, %mul3A_382 : i32
          %mul3A_384 = arith.constant 8 : i32
          %mul3A_385 = arith.muli %select_n3A_360, %mul3A_384 : i32
          %add3A_386 = arith.addi %mul3A_383, %mul3A_385 : i32
          %jit3A_387 = arith.constant 2 : i32
          %eq3A_388 = arith.constant 0 : i32
          %eq3A_389 = arith.cmpi eq, %jit3A_387, %eq3A_388 : i32
          %jit3A_390 = arith.constant 1 : i32
          %select_n3A_391 = arith.select %eq3A_389, %jit3A_390, %jit3A_387 : i32
          %rem3A_392 = arith.remsi %select_n3A_360, %select_n3A_391 : i32
          %ne3A_393 = arith.constant 0 : i32
          %ne3A_394 = arith.cmpi ne, %rem3A_392, %ne3A_393 : i32
          %lt3A_395 = arith.constant 0 : i32
          %lt3A_396 = arith.cmpi slt, %rem3A_392, %lt3A_395 : i32
          %lt3A_397 = arith.constant 0 : i32
          %lt3A_398 = arith.cmpi slt, %select_n3A_391, %lt3A_397 : i32
          %ne3A_399 = arith.xori %lt3A_396, %lt3A_398 : i1
          %and3A_400 = arith.andi %ne3A_399, %ne3A_394 : i1
          %add3A_401 = arith.addi %rem3A_392, %select_n3A_391 : i32
          %select_n3A_402 = arith.select %and3A_400, %add3A_401, %rem3A_392 : i32
          %dma_wait3A_403 = arith.constant 0 : i32
          %dma_wait3A_404 = arith.constant 0 : i32
          %dma_wait3A_405 = tpu.memref_slice %arg8[%select_n3A_402, %dma_wait3A_403, %dma_wait3A_404] : memref<2x8x125xi32, #tpu.memory_space<vmem>> -> memref<1x8x125xi32, #tpu.memory_space<vmem>>
          %dma_wait3A_406 = tpu.memref_squeeze %dma_wait3A_405 : memref<1x8x125xi32, #tpu.memory_space<vmem>> -> memref<8x125xi32, #tpu.memory_space<vmem>>
          %dma_wait3A_407 = arith.constant 0 : i32
          %dma_wait3A_408 = tpu.memref_slice %arg3[%add3A_386, %dma_wait3A_407] : memref<2560x125xi32, #tpu.memory_space<hbm>> -> memref<8x125xi32, #tpu.memory_space<hbm>>
          %dma_wait3A_409 = arith.constant 0 : i32
          %dma_wait3A_410 = arith.constant 0 : i32
          %dma_wait3A_411 = tpu.memref_slice %arg8[%select_n3A_402, %dma_wait3A_409, %dma_wait3A_410] : memref<2x8x125xi32, #tpu.memory_space<vmem>> -> memref<1x8x125xi32, #tpu.memory_space<vmem>>
          %dma_wait3A_412 = tpu.memref_squeeze %dma_wait3A_411 : memref<1x8x125xi32, #tpu.memory_space<vmem>> -> memref<8x125xi32, #tpu.memory_space<vmem>>
          %dma_wait3A_413 = arith.constant 0 : i32
          %dma_wait3A_414 = tpu.memref_slice %arg3[%add3A_386, %dma_wait3A_413] : memref<2560x125xi32, #tpu.memory_space<hbm>> -> memref<8x125xi32, #tpu.memory_space<hbm>>
          tpu.wait_dma2 semaphore(%arg15 : memref<!tpu.dma_semaphore, #tpu.memory_space<semaphore_mem>>) src(%dma_wait3A_414 : memref<8x125xi32, #tpu.memory_space<hbm>>) dst(%dma_wait3A_412 : memref<8x125xi32, #tpu.memory_space<vmem>>)
          %add3A_415 = arith.constant 1 : i32
          %add3A_416 = arith.addi %select_n3A_360, %add3A_415 : i32
          %lt3A_417 = arith.constant 10 : i32
          %lt3A_418 = arith.cmpi slt, %add3A_416, %lt3A_417 : i32
          %convert_element_type3A_419 = arith.extui %lt3A_418 : i1 to i32
          %cond3A_420 = arith.constant 0 : i32
          %cond3A_421 = arith.cmpi ne, %convert_element_type3A_419, %cond3A_420 : i32
          scf.if %cond3A_421 {
            %add3A_422 = arith.constant 1 : i32
            %add3A_423 = arith.addi %select_n3A_360, %add3A_422 : i32
            %mul3A_424 = arith.constant 80 : i32
            %mul3A_425 = arith.muli %add3A, %mul3A_424 : i32
            %mul3A_426 = arith.constant 8 : i32
            %mul3A_427 = arith.muli %add3A_423, %mul3A_426 : i32
            %add3A_428 = arith.addi %mul3A_425, %mul3A_427 : i32
            %jit3A_429 = arith.constant 2 : i32
            %eq3A_430 = arith.constant 0 : i32
            %eq3A_431 = arith.cmpi eq, %jit3A_429, %eq3A_430 : i32
            %jit3A_432 = arith.constant 1 : i32
            %select_n3A_433 = arith.select %eq3A_431, %jit3A_432, %jit3A_429 : i32
            %rem3A_434 = arith.remsi %add3A_423, %select_n3A_433 : i32
            %ne3A_435 = arith.constant 0 : i32
            %ne3A_436 = arith.cmpi ne, %rem3A_434, %ne3A_435 : i32
            %lt3A_437 = arith.constant 0 : i32
            %lt3A_438 = arith.cmpi slt, %rem3A_434, %lt3A_437 : i32
            %lt3A_439 = arith.constant 0 : i32
            %lt3A_440 = arith.cmpi slt, %select_n3A_433, %lt3A_439 : i32
            %ne3A_441 = arith.xori %lt3A_438, %lt3A_440 : i1
            %and3A_442 = arith.andi %ne3A_441, %ne3A_436 : i1
            %add3A_443 = arith.addi %rem3A_434, %select_n3A_433 : i32
            %select_n3A_444 = arith.select %and3A_442, %add3A_443, %rem3A_434 : i32
            %dma_start3A_445 = arith.constant 0 : i32
            %dma_start3A_446 = arith.constant 0 : i32
            %dma_start3A_447 = tpu.memref_slice %arg8[%select_n3A_444, %dma_start3A_445, %dma_start3A_446] : memref<2x8x125xi32, #tpu.memory_space<vmem>> -> memref<1x8x125xi32, #tpu.memory_space<vmem>>
            %dma_start3A_448 = tpu.memref_squeeze %dma_start3A_447 : memref<1x8x125xi32, #tpu.memory_space<vmem>> -> memref<8x125xi32, #tpu.memory_space<vmem>>
            %dma_start3A_449 = arith.constant 0 : i32
            %dma_start3A_450 = tpu.memref_slice %arg3[%add3A_428, %dma_start3A_449] : memref<2560x125xi32, #tpu.memory_space<hbm>> -> memref<8x125xi32, #tpu.memory_space<hbm>>
            %dma_start3A_451 = arith.constant 0 : i32
            %dma_start3A_452 = arith.constant 0 : i32
            %dma_start3A_453 = tpu.memref_slice %arg8[%select_n3A_444, %dma_start3A_451, %dma_start3A_452] : memref<2x8x125xi32, #tpu.memory_space<vmem>> -> memref<1x8x125xi32, #tpu.memory_space<vmem>>
            %dma_start3A_454 = tpu.memref_squeeze %dma_start3A_453 : memref<1x8x125xi32, #tpu.memory_space<vmem>> -> memref<8x125xi32, #tpu.memory_space<vmem>>
            %dma_start3A_455 = arith.constant 0 : i32
            %dma_start3A_456 = tpu.memref_slice %arg3[%add3A_428, %dma_start3A_455] : memref<2560x125xi32, #tpu.memory_space<hbm>> -> memref<8x125xi32, #tpu.memory_space<hbm>>
            tpu.enqueue_dma source(%dma_start3A_456 : memref<8x125xi32, #tpu.memory_space<hbm>>) target(%dma_start3A_454 : memref<8x125xi32, #tpu.memory_space<vmem>>) target_semaphore(%arg15 : memref<!tpu.dma_semaphore, #tpu.memory_space<semaphore_mem>>)
          } else {
          }
        } else {
        }
      } else {
      }
      %dma_wait3A_105 = arith.constant 0 : i32
      %dma_wait3A_106 = arith.constant 0 : i32
      %dma_wait3A_107 = arith.constant 0 : i32
      %dma_wait3A_108 = tpu.memref_slice %arg9[%dma_wait3A_105, %dma_wait3A_106, %dma_wait3A_107] : memref<2x125x128xf32, #tpu.memory_space<vmem>> -> memref<1x125x128xf32, #tpu.memory_space<vmem>>
      %dma_wait3A_109 = tpu.memref_squeeze %dma_wait3A_108 : memref<1x125x128xf32, #tpu.memory_space<vmem>> -> memref<125x128xf32, #tpu.memory_space<vmem>>
      %dma_wait3A_110 = arith.constant 0 : i32
      %dma_wait3A_111 = tpu.memref_slice %arg7[%add3A_101, %dma_wait3A_110] : memref<80x125xi32, #tpu.memory_space<vmem>> -> memref<1x125xi32, #tpu.memory_space<vmem>>
      %dma_wait3A_112 = tpu.memref_squeeze %dma_wait3A_111 : memref<1x125xi32, #tpu.memory_space<vmem>> -> memref<125xi32, #tpu.memory_space<vmem>>
      %dma_wait3A_113 = arith.constant 0 : i32
      %dma_wait3A_114 = arith.constant 0 : i32
      %dma_wait3A_115 = tpu.memref_slice %arg4[%dma_wait3A_113, %dma_wait3A_114] : memref<10000x128xf32, #tpu.memory_space<hbm>> -> memref<10000x128xf32, #tpu.memory_space<hbm>>
      tpu.wait_indirect_dma semaphore(%arg11 : memref<!tpu.dma_semaphore, #tpu.memory_space<semaphore_mem>>) src(%dma_wait3A_115 : memref<10000x128xf32, #tpu.memory_space<hbm>>) dst(%dma_wait3A_109 : memref<125x128xf32, #tpu.memory_space<vmem>>)
      %jit3A = arith.constant 8 : i32
      %div3A = arith.divsi %add3A_101, %jit3A : i32
      %sign3A = arith.constant 0 : i32
      %sign3A_116 = arith.cmpi sgt, %add3A_101, %sign3A : i32
      %sign3A_117 = arith.extui %sign3A_116 : i1 to i32
      %sign3A_118 = arith.constant 0 : i32
      %sign3A_119 = arith.cmpi slt, %add3A_101, %sign3A_118 : i32
      %sign3A_120 = arith.extui %sign3A_119 : i1 to i32
      %sign3A_121 = arith.subi %sign3A_117, %sign3A_120 : i32
      %sign3A_122 = arith.constant 0 : i32
      %sign3A_123 = arith.cmpi sgt, %jit3A, %sign3A_122 : i32
      %sign3A_124 = arith.extui %sign3A_123 : i1 to i32
      %sign3A_125 = arith.constant 0 : i32
      %sign3A_126 = arith.cmpi slt, %jit3A, %sign3A_125 : i32
      %sign3A_127 = arith.extui %sign3A_126 : i1 to i32
      %sign3A_128 = arith.subi %sign3A_124, %sign3A_127 : i32
      %ne3A = arith.cmpi ne, %sign3A_121, %sign3A_128 : i32
      %rem3A = arith.remsi %add3A_101, %jit3A : i32
      %ne3A_129 = arith.constant 0 : i32
      %ne3A_130 = arith.cmpi ne, %rem3A, %ne3A_129 : i32
      %and3A = arith.andi %ne3A, %ne3A_130 : i1
      %sub3A_131 = arith.constant 1 : i32
      %sub3A_132 = arith.subi %div3A, %sub3A_131 : i32
      %select_n3A = arith.select %and3A, %sub3A_132, %div3A : i32
      %jit3A_133 = arith.constant 2 : i32
      %eq3A = arith.constant 0 : i32
      %eq3A_134 = arith.cmpi eq, %jit3A_133, %eq3A : i32
      %jit3A_135 = arith.constant 1 : i32
      %select_n3A_136 = arith.select %eq3A_134, %jit3A_135, %jit3A_133 : i32
      %rem3A_137 = arith.remsi %select_n3A, %select_n3A_136 : i32
      %ne3A_138 = arith.constant 0 : i32
      %ne3A_139 = arith.cmpi ne, %rem3A_137, %ne3A_138 : i32
      %lt3A = arith.constant 0 : i32
      %lt3A_140 = arith.cmpi slt, %rem3A_137, %lt3A : i32
      %lt3A_141 = arith.constant 0 : i32
      %lt3A_142 = arith.cmpi slt, %select_n3A_136, %lt3A_141 : i32
      %ne3A_143 = arith.xori %lt3A_140, %lt3A_142 : i1
      %and3A_144 = arith.andi %ne3A_143, %ne3A_139 : i1
      %add3A_145 = arith.addi %rem3A_137, %select_n3A_136 : i32
      %select_n3A_146 = arith.select %and3A_144, %add3A_145, %rem3A_137 : i32
      %jit3A_147 = arith.constant 8 : i32
      %eq3A_148 = arith.constant 0 : i32
      %eq3A_149 = arith.cmpi eq, %jit3A_147, %eq3A_148 : i32
      %jit3A_150 = arith.constant 1 : i32
      %select_n3A_151 = arith.select %eq3A_149, %jit3A_150, %jit3A_147 : i32
      %rem3A_152 = arith.remsi %add3A_101, %select_n3A_151 : i32
      %ne3A_153 = arith.constant 0 : i32
      %ne3A_154 = arith.cmpi ne, %rem3A_152, %ne3A_153 : i32
      %lt3A_155 = arith.constant 0 : i32
      %lt3A_156 = arith.cmpi slt, %rem3A_152, %lt3A_155 : i32
      %lt3A_157 = arith.constant 0 : i32
      %lt3A_158 = arith.cmpi slt, %select_n3A_151, %lt3A_157 : i32
      %ne3A_159 = arith.xori %lt3A_156, %lt3A_158 : i1
      %and3A_160 = arith.andi %ne3A_159, %ne3A_154 : i1
      %add3A_161 = arith.addi %rem3A_152, %select_n3A_151 : i32
      %select_n3A_162 = arith.select %and3A_160, %add3A_161, %rem3A_152 : i32
      %dma_start3A_163 = arith.constant 0 : i32
      %dma_start3A_164 = arith.constant 0 : i32
      %dma_start3A_165 = arith.constant 0 : i32
      %dma_start3A_166 = tpu.memref_slice %arg9[%dma_start3A_163, %dma_start3A_164, %dma_start3A_165] : memref<2x125x128xf32, #tpu.memory_space<vmem>> -> memref<1x125x128xf32, #tpu.memory_space<vmem>>
      %dma_start3A_167 = tpu.memref_squeeze %dma_start3A_166 : memref<1x125x128xf32, #tpu.memory_space<vmem>> -> memref<125x128xf32, #tpu.memory_space<vmem>>
      %dma_start3A_168 = arith.constant 0 : i32
      %dma_start3A_169 = tpu.memref_slice %arg8[%select_n3A_146, %select_n3A_162, %dma_start3A_168] : memref<2x8x125xi32, #tpu.memory_space<vmem>> -> memref<1x1x125xi32, #tpu.memory_space<vmem>>
      %dma_start3A_170 = tpu.memref_squeeze %dma_start3A_169 : memref<1x1x125xi32, #tpu.memory_space<vmem>> -> memref<125xi32, #tpu.memory_space<vmem>>
      %dma_start3A_171 = arith.constant 0 : i32
      %dma_start3A_172 = arith.constant 0 : i32
      %dma_start3A_173 = tpu.memref_slice %arg10[%dma_start3A_171, %dma_start3A_172] : memref<10112x128xf32, #tpu.memory_space<vmem_shared>> -> memref<10112x128xf32, #tpu.memory_space<vmem_shared>>
      tpu.enqueue_indirect_dma source(%dma_start3A_167 : memref<125x128xf32, #tpu.memory_space<vmem>>) target(%dma_start3A_173 : memref<10112x128xf32, #tpu.memory_space<vmem_shared>>) offsets(%dma_start3A_170 : memref<125xi32, #tpu.memory_space<vmem>>) semaphore(%arg13 : memref<!tpu.dma_semaphore, #tpu.memory_space<semaphore_mem>>) {add = true}
      %mul3A_174 = arith.constant 2 : i32
      %mul3A_175 = arith.muli %scan3A_97, %mul3A_174 : i32
      %add3A_176 = arith.constant 1 : i32
      %add3A_177 = arith.addi %mul3A_175, %add3A_176 : i32
      %sub3A_178 = arith.constant 1 : i32
      %sub3A_179 = arith.subi %add3A_177, %sub3A_178 : i32
      %ge3A_180 = arith.constant 0 : i32
      %ge3A_181 = arith.cmpi sge, %sub3A_179, %ge3A_180 : i32
      %convert_element_type3A_182 = arith.extui %ge3A_181 : i1 to i32
      %cond3A_183 = arith.constant 0 : i32
      %cond3A_184 = arith.cmpi ne, %convert_element_type3A_182, %cond3A_183 : i32
      scf.if %cond3A_184 {
        %jit3A_263 = arith.constant 8 : i32
        %div3A_264 = arith.divsi %sub3A_179, %jit3A_263 : i32
        %sign3A_265 = arith.constant 0 : i32
        %sign3A_266 = arith.cmpi sgt, %sub3A_179, %sign3A_265 : i32
        %sign3A_267 = arith.extui %sign3A_266 : i1 to i32
        %sign3A_268 = arith.constant 0 : i32
        %sign3A_269 = arith.cmpi slt, %sub3A_179, %sign3A_268 : i32
        %sign3A_270 = arith.extui %sign3A_269 : i1 to i32
        %sign3A_271 = arith.subi %sign3A_267, %sign3A_270 : i32
        %sign3A_272 = arith.constant 0 : i32
        %sign3A_273 = arith.cmpi sgt, %jit3A_263, %sign3A_272 : i32
        %sign3A_274 = arith.extui %sign3A_273 : i1 to i32
        %sign3A_275 = arith.constant 0 : i32
        %sign3A_276 = arith.cmpi slt, %jit3A_263, %sign3A_275 : i32
        %sign3A_277 = arith.extui %sign3A_276 : i1 to i32
        %sign3A_278 = arith.subi %sign3A_274, %sign3A_277 : i32
        %ne3A_279 = arith.cmpi ne, %sign3A_271, %sign3A_278 : i32
        %rem3A_280 = arith.remsi %sub3A_179, %jit3A_263 : i32
        %ne3A_281 = arith.constant 0 : i32
        %ne3A_282 = arith.cmpi ne, %rem3A_280, %ne3A_281 : i32
        %and3A_283 = arith.andi %ne3A_279, %ne3A_282 : i1
        %sub3A_284 = arith.constant 1 : i32
        %sub3A_285 = arith.subi %div3A_264, %sub3A_284 : i32
        %select_n3A_286 = arith.select %and3A_283, %sub3A_285, %div3A_264 : i32
        %jit3A_287 = arith.constant 2 : i32
        %eq3A_288 = arith.constant 0 : i32
        %eq3A_289 = arith.cmpi eq, %jit3A_287, %eq3A_288 : i32
        %jit3A_290 = arith.constant 1 : i32
        %select_n3A_291 = arith.select %eq3A_289, %jit3A_290, %jit3A_287 : i32
        %rem3A_292 = arith.remsi %select_n3A_286, %select_n3A_291 : i32
        %ne3A_293 = arith.constant 0 : i32
        %ne3A_294 = arith.cmpi ne, %rem3A_292, %ne3A_293 : i32
        %lt3A_295 = arith.constant 0 : i32
        %lt3A_296 = arith.cmpi slt, %rem3A_292, %lt3A_295 : i32
        %lt3A_297 = arith.constant 0 : i32
        %lt3A_298 = arith.cmpi slt, %select_n3A_291, %lt3A_297 : i32
        %ne3A_299 = arith.xori %lt3A_296, %lt3A_298 : i1
        %and3A_300 = arith.andi %ne3A_299, %ne3A_294 : i1
        %add3A_301 = arith.addi %rem3A_292, %select_n3A_291 : i32
        %select_n3A_302 = arith.select %and3A_300, %add3A_301, %rem3A_292 : i32
        %jit3A_303 = arith.constant 8 : i32
        %eq3A_304 = arith.constant 0 : i32
        %eq3A_305 = arith.cmpi eq, %jit3A_303, %eq3A_304 : i32
        %jit3A_306 = arith.constant 1 : i32
        %select_n3A_307 = arith.select %eq3A_305, %jit3A_306, %jit3A_303 : i32
        %rem3A_308 = arith.remsi %sub3A_179, %select_n3A_307 : i32
        %ne3A_309 = arith.constant 0 : i32
        %ne3A_310 = arith.cmpi ne, %rem3A_308, %ne3A_309 : i32
        %lt3A_311 = arith.constant 0 : i32
        %lt3A_312 = arith.cmpi slt, %rem3A_308, %lt3A_311 : i32
        %lt3A_313 = arith.constant 0 : i32
        %lt3A_314 = arith.cmpi slt, %select_n3A_307, %lt3A_313 : i32
        %ne3A_315 = arith.xori %lt3A_312, %lt3A_314 : i1
        %and3A_316 = arith.andi %ne3A_315, %ne3A_310 : i1
        %add3A_317 = arith.addi %rem3A_308, %select_n3A_307 : i32
        %select_n3A_318 = arith.select %and3A_316, %add3A_317, %rem3A_308 : i32
        %dma_wait3A_319 = arith.constant 0 : i32
        %dma_wait3A_320 = arith.constant 0 : i32
        %dma_wait3A_321 = arith.constant 0 : i32
        %dma_wait3A_322 = tpu.memref_slice %arg9[%dma_wait3A_319, %dma_wait3A_320, %dma_wait3A_321] : memref<2x125x128xf32, #tpu.memory_space<vmem>> -> memref<1x125x128xf32, #tpu.memory_space<vmem>>
        %dma_wait3A_323 = tpu.memref_squeeze %dma_wait3A_322 : memref<1x125x128xf32, #tpu.memory_space<vmem>> -> memref<125x128xf32, #tpu.memory_space<vmem>>
        %dma_wait3A_324 = arith.constant 0 : i32
        %dma_wait3A_325 = tpu.memref_slice %arg8[%select_n3A_302, %select_n3A_318, %dma_wait3A_324] : memref<2x8x125xi32, #tpu.memory_space<vmem>> -> memref<1x1x125xi32, #tpu.memory_space<vmem>>
        %dma_wait3A_326 = tpu.memref_squeeze %dma_wait3A_325 : memref<1x1x125xi32, #tpu.memory_space<vmem>> -> memref<125xi32, #tpu.memory_space<vmem>>
        %dma_wait3A_327 = arith.constant 0 : i32
        %dma_wait3A_328 = arith.constant 0 : i32
        %dma_wait3A_329 = tpu.memref_slice %arg10[%dma_wait3A_327, %dma_wait3A_328] : memref<10112x128xf32, #tpu.memory_space<vmem_shared>> -> memref<10112x128xf32, #tpu.memory_space<vmem_shared>>
        tpu.wait_indirect_dma semaphore(%arg13 : memref<!tpu.dma_semaphore, #tpu.memory_space<semaphore_mem>>) src(%dma_wait3A_323 : memref<125x128xf32, #tpu.memory_space<vmem>>) dst(%dma_wait3A_329 : memref<10112x128xf32, #tpu.memory_space<vmem_shared>>)
        %add3A_330 = arith.constant 2 : i32
        %add3A_331 = arith.addi %sub3A_179, %add3A_330 : i32
        %lt3A_332 = arith.constant 80 : i32
        %lt3A_333 = arith.cmpi slt, %add3A_331, %lt3A_332 : i32
        %convert_element_type3A_334 = arith.extui %lt3A_333 : i1 to i32
        %cond3A_335 = arith.constant 0 : i32
        %cond3A_336 = arith.cmpi ne, %convert_element_type3A_334, %cond3A_335 : i32
        scf.if %cond3A_336 {
          %dma_start3A_382 = arith.constant 0 : i32
          %dma_start3A_383 = arith.constant 0 : i32
          %dma_start3A_384 = arith.constant 0 : i32
          %dma_start3A_385 = tpu.memref_slice %arg9[%dma_start3A_382, %dma_start3A_383, %dma_start3A_384] : memref<2x125x128xf32, #tpu.memory_space<vmem>> -> memref<1x125x128xf32, #tpu.memory_space<vmem>>
          %dma_start3A_386 = tpu.memref_squeeze %dma_start3A_385 : memref<1x125x128xf32, #tpu.memory_space<vmem>> -> memref<125x128xf32, #tpu.memory_space<vmem>>
          %dma_start3A_387 = arith.constant 0 : i32
          %dma_start3A_388 = tpu.memref_slice %arg7[%add3A_331, %dma_start3A_387] : memref<80x125xi32, #tpu.memory_space<vmem>> -> memref<1x125xi32, #tpu.memory_space<vmem>>
          %dma_start3A_389 = tpu.memref_squeeze %dma_start3A_388 : memref<1x125xi32, #tpu.memory_space<vmem>> -> memref<125xi32, #tpu.memory_space<vmem>>
          %dma_start3A_390 = arith.constant 0 : i32
          %dma_start3A_391 = arith.constant 0 : i32
          %dma_start3A_392 = tpu.memref_slice %arg4[%dma_start3A_390, %dma_start3A_391] : memref<10000x128xf32, #tpu.memory_space<hbm>> -> memref<10000x128xf32, #tpu.memory_space<hbm>>
          tpu.enqueue_indirect_dma source(%dma_start3A_392 : memref<10000x128xf32, #tpu.memory_space<hbm>>) target(%dma_start3A_386 : memref<125x128xf32, #tpu.memory_space<vmem>>) offsets(%dma_start3A_389 : memref<125xi32, #tpu.memory_space<vmem>>) semaphore(%arg11 : memref<!tpu.dma_semaphore, #tpu.memory_space<semaphore_mem>>)
        } else {
        }
        %jit3A_337 = arith.constant 8 : i32
        %div3A_338 = arith.divsi %add3A_177, %jit3A_337 : i32
        %sign3A_339 = arith.constant 0 : i32
        %sign3A_340 = arith.cmpi sgt, %add3A_177, %sign3A_339 : i32
        %sign3A_341 = arith.extui %sign3A_340 : i1 to i32
        %sign3A_342 = arith.constant 0 : i32
        %sign3A_343 = arith.cmpi slt, %add3A_177, %sign3A_342 : i32
        %sign3A_344 = arith.extui %sign3A_343 : i1 to i32
        %sign3A_345 = arith.subi %sign3A_341, %sign3A_344 : i32
        %sign3A_346 = arith.constant 0 : i32
        %sign3A_347 = arith.cmpi sgt, %jit3A_337, %sign3A_346 : i32
        %sign3A_348 = arith.extui %sign3A_347 : i1 to i32
        %sign3A_349 = arith.constant 0 : i32
        %sign3A_350 = arith.cmpi slt, %jit3A_337, %sign3A_349 : i32
        %sign3A_351 = arith.extui %sign3A_350 : i1 to i32
        %sign3A_352 = arith.subi %sign3A_348, %sign3A_351 : i32
        %ne3A_353 = arith.cmpi ne, %sign3A_345, %sign3A_352 : i32
        %rem3A_354 = arith.remsi %add3A_177, %jit3A_337 : i32
        %ne3A_355 = arith.constant 0 : i32
        %ne3A_356 = arith.cmpi ne, %rem3A_354, %ne3A_355 : i32
        %and3A_357 = arith.andi %ne3A_353, %ne3A_356 : i1
        %sub3A_358 = arith.constant 1 : i32
        %sub3A_359 = arith.subi %div3A_338, %sub3A_358 : i32
        %select_n3A_360 = arith.select %and3A_357, %sub3A_359, %div3A_338 : i32
        %jit3A_361 = arith.constant 8 : i32
        %eq3A_362 = arith.constant 0 : i32
        %eq3A_363 = arith.cmpi eq, %jit3A_361, %eq3A_362 : i32
        %jit3A_364 = arith.constant 1 : i32
        %select_n3A_365 = arith.select %eq3A_363, %jit3A_364, %jit3A_361 : i32
        %rem3A_366 = arith.remsi %add3A_177, %select_n3A_365 : i32
        %ne3A_367 = arith.constant 0 : i32
        %ne3A_368 = arith.cmpi ne, %rem3A_366, %ne3A_367 : i32
        %lt3A_369 = arith.constant 0 : i32
        %lt3A_370 = arith.cmpi slt, %rem3A_366, %lt3A_369 : i32
        %lt3A_371 = arith.constant 0 : i32
        %lt3A_372 = arith.cmpi slt, %select_n3A_365, %lt3A_371 : i32
        %ne3A_373 = arith.xori %lt3A_370, %lt3A_372 : i1
        %and3A_374 = arith.andi %ne3A_373, %ne3A_368 : i1
        %add3A_375 = arith.addi %rem3A_366, %select_n3A_365 : i32
        %select_n3A_376 = arith.select %and3A_374, %add3A_375, %rem3A_366 : i32
        %eq3A_377 = arith.constant 0 : i32
        %eq3A_378 = arith.cmpi eq, %select_n3A_376, %eq3A_377 : i32
        %convert_element_type3A_379 = arith.extui %eq3A_378 : i1 to i32
        %cond3A_380 = arith.constant 0 : i32
        %cond3A_381 = arith.cmpi ne, %convert_element_type3A_379, %cond3A_380 : i32
        scf.if %cond3A_381 {
          %mul3A_382 = arith.constant 80 : i32
          %mul3A_383 = arith.muli %add3A, %mul3A_382 : i32
          %mul3A_384 = arith.constant 8 : i32
          %mul3A_385 = arith.muli %select_n3A_360, %mul3A_384 : i32
          %add3A_386 = arith.addi %mul3A_383, %mul3A_385 : i32
          %jit3A_387 = arith.constant 2 : i32
          %eq3A_388 = arith.constant 0 : i32
          %eq3A_389 = arith.cmpi eq, %jit3A_387, %eq3A_388 : i32
          %jit3A_390 = arith.constant 1 : i32
          %select_n3A_391 = arith.select %eq3A_389, %jit3A_390, %jit3A_387 : i32
          %rem3A_392 = arith.remsi %select_n3A_360, %select_n3A_391 : i32
          %ne3A_393 = arith.constant 0 : i32
          %ne3A_394 = arith.cmpi ne, %rem3A_392, %ne3A_393 : i32
          %lt3A_395 = arith.constant 0 : i32
          %lt3A_396 = arith.cmpi slt, %rem3A_392, %lt3A_395 : i32
          %lt3A_397 = arith.constant 0 : i32
          %lt3A_398 = arith.cmpi slt, %select_n3A_391, %lt3A_397 : i32
          %ne3A_399 = arith.xori %lt3A_396, %lt3A_398 : i1
          %and3A_400 = arith.andi %ne3A_399, %ne3A_394 : i1
          %add3A_401 = arith.addi %rem3A_392, %select_n3A_391 : i32
          %select_n3A_402 = arith.select %and3A_400, %add3A_401, %rem3A_392 : i32
          %dma_wait3A_403 = arith.constant 0 : i32
          %dma_wait3A_404 = arith.constant 0 : i32
          %dma_wait3A_405 = tpu.memref_slice %arg8[%select_n3A_402, %dma_wait3A_403, %dma_wait3A_404] : memref<2x8x125xi32, #tpu.memory_space<vmem>> -> memref<1x8x125xi32, #tpu.memory_space<vmem>>
          %dma_wait3A_406 = tpu.memref_squeeze %dma_wait3A_405 : memref<1x8x125xi32, #tpu.memory_space<vmem>> -> memref<8x125xi32, #tpu.memory_space<vmem>>
          %dma_wait3A_407 = arith.constant 0 : i32
          %dma_wait3A_408 = tpu.memref_slice %arg3[%add3A_386, %dma_wait3A_407] : memref<2560x125xi32, #tpu.memory_space<hbm>> -> memref<8x125xi32, #tpu.memory_space<hbm>>
          %dma_wait3A_409 = arith.constant 0 : i32
          %dma_wait3A_410 = arith.constant 0 : i32
          %dma_wait3A_411 = tpu.memref_slice %arg8[%select_n3A_402, %dma_wait3A_409, %dma_wait3A_410] : memref<2x8x125xi32, #tpu.memory_space<vmem>> -> memref<1x8x125xi32, #tpu.memory_space<vmem>>
          %dma_wait3A_412 = tpu.memref_squeeze %dma_wait3A_411 : memref<1x8x125xi32, #tpu.memory_space<vmem>> -> memref<8x125xi32, #tpu.memory_space<vmem>>
          %dma_wait3A_413 = arith.constant 0 : i32
          %dma_wait3A_414 = tpu.memref_slice %arg3[%add3A_386, %dma_wait3A_413] : memref<2560x125xi32, #tpu.memory_space<hbm>> -> memref<8x125xi32, #tpu.memory_space<hbm>>
          tpu.wait_dma2 semaphore(%arg15 : memref<!tpu.dma_semaphore, #tpu.memory_space<semaphore_mem>>) src(%dma_wait3A_414 : memref<8x125xi32, #tpu.memory_space<hbm>>) dst(%dma_wait3A_412 : memref<8x125xi32, #tpu.memory_space<vmem>>)
          %add3A_415 = arith.constant 1 : i32
          %add3A_416 = arith.addi %select_n3A_360, %add3A_415 : i32
          %lt3A_417 = arith.constant 10 : i32
          %lt3A_418 = arith.cmpi slt, %add3A_416, %lt3A_417 : i32
          %convert_element_type3A_419 = arith.extui %lt3A_418 : i1 to i32
          %cond3A_420 = arith.constant 0 : i32
          %cond3A_421 = arith.cmpi ne, %convert_element_type3A_419, %cond3A_420 : i32
          scf.if %cond3A_421 {
            %add3A_422 = arith.constant 1 : i32
            %add3A_423 = arith.addi %select_n3A_360, %add3A_422 : i32
            %mul3A_424 = arith.constant 80 : i32
            %mul3A_425 = arith.muli %add3A, %mul3A_424 : i32
            %mul3A_426 = arith.constant 8 : i32
            %mul3A_427 = arith.muli %add3A_423, %mul3A_426 : i32
            %add3A_428 = arith.addi %mul3A_425, %mul3A_427 : i32
            %jit3A_429 = arith.constant 2 : i32
            %eq3A_430 = arith.constant 0 : i32
            %eq3A_431 = arith.cmpi eq, %jit3A_429, %eq3A_430 : i32
            %jit3A_432 = arith.constant 1 : i32
            %select_n3A_433 = arith.select %eq3A_431, %jit3A_432, %jit3A_429 : i32
            %rem3A_434 = arith.remsi %add3A_423, %select_n3A_433 : i32
            %ne3A_435 = arith.constant 0 : i32
            %ne3A_436 = arith.cmpi ne, %rem3A_434, %ne3A_435 : i32
            %lt3A_437 = arith.constant 0 : i32
            %lt3A_438 = arith.cmpi slt, %rem3A_434, %lt3A_437 : i32
            %lt3A_439 = arith.constant 0 : i32
            %lt3A_440 = arith.cmpi slt, %select_n3A_433, %lt3A_439 : i32
            %ne3A_441 = arith.xori %lt3A_438, %lt3A_440 : i1
            %and3A_442 = arith.andi %ne3A_441, %ne3A_436 : i1
            %add3A_443 = arith.addi %rem3A_434, %select_n3A_433 : i32
            %select_n3A_444 = arith.select %and3A_442, %add3A_443, %rem3A_434 : i32
            %dma_start3A_445 = arith.constant 0 : i32
            %dma_start3A_446 = arith.constant 0 : i32
            %dma_start3A_447 = tpu.memref_slice %arg8[%select_n3A_444, %dma_start3A_445, %dma_start3A_446] : memref<2x8x125xi32, #tpu.memory_space<vmem>> -> memref<1x8x125xi32, #tpu.memory_space<vmem>>
            %dma_start3A_448 = tpu.memref_squeeze %dma_start3A_447 : memref<1x8x125xi32, #tpu.memory_space<vmem>> -> memref<8x125xi32, #tpu.memory_space<vmem>>
            %dma_start3A_449 = arith.constant 0 : i32
            %dma_start3A_450 = tpu.memref_slice %arg3[%add3A_428, %dma_start3A_449] : memref<2560x125xi32, #tpu.memory_space<hbm>> -> memref<8x125xi32, #tpu.memory_space<hbm>>
            %dma_start3A_451 = arith.constant 0 : i32
            %dma_start3A_452 = arith.constant 0 : i32
            %dma_start3A_453 = tpu.memref_slice %arg8[%select_n3A_444, %dma_start3A_451, %dma_start3A_452] : memref<2x8x125xi32, #tpu.memory_space<vmem>> -> memref<1x8x125xi32, #tpu.memory_space<vmem>>
            %dma_start3A_454 = tpu.memref_squeeze %dma_start3A_453 : memref<1x8x125xi32, #tpu.memory_space<vmem>> -> memref<8x125xi32, #tpu.memory_space<vmem>>
            %dma_start3A_455 = arith.constant 0 : i32
            %dma_start3A_456 = tpu.memref_slice %arg3[%add3A_428, %dma_start3A_455] : memref<2560x125xi32, #tpu.memory_space<hbm>> -> memref<8x125xi32, #tpu.memory_space<hbm>>
            tpu.enqueue_dma source(%dma_start3A_456 : memref<8x125xi32, #tpu.memory_space<hbm>>) target(%dma_start3A_454 : memref<8x125xi32, #tpu.memory_space<vmem>>) target_semaphore(%arg15 : memref<!tpu.dma_semaphore, #tpu.memory_space<semaphore_mem>>)
          } else {
          }
        } else {
        }
      } else {
      }
      %dma_wait3A_185 = arith.constant 1 : i32
      %dma_wait3A_186 = arith.constant 0 : i32
      %dma_wait3A_187 = arith.constant 0 : i32
      %dma_wait3A_188 = tpu.memref_slice %arg9[%dma_wait3A_185, %dma_wait3A_186, %dma_wait3A_187] : memref<2x125x128xf32, #tpu.memory_space<vmem>> -> memref<1x125x128xf32, #tpu.memory_space<vmem>>
      %dma_wait3A_189 = tpu.memref_squeeze %dma_wait3A_188 : memref<1x125x128xf32, #tpu.memory_space<vmem>> -> memref<125x128xf32, #tpu.memory_space<vmem>>
      %dma_wait3A_190 = arith.constant 0 : i32
      %dma_wait3A_191 = tpu.memref_slice %arg7[%add3A_177, %dma_wait3A_190] : memref<80x125xi32, #tpu.memory_space<vmem>> -> memref<1x125xi32, #tpu.memory_space<vmem>>
      %dma_wait3A_192 = tpu.memref_squeeze %dma_wait3A_191 : memref<1x125xi32, #tpu.memory_space<vmem>> -> memref<125xi32, #tpu.memory_space<vmem>>
      %dma_wait3A_193 = arith.constant 0 : i32
      %dma_wait3A_194 = arith.constant 0 : i32
      %dma_wait3A_195 = tpu.memref_slice %arg4[%dma_wait3A_193, %dma_wait3A_194] : memref<10000x128xf32, #tpu.memory_space<hbm>> -> memref<10000x128xf32, #tpu.memory_space<hbm>>
      tpu.wait_indirect_dma semaphore(%arg12 : memref<!tpu.dma_semaphore, #tpu.memory_space<semaphore_mem>>) src(%dma_wait3A_195 : memref<10000x128xf32, #tpu.memory_space<hbm>>) dst(%dma_wait3A_189 : memref<125x128xf32, #tpu.memory_space<vmem>>)
      %jit3A_196 = arith.constant 8 : i32
      %div3A_197 = arith.divsi %add3A_177, %jit3A_196 : i32
      %sign3A_198 = arith.constant 0 : i32
      %sign3A_199 = arith.cmpi sgt, %add3A_177, %sign3A_198 : i32
      %sign3A_200 = arith.extui %sign3A_199 : i1 to i32
      %sign3A_201 = arith.constant 0 : i32
      %sign3A_202 = arith.cmpi slt, %add3A_177, %sign3A_201 : i32
      %sign3A_203 = arith.extui %sign3A_202 : i1 to i32
      %sign3A_204 = arith.subi %sign3A_200, %sign3A_203 : i32
      %sign3A_205 = arith.constant 0 : i32
      %sign3A_206 = arith.cmpi sgt, %jit3A_196, %sign3A_205 : i32
      %sign3A_207 = arith.extui %sign3A_206 : i1 to i32
      %sign3A_208 = arith.constant 0 : i32
      %sign3A_209 = arith.cmpi slt, %jit3A_196, %sign3A_208 : i32
      %sign3A_210 = arith.extui %sign3A_209 : i1 to i32
      %sign3A_211 = arith.subi %sign3A_207, %sign3A_210 : i32
      %ne3A_212 = arith.cmpi ne, %sign3A_204, %sign3A_211 : i32
      %rem3A_213 = arith.remsi %add3A_177, %jit3A_196 : i32
      %ne3A_214 = arith.constant 0 : i32
      %ne3A_215 = arith.cmpi ne, %rem3A_213, %ne3A_214 : i32
      %and3A_216 = arith.andi %ne3A_212, %ne3A_215 : i1
      %sub3A_217 = arith.constant 1 : i32
      %sub3A_218 = arith.subi %div3A_197, %sub3A_217 : i32
      %select_n3A_219 = arith.select %and3A_216, %sub3A_218, %div3A_197 : i32
      %jit3A_220 = arith.constant 2 : i32
      %eq3A_221 = arith.constant 0 : i32
      %eq3A_222 = arith.cmpi eq, %jit3A_220, %eq3A_221 : i32
      %jit3A_223 = arith.constant 1 : i32
      %select_n3A_224 = arith.select %eq3A_222, %jit3A_223, %jit3A_220 : i32
      %rem3A_225 = arith.remsi %select_n3A_219, %select_n3A_224 : i32
      %ne3A_226 = arith.constant 0 : i32
      %ne3A_227 = arith.cmpi ne, %rem3A_225, %ne3A_226 : i32
      %lt3A_228 = arith.constant 0 : i32
      %lt3A_229 = arith.cmpi slt, %rem3A_225, %lt3A_228 : i32
      %lt3A_230 = arith.constant 0 : i32
      %lt3A_231 = arith.cmpi slt, %select_n3A_224, %lt3A_230 : i32
      %ne3A_232 = arith.xori %lt3A_229, %lt3A_231 : i1
      %and3A_233 = arith.andi %ne3A_232, %ne3A_227 : i1
      %add3A_234 = arith.addi %rem3A_225, %select_n3A_224 : i32
      %select_n3A_235 = arith.select %and3A_233, %add3A_234, %rem3A_225 : i32
      %jit3A_236 = arith.constant 8 : i32
      %eq3A_237 = arith.constant 0 : i32
      %eq3A_238 = arith.cmpi eq, %jit3A_236, %eq3A_237 : i32
      %jit3A_239 = arith.constant 1 : i32
      %select_n3A_240 = arith.select %eq3A_238, %jit3A_239, %jit3A_236 : i32
      %rem3A_241 = arith.remsi %add3A_177, %select_n3A_240 : i32
      %ne3A_242 = arith.constant 0 : i32
      %ne3A_243 = arith.cmpi ne, %rem3A_241, %ne3A_242 : i32
      %lt3A_244 = arith.constant 0 : i32
      %lt3A_245 = arith.cmpi slt, %rem3A_241, %lt3A_244 : i32
      %lt3A_246 = arith.constant 0 : i32
      %lt3A_247 = arith.cmpi slt, %select_n3A_240, %lt3A_246 : i32
      %ne3A_248 = arith.xori %lt3A_245, %lt3A_247 : i1
      %and3A_249 = arith.andi %ne3A_248, %ne3A_243 : i1
      %add3A_250 = arith.addi %rem3A_241, %select_n3A_240 : i32
      %select_n3A_251 = arith.select %and3A_249, %add3A_250, %rem3A_241 : i32
      %dma_start3A_252 = arith.constant 1 : i32
      %dma_start3A_253 = arith.constant 0 : i32
      %dma_start3A_254 = arith.constant 0 : i32
      %dma_start3A_255 = tpu.memref_slice %arg9[%dma_start3A_252, %dma_start3A_253, %dma_start3A_254] : memref<2x125x128xf32, #tpu.memory_space<vmem>> -> memref<1x125x128xf32, #tpu.memory_space<vmem>>
      %dma_start3A_256 = tpu.memref_squeeze %dma_start3A_255 : memref<1x125x128xf32, #tpu.memory_space<vmem>> -> memref<125x128xf32, #tpu.memory_space<vmem>>
      %dma_start3A_257 = arith.constant 0 : i32
      %dma_start3A_258 = tpu.memref_slice %arg8[%select_n3A_235, %select_n3A_251, %dma_start3A_257] : memref<2x8x125xi32, #tpu.memory_space<vmem>> -> memref<1x1x125xi32, #tpu.memory_space<vmem>>
      %dma_start3A_259 = tpu.memref_squeeze %dma_start3A_258 : memref<1x1x125xi32, #tpu.memory_space<vmem>> -> memref<125xi32, #tpu.memory_space<vmem>>
      %dma_start3A_260 = arith.constant 0 : i32
      %dma_start3A_261 = arith.constant 0 : i32
      %dma_start3A_262 = tpu.memref_slice %arg10[%dma_start3A_260, %dma_start3A_261] : memref<10112x128xf32, #tpu.memory_space<vmem_shared>> -> memref<10112x128xf32, #tpu.memory_space<vmem_shared>>
      tpu.enqueue_indirect_dma source(%dma_start3A_256 : memref<125x128xf32, #tpu.memory_space<vmem>>) target(%dma_start3A_262 : memref<10112x128xf32, #tpu.memory_space<vmem_shared>>) offsets(%dma_start3A_259 : memref<125xi32, #tpu.memory_space<vmem>>) semaphore(%arg14 : memref<!tpu.dma_semaphore, #tpu.memory_space<semaphore_mem>>) {add = true}
    }
    %scan3A_82 = arith.constant 40 : i32
    %dma_wait3A_83 = arith.constant 1 : i32
    %dma_wait3A_84 = arith.constant 1 : i32
    %dma_wait3A_85 = arith.constant 7 : i32
    %dma_wait3A_86 = arith.constant 0 : i32
    %dma_wait3A_87 = arith.constant 0 : i32
    %dma_wait3A_88 = tpu.memref_slice %arg9[%dma_wait3A_83, %dma_wait3A_86, %dma_wait3A_87] : memref<2x125x128xf32, #tpu.memory_space<vmem>> -> memref<1x125x128xf32, #tpu.memory_space<vmem>>
    %dma_wait3A_89 = tpu.memref_squeeze %dma_wait3A_88 : memref<1x125x128xf32, #tpu.memory_space<vmem>> -> memref<125x128xf32, #tpu.memory_space<vmem>>
    %dma_wait3A_90 = arith.constant 0 : i32
    %dma_wait3A_91 = tpu.memref_slice %arg8[%dma_wait3A_84, %dma_wait3A_85, %dma_wait3A_90] : memref<2x8x125xi32, #tpu.memory_space<vmem>> -> memref<1x1x125xi32, #tpu.memory_space<vmem>>
    %dma_wait3A_92 = tpu.memref_squeeze %dma_wait3A_91 : memref<1x1x125xi32, #tpu.memory_space<vmem>> -> memref<125xi32, #tpu.memory_space<vmem>>
    %dma_wait3A_93 = arith.constant 0 : i32
    %dma_wait3A_94 = arith.constant 0 : i32
    %dma_wait3A_95 = tpu.memref_slice %arg10[%dma_wait3A_93, %dma_wait3A_94] : memref<10112x128xf32, #tpu.memory_space<vmem_shared>> -> memref<10112x128xf32, #tpu.memory_space<vmem_shared>>
    tpu.wait_indirect_dma semaphore(%arg14 : memref<!tpu.dma_semaphore, #tpu.memory_space<semaphore_mem>>) src(%dma_wait3A_89 : memref<125x128xf32, #tpu.memory_space<vmem>>) dst(%dma_wait3A_95 : memref<10112x128xf32, #tpu.memory_space<vmem_shared>>)
    %barrier3A_96 = arith.constant 0 : index
    tpu.barrier barrier_id(%barrier3A_96)
    "tpu.region"() ({
      %run_scoped3A = tpu.sem_alloc : memref<!tpu.dma_semaphore, #tpu.memory_space<semaphore_mem>>
      %dma_start3A_97 = arith.constant 0 : i32
      %dma_start3A_98 = tpu.memref_slice %arg6[%arg0, %mul3A_2, %dma_start3A_97] : memref<2x10112x128xf32, #tpu.memory_space<hbm>> -> memref<1x632x128xf32, #tpu.memory_space<hbm>>
      %dma_start3A_99 = tpu.memref_squeeze %dma_start3A_98 : memref<1x632x128xf32, #tpu.memory_space<hbm>> -> memref<632x128xf32, #tpu.memory_space<hbm>>
      %dma_start3A_100 = arith.constant 0 : i32
      %dma_start3A_101 = tpu.memref_slice %arg10[%mul3A_2, %dma_start3A_100] : memref<10112x128xf32, #tpu.memory_space<vmem_shared>> -> memref<632x128xf32, #tpu.memory_space<vmem_shared>>
      tpu.enqueue_dma source(%dma_start3A_101 : memref<632x128xf32, #tpu.memory_space<vmem_shared>>) target(%dma_start3A_99 : memref<632x128xf32, #tpu.memory_space<hbm>>) target_semaphore(%run_scoped3A : memref<!tpu.dma_semaphore, #tpu.memory_space<semaphore_mem>>)
      %dma_wait3A_102 = arith.constant 0 : i32
      %dma_wait3A_103 = tpu.memref_slice %arg6[%arg0, %mul3A_2, %dma_wait3A_102] : memref<2x10112x128xf32, #tpu.memory_space<hbm>> -> memref<1x632x128xf32, #tpu.memory_space<hbm>>
      %dma_wait3A_104 = tpu.memref_squeeze %dma_wait3A_103 : memref<1x632x128xf32, #tpu.memory_space<hbm>> -> memref<632x128xf32, #tpu.memory_space<hbm>>
      %dma_wait3A_105 = arith.constant 0 : i32
      %dma_wait3A_106 = tpu.memref_slice %arg10[%mul3A_2, %dma_wait3A_105] : memref<10112x128xf32, #tpu.memory_space<vmem_shared>> -> memref<632x128xf32, #tpu.memory_space<vmem_shared>>
      tpu.wait_dma2 semaphore(%run_scoped3A : memref<!tpu.dma_semaphore, #tpu.memory_space<semaphore_mem>>) src(%dma_wait3A_106 : memref<632x128xf32, #tpu.memory_space<vmem_shared>>) dst(%dma_wait3A_104 : memref<632x128xf32, #tpu.memory_space<hbm>>)
      tpu.yield
    }) : () -> ()
    return
  }
}

module attributes {stable_mosaic.version = 14 : i64} {
  func.func @_tc1_body(%arg0: i32, %arg1: memref<5000x128xf32, #tpu.memory_space<vmem>>, %arg2: memref<128x128xf32, #tpu.memory_space<vmem>>, %arg3: memref<128x128xf32, #tpu.memory_space<vmem>>, %arg4: memref<1x128xf32, #tpu.memory_space<vmem>>, %arg5: memref<5000x128xf32, #tpu.memory_space<vmem>>, %arg6: memref<5000x128xf32, #tpu.memory_space<vmem>>) attributes {dimension_semantics = [#tpu.dimension_semantics<arbitrary>], iteration_bounds = array<i64: 2>, scalar_prefetch = 0 : i64, scratch_operands = 0 : i64, tpu.core_type = #tpu.core_type<tc>, window_params = [{transform_indices = @transform_0, window_bounds = array<i64: 5000, 128>}, {pipeline_mode = #tpu.pipeline_mode<synchronous>, transform_indices = @transform_1, window_bounds = array<i64: 128, 128>}, {pipeline_mode = #tpu.pipeline_mode<synchronous>, transform_indices = @transform_2, window_bounds = array<i64: 128, 128>}, {pipeline_mode = #tpu.pipeline_mode<synchronous>, transform_indices = @transform_3, window_bounds = array<i64: 1, 128>}, {transform_indices = @transform_4, window_bounds = array<i64: 5000, 128>}, {transform_indices = @transform_5, window_bounds = array<i64: 5000, 128>}]} {
    %get3A = arith.constant 0 : index
    %get3A_0 = arith.constant 0 : index
    %get3A_1 = vector.load %arg1[%get3A, %get3A_0] : memref<5000x128xf32, #tpu.memory_space<vmem>>, vector<5000x128xf32>
    %get3A_2 = arith.constant 0 : index
    %get3A_3 = arith.constant 0 : index
    %get3A_4 = vector.load %arg2[%get3A_2, %get3A_3] : memref<128x128xf32, #tpu.memory_space<vmem>>, vector<128x128xf32>
    %dot_general3A = arith.constant dense<0.000000e+00> : vector<5000x128xf32>
    %dot_general3A_5 = tpu.matmul %get3A_1, %get3A_4, %dot_general3A {dimension_numbers = #tpu.dot_dimension_numbers<[1], [1], [0], [0], [0, 0, 1, 0], [], []>, transpose_lhs_hint = false} : vector<5000x128xf32>, vector<128x128xf32>, vector<5000x128xf32> -> vector<5000x128xf32>
    %get3A_6 = arith.constant 0 : index
    %get3A_7 = arith.constant 0 : index
    %get3A_8 = vector.load %arg4[%get3A_6, %get3A_7] : memref<1x128xf32, #tpu.memory_space<vmem>>, vector<1x128xf32>
    %add3A = vector.broadcast %get3A_8 : vector<1x128xf32> to vector<5000x128xf32>
    %add3A_9 = arith.addf %dot_general3A_5, %add3A : vector<5000x128xf32>
    %swap3A = arith.constant 0 : index
    %swap3A_10 = arith.constant 0 : index
    %swap3A_11 = vector.load %arg5[%swap3A, %swap3A_10] : memref<5000x128xf32, #tpu.memory_space<vmem>>, vector<5000x128xf32>
    tpu.vector_store %arg5[%swap3A, %swap3A_10], %add3A_9 {strides = array<i32>} : memref<5000x128xf32, #tpu.memory_space<vmem>>, vector<5000x128xf32>,
    %get3A_12 = arith.constant 0 : index
    %get3A_13 = arith.constant 0 : index
    %get3A_14 = vector.load %arg3[%get3A_12, %get3A_13] : memref<128x128xf32, #tpu.memory_space<vmem>>, vector<128x128xf32>
    %dot_general3A_15 = arith.constant dense<0.000000e+00> : vector<5000x128xf32>
    %dot_general3A_16 = tpu.matmul %get3A_1, %get3A_14, %dot_general3A_15 {dimension_numbers = #tpu.dot_dimension_numbers<[1], [1], [0], [0], [0, 0, 1, 0], [], []>, transpose_lhs_hint = false} : vector<5000x128xf32>, vector<128x128xf32>, vector<5000x128xf32> -> vector<5000x128xf32>
    %swap3A_17 = arith.constant 0 : index
    %swap3A_18 = arith.constant 0 : index
    %swap3A_19 = vector.load %arg6[%swap3A_17, %swap3A_18] : memref<5000x128xf32, #tpu.memory_space<vmem>>, vector<5000x128xf32>
    tpu.vector_store %arg6[%swap3A_17, %swap3A_18], %dot_general3A_16 {strides = array<i32>} : memref<5000x128xf32, #tpu.memory_space<vmem>>, vector<5000x128xf32>,
    return
  }
  func.func @transform_0(%arg0: i32) -> (i32, i32) {
    %c0_i32 = arith.constant 0 : i32
    %c0_i32_0 = arith.constant 0 : i32
    return %arg0, %c0_i32 : i32, i32
  }
  func.func @transform_1(%arg0: i32) -> (i32, i32) {
    %c0_i32 = arith.constant 0 : i32
    %c0_i32_0 = arith.constant 0 : i32
    %c0_i32_1 = arith.constant 0 : i32
    return %c0_i32, %c0_i32_0 : i32, i32
  }
  func.func @transform_2(%arg0: i32) -> (i32, i32) {
    %c0_i32 = arith.constant 0 : i32
    %c0_i32_0 = arith.constant 0 : i32
    %c0_i32_1 = arith.constant 0 : i32
    return %c0_i32, %c0_i32_0 : i32, i32
  }
  func.func @transform_3(%arg0: i32) -> (i32, i32) {
    %c0_i32 = arith.constant 0 : i32
    %c0_i32_0 = arith.constant 0 : i32
    %c0_i32_1 = arith.constant 0 : i32
    return %c0_i32, %c0_i32_0 : i32, i32
  }
  func.func @transform_4(%arg0: i32) -> (i32, i32) {
    %c0_i32 = arith.constant 0 : i32
    %c0_i32_0 = arith.constant 0 : i32
    return %arg0, %c0_i32 : i32, i32
  }
  func.func @transform_5(%arg0: i32) -> (i32, i32) {
    %c0_i32 = arith.constant 0 : i32
    %c0_i32_0 = arith.constant 0 : i32
    return %arg0, %c0_i32 : i32, i32
  }
}

module attributes {stable_mosaic.version = 14 : i64} {
  func.func @_tc_inv_body(%arg0: i32, %arg1: memref<32x10240xf32, #tpu.memory_space<vmem>>, %arg2: memref<10240x1xf32, #tpu.memory_space<vmem>>) attributes {dimension_semantics = [#tpu.dimension_semantics<arbitrary>], iteration_bounds = array<i64: 1>, scalar_prefetch = 0 : i64, scratch_operands = 0 : i64, tpu.core_type = #tpu.core_type<tc>, window_params = [{pipeline_mode = #tpu.pipeline_mode<synchronous>, transform_indices = @transform_0, window_bounds = array<i64: 32, 10240>}, {pipeline_mode = #tpu.pipeline_mode<synchronous>, transform_indices = @transform_1, window_bounds = array<i64: 10240, 1>}]} {
    %get3A = arith.constant 0 : index
    %get3A_0 = arith.constant 0 : index
    %get3A_1 = vector.load %arg1[%get3A, %get3A_0] : memref<32x10240xf32, #tpu.memory_space<vmem>>, vector<32x10240xf32>
    %reduce_sum3A = arith.constant dense<0.000000e+00> : vector<10240xf32>
    %reduce_sum3A_2 = vector.multi_reduction <add>, %get3A_1, %reduce_sum3A [0] : vector<32x10240xf32> to vector<10240xf32>
    %broadcast_in_dim3A = vector.shape_cast %reduce_sum3A_2 : vector<10240xf32> to vector<10240x1xf32>
    %max3A = arith.constant 1.000000e+00 : f32
    %max3A_3 = vector.broadcast %max3A : f32 to vector<10240x1xf32>
    %max3A_4 = arith.maximumf %broadcast_in_dim3A, %max3A_3 : vector<10240x1xf32>
    %div3A = arith.constant 1.000000e+00 : f32
    %div3A_5 = vector.broadcast %div3A : f32 to vector<10240x1xf32>
    %div3A_6 = arith.divf %div3A_5, %max3A_4 : vector<10240x1xf32>
    %swap3A = arith.constant 0 : index
    %swap3A_7 = arith.constant 0 : index
    %swap3A_8 = vector.load %arg2[%swap3A, %swap3A_7] : memref<10240x1xf32, #tpu.memory_space<vmem>>, vector<10240x1xf32>
    tpu.vector_store %arg2[%swap3A, %swap3A_7], %div3A_6 {strides = array<i32>} : memref<10240x1xf32, #tpu.memory_space<vmem>>, vector<10240x1xf32>,
    return
  }
  func.func @transform_0(%arg0: i32) -> (i32, i32) {
    %c0_i32 = arith.constant 0 : i32
    %c0_i32_0 = arith.constant 0 : i32
    %c0_i32_1 = arith.constant 0 : i32
    return %c0_i32, %c0_i32_0 : i32, i32
  }
  func.func @transform_1(%arg0: i32) -> (i32, i32) {
    %c0_i32 = arith.constant 0 : i32
    %c0_i32_0 = arith.constant 0 : i32
    %c0_i32_1 = arith.constant 0 : i32
    return %c0_i32, %c0_i32_0 : i32, i32
  }
}

module attributes {stable_mosaic.version = 14 : i64} {
  func.func @_tc2_body(%arg0: i32, %arg1: memref<5000x128xf32, #tpu.memory_space<vmem>>, %arg2: memref<2x5000x128xf32, #tpu.memory_space<vmem>>, %arg3: memref<5000x1xf32, #tpu.memory_space<vmem>>, %arg4: memref<128x128xf32, #tpu.memory_space<vmem>>, %arg5: memref<128x128xf32, #tpu.memory_space<vmem>>, %arg6: memref<1x128xf32, #tpu.memory_space<vmem>>, %arg7: memref<5000x128xf32, #tpu.memory_space<vmem>>, %arg8: memref<5000x128xf32, #tpu.memory_space<vmem>>) attributes {dimension_semantics = [#tpu.dimension_semantics<arbitrary>], iteration_bounds = array<i64: 2>, scalar_prefetch = 0 : i64, scratch_operands = 0 : i64, tpu.core_type = #tpu.core_type<tc>, window_params = [{transform_indices = @transform_0, window_bounds = array<i64: 5000, 128>}, {transform_indices = @transform_1, window_bounds = array<i64: 2, 5000, 128>}, {transform_indices = @transform_2, window_bounds = array<i64: 5000, 1>}, {pipeline_mode = #tpu.pipeline_mode<synchronous>, transform_indices = @transform_3, window_bounds = array<i64: 128, 128>}, {pipeline_mode = #tpu.pipeline_mode<synchronous>, transform_indices = @transform_4, window_bounds = array<i64: 128, 128>}, {pipeline_mode = #tpu.pipeline_mode<synchronous>, transform_indices = @transform_5, window_bounds = array<i64: 1, 128>}, {transform_indices = @transform_6, window_bounds = array<i64: 5000, 128>}, {transform_indices = @transform_7, window_bounds = array<i64: 5000, 128>}]} {
    %get3A = arith.constant 0 : index
    %get3A_0 = arith.constant 0 : index
    %get3A_1 = vector.load %arg1[%get3A, %get3A_0] : memref<5000x128xf32, #tpu.memory_space<vmem>>, vector<5000x128xf32>
    %get3A_2 = arith.constant 0 : index
    %get3A_3 = arith.constant 0 : index
    %get3A_4 = arith.constant 0 : index
    %get3A_5 = vector.load %arg2[%get3A_2, %get3A_3, %get3A_4] : memref<2x5000x128xf32, #tpu.memory_space<vmem>>, vector<1x5000x128xf32>
    %get3A_6 = vector.shape_cast %get3A_5 : vector<1x5000x128xf32> to vector<5000x128xf32>
    %get3A_7 = arith.constant 1 : index
    %get3A_8 = arith.constant 0 : index
    %get3A_9 = arith.constant 0 : index
    %get3A_10 = vector.load %arg2[%get3A_7, %get3A_8, %get3A_9] : memref<2x5000x128xf32, #tpu.memory_space<vmem>>, vector<1x5000x128xf32>
    %get3A_11 = vector.shape_cast %get3A_10 : vector<1x5000x128xf32> to vector<5000x128xf32>
    %add3A = arith.addf %get3A_6, %get3A_11 : vector<5000x128xf32>
    %get3A_12 = arith.constant 0 : index
    %get3A_13 = arith.constant 0 : index
    %get3A_14 = vector.load %arg3[%get3A_12, %get3A_13] : memref<5000x1xf32, #tpu.memory_space<vmem>>, vector<5000x1xf32>
    %mul3A = vector.broadcast %get3A_14 : vector<5000x1xf32> to vector<5000x128xf32>
    %mul3A_15 = arith.mulf %add3A, %mul3A : vector<5000x128xf32>
    %add3A_16 = arith.addf %get3A_1, %mul3A_15 : vector<5000x128xf32>
    %get3A_17 = arith.constant 0 : index
    %get3A_18 = arith.constant 0 : index
    %get3A_19 = vector.load %arg4[%get3A_17, %get3A_18] : memref<128x128xf32, #tpu.memory_space<vmem>>, vector<128x128xf32>
    %dot_general3A = arith.constant dense<0.000000e+00> : vector<5000x128xf32>
    %dot_general3A_20 = tpu.matmul %add3A_16, %get3A_19, %dot_general3A {dimension_numbers = #tpu.dot_dimension_numbers<[1], [1], [0], [0], [0, 0, 1, 0], [], []>, transpose_lhs_hint = false} : vector<5000x128xf32>, vector<128x128xf32>, vector<5000x128xf32> -> vector<5000x128xf32>
    %get3A_21 = arith.constant 0 : index
    %get3A_22 = arith.constant 0 : index
    %get3A_23 = vector.load %arg6[%get3A_21, %get3A_22] : memref<1x128xf32, #tpu.memory_space<vmem>>, vector<1x128xf32>
    %add3A_24 = vector.broadcast %get3A_23 : vector<1x128xf32> to vector<5000x128xf32>
    %add3A_25 = arith.addf %dot_general3A_20, %add3A_24 : vector<5000x128xf32>
    %swap3A = arith.constant 0 : index
    %swap3A_26 = arith.constant 0 : index
    %swap3A_27 = vector.load %arg7[%swap3A, %swap3A_26] : memref<5000x128xf32, #tpu.memory_space<vmem>>, vector<5000x128xf32>
    tpu.vector_store %arg7[%swap3A, %swap3A_26], %add3A_25 {strides = array<i32>} : memref<5000x128xf32, #tpu.memory_space<vmem>>, vector<5000x128xf32>,
    %get3A_28 = arith.constant 0 : index
    %get3A_29 = arith.constant 0 : index
    %get3A_30 = vector.load %arg5[%get3A_28, %get3A_29] : memref<128x128xf32, #tpu.memory_space<vmem>>, vector<128x128xf32>
    %dot_general3A_31 = arith.constant dense<0.000000e+00> : vector<5000x128xf32>
    %dot_general3A_32 = tpu.matmul %add3A_16, %get3A_30, %dot_general3A_31 {dimension_numbers = #tpu.dot_dimension_numbers<[1], [1], [0], [0], [0, 0, 1, 0], [], []>, transpose_lhs_hint = false} : vector<5000x128xf32>, vector<128x128xf32>, vector<5000x128xf32> -> vector<5000x128xf32>
    %swap3A_33 = arith.constant 0 : index
    %swap3A_34 = arith.constant 0 : index
    %swap3A_35 = vector.load %arg8[%swap3A_33, %swap3A_34] : memref<5000x128xf32, #tpu.memory_space<vmem>>, vector<5000x128xf32>
    tpu.vector_store %arg8[%swap3A_33, %swap3A_34], %dot_general3A_32 {strides = array<i32>} : memref<5000x128xf32, #tpu.memory_space<vmem>>, vector<5000x128xf32>,
    return
  }
  func.func @transform_0(%arg0: i32) -> (i32, i32) {
    %c0_i32 = arith.constant 0 : i32
    %c0_i32_0 = arith.constant 0 : i32
    return %arg0, %c0_i32 : i32, i32
  }
  func.func @transform_1(%arg0: i32) -> (i32, i32, i32) {
    %c0_i32 = arith.constant 0 : i32
    %c0_i32_0 = arith.constant 0 : i32
    %c0_i32_1 = arith.constant 0 : i32
    return %c0_i32, %arg0, %c0_i32_0 : i32, i32, i32
  }
  func.func @transform_2(%arg0: i32) -> (i32, i32) {
    %c0_i32 = arith.constant 0 : i32
    %c0_i32_0 = arith.constant 0 : i32
    return %arg0, %c0_i32 : i32, i32
  }
  func.func @transform_3(%arg0: i32) -> (i32, i32) {
    %c0_i32 = arith.constant 0 : i32
    %c0_i32_0 = arith.constant 0 : i32
    %c0_i32_1 = arith.constant 0 : i32
    return %c0_i32, %c0_i32_0 : i32, i32
  }
  func.func @transform_4(%arg0: i32) -> (i32, i32) {
    %c0_i32 = arith.constant 0 : i32
    %c0_i32_0 = arith.constant 0 : i32
    %c0_i32_1 = arith.constant 0 : i32
    return %c0_i32, %c0_i32_0 : i32, i32
  }
  func.func @transform_5(%arg0: i32) -> (i32, i32) {
    %c0_i32 = arith.constant 0 : i32
    %c0_i32_0 = arith.constant 0 : i32
    %c0_i32_1 = arith.constant 0 : i32
    return %c0_i32, %c0_i32_0 : i32, i32
  }
  func.func @transform_6(%arg0: i32) -> (i32, i32) {
    %c0_i32 = arith.constant 0 : i32
    %c0_i32_0 = arith.constant 0 : i32
    return %arg0, %c0_i32 : i32, i32
  }
  func.func @transform_7(%arg0: i32) -> (i32, i32) {
    %c0_i32 = arith.constant 0 : i32
    %c0_i32_0 = arith.constant 0 : i32
    return %arg0, %c0_i32 : i32, i32
  }
}

module attributes {stable_mosaic.version = 14 : i64} {
  func.func @_tc3_body(%arg0: i32, %arg1: memref<5000x128xf32, #tpu.memory_space<vmem>>, %arg2: memref<2x5000x128xf32, #tpu.memory_space<vmem>>, %arg3: memref<5000x1xf32, #tpu.memory_space<vmem>>, %arg4: memref<5000x128xf32, #tpu.memory_space<vmem>>) attributes {dimension_semantics = [#tpu.dimension_semantics<arbitrary>], iteration_bounds = array<i64: 2>, scalar_prefetch = 0 : i64, scratch_operands = 0 : i64, tpu.core_type = #tpu.core_type<tc>, window_params = [{transform_indices = @transform_0, window_bounds = array<i64: 5000, 128>}, {transform_indices = @transform_1, window_bounds = array<i64: 2, 5000, 128>}, {transform_indices = @transform_2, window_bounds = array<i64: 5000, 1>}, {transform_indices = @transform_3, window_bounds = array<i64: 5000, 128>}]} {
    %get3A = arith.constant 0 : index
    %get3A_0 = arith.constant 0 : index
    %get3A_1 = vector.load %arg1[%get3A, %get3A_0] : memref<5000x128xf32, #tpu.memory_space<vmem>>, vector<5000x128xf32>
    %get3A_2 = arith.constant 0 : index
    %get3A_3 = arith.constant 0 : index
    %get3A_4 = arith.constant 0 : index
    %get3A_5 = vector.load %arg2[%get3A_2, %get3A_3, %get3A_4] : memref<2x5000x128xf32, #tpu.memory_space<vmem>>, vector<1x5000x128xf32>
    %get3A_6 = vector.shape_cast %get3A_5 : vector<1x5000x128xf32> to vector<5000x128xf32>
    %get3A_7 = arith.constant 1 : index
    %get3A_8 = arith.constant 0 : index
    %get3A_9 = arith.constant 0 : index
    %get3A_10 = vector.load %arg2[%get3A_7, %get3A_8, %get3A_9] : memref<2x5000x128xf32, #tpu.memory_space<vmem>>, vector<1x5000x128xf32>
    %get3A_11 = vector.shape_cast %get3A_10 : vector<1x5000x128xf32> to vector<5000x128xf32>
    %add3A = arith.addf %get3A_6, %get3A_11 : vector<5000x128xf32>
    %get3A_12 = arith.constant 0 : index
    %get3A_13 = arith.constant 0 : index
    %get3A_14 = vector.load %arg3[%get3A_12, %get3A_13] : memref<5000x1xf32, #tpu.memory_space<vmem>>, vector<5000x1xf32>
    %mul3A = vector.broadcast %get3A_14 : vector<5000x1xf32> to vector<5000x128xf32>
    %mul3A_15 = arith.mulf %add3A, %mul3A : vector<5000x128xf32>
    %add3A_16 = arith.addf %get3A_1, %mul3A_15 : vector<5000x128xf32>
    %swap3A = arith.constant 0 : index
    %swap3A_17 = arith.constant 0 : index
    %swap3A_18 = vector.load %arg4[%swap3A, %swap3A_17] : memref<5000x128xf32, #tpu.memory_space<vmem>>, vector<5000x128xf32>
    tpu.vector_store %arg4[%swap3A, %swap3A_17], %add3A_16 {strides = array<i32>} : memref<5000x128xf32, #tpu.memory_space<vmem>>, vector<5000x128xf32>,
    return
  }
  func.func @transform_0(%arg0: i32) -> (i32, i32) {
    %c0_i32 = arith.constant 0 : i32
    %c0_i32_0 = arith.constant 0 : i32
    return %arg0, %c0_i32 : i32, i32
  }
  func.func @transform_1(%arg0: i32) -> (i32, i32, i32) {
    %c0_i32 = arith.constant 0 : i32
    %c0_i32_0 = arith.constant 0 : i32
    %c0_i32_1 = arith.constant 0 : i32
    return %c0_i32, %arg0, %c0_i32_0 : i32, i32, i32
  }
  func.func @transform_2(%arg0: i32) -> (i32, i32) {
    %c0_i32 = arith.constant 0 : i32
    %c0_i32_0 = arith.constant 0 : i32
    return %arg0, %c0_i32 : i32, i32
  }
  func.func @transform_3(%arg0: i32) -> (i32, i32) {
    %c0_i32 = arith.constant 0 : i32
    %c0_i32_0 = arith.constant 0 : i32
    return %arg0, %c0_i32 : i32, i32
  }
}

</mosaic_0001>

<sc_bundles>
// kernel: kernel.12.cloned.1.call-start
scs
__scs_entry_jumppad:
0x0: {  	(pc) =	sbr.rel $0x88, $3  }
0x1: {  	(tag) =	ssettag $0x0;
	lr =	simm.s32 $0x1  }
0x2: {  	[smem:$0x3F99] =	sst lr;
	_ =	strace $0xD0000000  }
0x3: {  	_ = 	snop  }
0x4: {  	_ = 	snop  }
0x5: {  	_ = 	snop  }
0x6: {  	_ = 	snop  }
0x7: {  	_ = 	snop  }
__scs_overlays_trampoline_lowered:
0x8: {  	[smem:$0x3FA8] =	sst s0  }
0x9: {  	[smem:$0x3FA9] =	sst s1  }
0xa: {  	[smem:$0x3FAA] =	sst s2  }
0xb: {  	[smem:$0x3FAB] =	sst s3  }
0xc: {  	[smem:$0x3FAC] =	sst s4  }
0xd: {  	[smem:$0x3FAD] =	sst s5  }
0xe: {  	[smem:$0x3FAE] =	sst s6  }
0xf: {  	[smem:$0x3FAF] =	sst s7  }
0x10: {  	[smem:$0x3FB0] =	sst s8  }
0x11: {  	[smem:$0x3FB1] =	sst s9;
	s0 =	simm.s32 @!p0 $0x0  }
0x12: {  	s1 =	sld [smem:$0x3F97];
	s0 =	simm.s32 @p0 $0x1  }
0x13: {  	[smem:$0x3FB2] =	sst s0;
	s0 =	simm.s32 @!p1 $0x0  }
0x14: {  	s2 =	sld [smem:$0x3F96];
	s0 =	simm.s32 @p1 $0x1  }
0x15: {  	[smem:$0x3FB3] =	sst s0;
	s0 =	simm.s32 @!p2 $0x0  }
0x16: {  	s3 =	sld [smem:$0x3FDB];
	s0 =	simm.s32 @p2 $0x1  }
0x17: {  	s4 =	simm.s32 $0x1BF5;
	[smem:$0x3FB5] =	sst s0  }
0x18: {  	s0 =	sld [smem:$0x3F98];
	_ =	swait.ge [sflag:s4], $0x0  }
0x19: {  	s7 =	sld [smem:$0x3F99]  }
0x1a: {  	s8 =	sadd.s32 $0xFFFFE003, lr  }
0x1b: {  	s9 =	sadd.s32 $0xFFFFFEF7, lr;
	s5 =	simm.s32 $0xFFFFFFFF;
	p2 =	slt.u32 s8, $0xFFFFF086  }
0x1c: {  	p1 =	slt.u32 s9, $0xF7A;
	s5 =	simm.s32 @!p2 $0x0  }
0x1d: {  	s5 =	simm.s32 @p1 $0x1;
	p0 =	seq.s32 s7, s2  }
0x1e: {  	s7 =	smul.u32 @!p0 $0xF7A, s2;
	p2 =	seq.s32 @!p0 s5, $0x0  }
0x1f: {  	s9 =	smul.u32 $0xF7A, s1;
	s8 =	simm.s32 @!p0 $0x1BF5;
	p2 =	por !p2, p0  }
0x20: {  	[sflag:s8] =	ssyncset.s32 @!p0 $0xFFFFF086;
	s6 =	sadd.s32 @!p0 s3, s7;
	s7 =	simm.s32 @!p0 $0x108  }
0x21: {  	s3 =	sadd.s32 s3, s9;
	s6 =	sadd.s32 @!p0 $0x88, s6;
	s7 =	simm.s32 @p2 $0x1082  }
0x22: {  	[simem:s7], [sflag:s8] =	dma.local @!p0 [hbm:s6], $0xF7A  }
0x23: {  	s9 =	sor.u32 $0xD0000000, s2;
	s6 =	simm.s32 $0x108;
	_ =	swait.ge @!p0 [sflag:s8], $0x0  }
0x24: {  	s3 =	sadd.s32 $0x88, s3;
	s6 =	simm.s32 @!p1 $0x1082;
	[sflag:s4] =	ssyncset.s32 $0xFFFFF086  }
0x25: {  	[simem:s6], [sflag:s4] =	dma.local [hbm:s3], $0xF7A  }
0x26: {  	[smem:$0x3F99] =	sst s1;
	(tag) =	ssettag s2;
	_ =	strace s9  }
0x27: {  	s1 =	sld [smem:$0x3FA9]  }
0x28: {  	s2 =	sld [smem:$0x3FAA]  }
0x29: {  	s4 =	sld [smem:$0x3FAC]  }
0x2a: {  	p0 =	seq.s32 s5, $0x0;
	s5 =	sld [smem:$0x3FAD]  }
0x2b: {  	s6 =	sld [smem:$0x3FAE]  }
0x2c: {  	s7 =	sld [smem:$0x3FAF]  }
0x2d: {  	s3 =	simm.s32 $0x108;
	s8 =	sld [smem:$0x3FB0]  }
0x2e: {  	s3 =	simm.s32 @!p0 $0x1082;
	s9 =	sld [smem:$0x3FB1]  }
0x2f: {  	lr =	sadd.s32 s0, s3;
	s0 =	sld [smem:$0x3FA8]  }
0x30: {  	s3 =	sld [smem:$0x3FAB]  }
0x31: {  	[smem:$0x3FB4] =	sst s10  }
0x32: {  	s10 =	sld [smem:$0x3FB2];
	_ =	sdelay $0x3  }
0x33: {  	p0 =	seq.s32 s10, $0x1;
	s10 =	sld [smem:$0x3FB4];
	_ =	sdelay $0x3  }
0x34: {  	[smem:$0x3FB4] =	sst s10  }
0x35: {  	s10 =	sld [smem:$0x3FB3];
	_ =	sdelay $0x3  }
0x36: {  	p1 =	seq.s32 s10, $0x1;
	s10 =	sld [smem:$0x3FB4];
	_ =	sdelay $0x3  }
0x37: {  	[smem:$0x3FB4] =	sst s10  }
0x38: {  	s10 =	sld [smem:$0x3FB5]  }
0x39: {  	_ = 	snop;
	(pc) =	sbr.ind lr, $3  }
0x3a: {  	_ = 	snop  }
0x3b: {  	_ = 	snop  }
0x3c: {  	p2 =	seq.s32 s10, $0x1;
	s10 =	sld [smem:$0x3FB4]  }
0x3d: {  	_ =	shalt  }
0x3e: {  	_ =	shalt  }
0x3f: {  	_ =	shalt  }
0x40: {  	_ =	shalt  }
0x41: {  	_ =	shalt  }
0x42: {  	_ =	shalt  }
0x43: {  	_ =	shalt  }
0x44: {  	_ =	shalt  }
0x45: {  	_ =	shalt  }
0x46: {  	_ =	shalt  }
0x47: {  	_ =	shalt  }
0x48: {  	_ =	shalt  }
0x49: {  	_ =	shalt  }
0x4a: {  	_ =	shalt  }
0x4b: {  	_ =	shalt  }
0x4c: {  	_ =	shalt  }
0x4d: {  	_ =	shalt  }
0x4e: {  	_ =	shalt  }
0x4f: {  	_ =	shalt  }
0x50: {  	_ =	shalt  }
0x51: {  	_ =	shalt  }
0x52: {  	_ =	shalt  }
0x53: {  	_ =	shalt  }
0x54: {  	_ =	shalt  }
0x55: {  	_ =	shalt  }
0x56: {  	_ =	shalt  }
0x57: {  	_ =	shalt  }
0x58: {  	_ =	shalt  }
0x59: {  	_ =	shalt  }
0x5a: {  	_ =	shalt  }
0x5b: {  	_ =	shalt  }
0x5c: {  	_ =	shalt  }
0x5d: {  	_ =	shalt  }
0x5e: {  	_ =	shalt  }
0x5f: {  	_ =	shalt  }
0x60: {  	_ =	shalt  }
0x61: {  	_ =	shalt  }
0x62: {  	_ =	shalt  }
0x63: {  	_ =	shalt  }
0x64: {  	_ =	shalt  }
0x65: {  	_ =	shalt  }
0x66: {  	_ =	shalt  }
0x67: {  	_ =	shalt  }
0x68: {  	_ =	shalt  }
0x69: {  	_ =	shalt  }
0x6a: {  	_ =	shalt  }
0x6b: {  	_ =	shalt  }
0x6c: {  	_ =	shalt  }
0x6d: {  	_ =	shalt  }
0x6e: {  	_ =	shalt  }
0x6f: {  	_ =	shalt  }
0x70: {  	_ =	shalt  }
0x71: {  	_ =	shalt  }
0x72: {  	_ =	shalt  }
0x73: {  	_ =	shalt  }
0x74: {  	_ =	shalt  }
0x75: {  	_ =	shalt  }
0x76: {  	_ =	shalt  }
0x77: {  	_ =	shalt  }
0x78: {  	_ =	shalt  }
0x79: {  	_ =	shalt  }
0x7a: {  	_ =	shalt  }
0x7b: {  	_ =	shalt  }
0x7c: {  	_ =	shalt  }
0x7d: {  	_ =	shalt  }
0x7e: {  	_ =	shalt  }
0x7f: {  	_ =	shalt  }
0x80: {  	_ =	shalt  }
0x81: {  	_ =	shalt  }
0x82: {  	_ =	shalt  }
0x83: {  	_ =	shalt  }
0x84: {  	_ =	shalt  }
0x85: {  	_ =	shalt  }
0x86: {  	_ =	shalt  }
0x87: {  	_ =	shalt  }
.Lfunc_end0:
.L_simem_size_0:
called_computation.1_lowered:
.L_overlay_start_0:
0x88: {  	s2 =	sld [smem:$0x3FD9]  }
0x89: {  	s3 =	sld [smem:$0x3FFE];
	_ =	sdelay $0x1  }
0x8a: {  	s1 =	srdreg.scid  }
0x8b: {  	s0 =	sand.u32 $0x1, s1  }
0x8c: {  	s17 =	sshll.u32 s0, $0xA;
	s2 =	sadd.s32 s3, s2  }
0x8d: {  	s2 =	sadd.s32 s2, s17  }
0x8e: {  	[smem:$0x3FC0] =	sst s2  }
0x8f: {  	_ = 	snop  }
0x90: {  	s18 =	sld [smem:$0x3FD0];
	(tm) =	ssettm $0x1  }
0x91: {  	s19 =	sld [smem:$0x3FFB];
	_ =	sdelay $0x3  }
0x92: {  	_ =	strace s19  }
0x93: {  	s2 =	sld [smem:$0x3FFC];
	_ =	sdelay $0x3  }
0x94: {  	_ =	strace s2  }
0x95: {  	s2 =	sld [smem:$0x3FFD];
	_ =	sdelay $0x3  }
0x96: {  	_ =	strace s2  }
0x97: {  	_ =	strace $0x8FFFFFFF  }
0x98: {  	s20 =	sld [smem:$0x3FDB];
	_ =	sdelay $0x1  }
0x99: {  	s4 =	simm.s32 $_scs_section_size  }
0x9a: {  	s5 =	simm.s32 $_size__tile_overlayer_lowered;
	s6 =	simm.s32 $_tile_overlayer_lowered  }
0x9b: {  	s7 =	simm.s32 $0x1BFF;
	s21 =	sshll.u32 s6, $0x1;
	s4 =	sadd.s32 s4, s20  }
0x9c: {  	s22 =	simm.s32 $0x0;
	s5 =	sshll.u32 s5, $0x1;
	s6 =	sadd.s32 s21, s4  }
0x9d: {  	[timem:s22], [sflag:s7] =	dma.local [hbm:s6], s5  }
0x9e: {  	_ =	swait.ge [sflag:s7], s5  }
0x9f: {  	s5 =	ssub.s32 $0x0, s5;
	[sflag:s7] =	ssyncset.done $0x0  }
0xa0: {  	[sflag:s7] =	ssyncadd.s32 s5;
	_ =	sdelay $0x1  }
0xa1: {  	s23 =	simm.s32 $0x1B8B  }
0xa2: {  	_ =	swait.ge [sflag:s23], $0x1  }
0xa3: {  	[sflag:s23] =	ssyncset.done $0x0  }
0xa4: {  	[sflag:s23] =	ssyncadd.s32 $0xFFFFFFFF  }
0xa5: {  	s5 =	sld [smem:$0x0]  }
0xa6: {  	s6 =	sand.u32 $0xFFFFFFFE, s1  }
0xa7: {  	p0 =	sne.s32 s1, s6  }
0xa8: {  	s6 =	sshll.u32 @p0 s6, $0xE  }
0xa9: {  	s6 =	sadd.s32 @p0 $0x11B8D, s6;
	s7 =	sshll.u32 @p0 s5, $0x11  }
0xaa: {  	s6 =	sor.u32 @p0 s7, s6  }
0xab: {  	[sflag:s6] =	ssyncadd.remote.s32 @p0 $0x1;
	_ =	sdelay $0x1  }
0xac: {  	s6 =	simm.s32 @p0 $0x1B8D  }
0xad: {  	_ =	swait.eq @p0 [sflag:s6], $0x1  }
0xae: {  	[sflag:s6] =	ssyncadd.s32 @p0 $0xFFFFFFFF  }
0xaf: {  	s7 =	sshll.u32 @!p0 s1, $0xE  }
0xb0: {  	s7 =	sor.u32 @!p0 $0x4000, s7;
	s6 =	simm.s32 @!p0 $0x1B8D  }
0xb1: {  	s5 =	sshll.u32 @!p0 s5, $0x11;
	s7 =	sadd.s32 @!p0 $0x11B8D, s7;
	_ =	swait.eq @!p0 [sflag:s6], $0x1  }
0xb2: {  	s5 =	sor.u32 @!p0 s5, s7;
	[sflag:s6] =	ssyncadd.s32 @!p0 $0xFFFFFFFF  }
0xb3: {  	s25 =	simm.s32 $0x1B8E;
	s24 =	sld [smem:$0x3FFE];
	[sflag:s5] =	ssyncadd.remote.s32 @!p0 $0x1  }
0xb4: {  	s26 =	simm.s32 $execute0_lowered;
	[smem:$0x3FD2] =	sst s25  }
0xb5: {  	s6 =	sshll.u32 s26, $0x1;
	_ =	strace $0x80000049;
	[dreg:$0x1] =	wrdreg $0xFFFFFFFF  }
0xb6: {  	s28 =	simm.s32 $_size_execute0_lowered;
	s4 =	sadd.s32 s4, s6;
	[dreg:$0x0] =	wrdreg $0x0  }
0xb7: {  	s6 =	sshll.u32 s28, $0x1;
	[dreg:$0x2] =	wrdreg s4  }
0xb8: {  	[dreg:$0x3] =	wrdreg s6  }
0xb9: {  	[dreg:$0x4] =	wrdreg $0xC0  }
0xba: {  	_ =	task [dreg:s22], $0x5FFFF  }
0xbb: {  	[dreg:$0x1] =	wrdreg $0xFFFFFFFF  }
0xbc: {  	[dreg:$0x0] =	wrdreg $0x60  }
0xbd: {  	[dreg:$0x2] =	wrdreg s24  }
0xbe: {  	[dreg:$0x3] =	wrdreg s18  }
0xbf: {  	[dreg:$0x4] =	wrdreg $0xB0000  }
0xc0: {  	[dreg:$0x5] =	wrdreg $0xA  }
0xc1: {  	_ =	task.clear_ibuf [dreg:s22], $0x6FFFF;
	_ =	strace $0x90000049  }
0xc2: {  	s29 =	simm.s32 $0xA;
	_ =	strace $0x8000004B  }
0xc3: {  	_ =	swait.ge [sflag:s29], $0x1  }
0xc4: {  	[sflag:s29] =	ssyncadd.s32 $0xFFFFFFFF  }
0xc5: {  	_ =	strace $0x9000004B  }
0xc6: {  	_ =	sfence  }
0xc7: {  	s30 =	sld [smem:$0x0];
	_ =	sdelay $0x2  }
0xc8: {  	s31 =	sshll.u32 s1, $0xD;
	s1 =	sshrl.u32 s1, $0x2  }
0xc9: {  	s4 =	sand.u32 $0x4000, s31;
	s1 =	sadd.s32 s1, s30  }
0xca: {  	s0 =	sor.u32 s4, s0;
	s1 =	sshll.u32 s1, $0x11  }
0xcb: {  	s0 =	sor.u32 s1, s0  }
0xcc: {  	s0 =	sadd.s32 $0x8F2B, s0  }
0xcd: {  	[sflag:s0] =	ssyncadd.remote.s32 $0x1  }
0xce: {  	_ =	sfence.sel $0xFFFF  }
0xcf: {  	[dreg:$0x0] =	wrdreg $0xFFFFFFFF;
	(pc) =	sbr.abs _section_cstart, $3  }
0xd0: {  	[dreg:$0x1] =	wrdreg $0xFFFFFFFF  }
0xd1: {  	_ =	task.clear_ibuf [dreg:s22], $0x2FFFF;
	_ =	strace $0x9FFFFFFF  }
0xd2: {  	(tm) =	ssettm $0x7FFFFFFF  }
0xd3: {  	_ =	shalt  }
tec
execute0_lowered:
.L_overlay_start_1:
0x0: {  	(tag) =	ssettag $0x1  }
0x1: {  	s1 =	rddreg [dreg:$0x0]  }
0x2: {  	s0 =	srdreg.scid;
	s2 =	rddreg [dreg:$0x1]  }
0x3: {  	s13 =	stileid.u32;
	s3 =	rddreg [dreg:$0x2]  }
0x4: {  	s15 =	simm.s32 $0x6;
	s16 =	simm.s32 $0x2800;
	s17 =	simm.s32 $0x5  }
0x5: {  	s19 =	simm.s32 $0x7D;
	s20 =	simm.s32 $0x3000;
	s22 =	simm.s32 $0x7000  }
0x6: {  	s23 =	simm.s32 $0x3;
	s24 =	simm.s32 $0x2;
	s28 =	simm.s32 $0x1  }
0x7: {  	s0 =	sand.u32 $0x1, s0;
	s6 =	smul.u32 $0x13C00, s13;
	s5 =	sadd.s32 $0x16400, s1  }
0x8: {  	s12 =	smul.u32 $0x4F000, s13;
	s30 =	sshll.u32 s13, $0x6;
	s4 =	sshll.u32 s0, $0x4  }
0x9: {  	s8 =	smul.u32 $0x13C000, s0;
	s0 =	ssub.s32 $0x2, s0;
	s11 =	sor.u32 s13, s4  }
0xa: {  	s4 =	simm.s32 $0x0;
	s10 =	sshrl.u32 s6, $0x3;
	s26 =	sshrl.u32 s0, $0x1  }
0xb: {  	s12 =	sshrl.u32 s12, $0x2;
	s7 =	smul.u32 $0x500, s11;
	[smem:$0x7FF] =	sst s4  }
0xc: {  	s10 =	sadd.s32 s10, s1;
	s6 =	sadd.s32 s6, s8;
	s0 =	ssub.s32 s0, s26  }
0xd: {  	s14 =	sadd.s32 s12, s3;
	s8 =	sor.u32 $0x1C06, s30;
	s11 =	smul.u32 $0xA, s11  }
0xe: {  	s26 =	simm.s32 $0x4;
	_ =	strace $0x8000004A;
	s6 =	sshrl.u32 s6, $0x3  }
0xf: {  	s29 =	sadd.s32 $0x2A400, s10;
	s13 =	smax.u32 s0, $0x1;
	s14 =	sshrl.u32 s14, $0x3  }
0x10: {  	s9 =	sadd.s32 s7, s1;
	s1 =	sadd.s32 s6, s1;
	s7 =	sadd.s32 s5, s7  }
0x11: {  	[dreg:$0x4] =	wrdreg s29;
	s31 =	sadd.s32 $0x20400, s9;
	s10 =	sadd.s32 $0x80, s7  }
0x12: {  	s12 =	sadd.s32 $0x51C00, s1;
	s1 =	simm.s32 $0x0;
	[dreg:$0x5] =	wrdreg s31  }
.LBB2_1:
0x13: {  	s0 =	rddreg [dreg:$0x4]  }
0x14: {  	[spmem:s14], [sflag:s8] =	dma.local [hbm:s0], $0x2780  }
0x15: {  	_ =	swait.ge [sflag:s15], $0x2780  }
0x16: {  	[sflag:s15] =	ssyncset.done $0x0  }
0x17: {  	s25 =	rddreg [dreg:$0x5];
	[sflag:s15] =	ssyncadd.s32 $0xFFFFD880  }
0x18: {  	[tilespmem:s4], [sflag:$0x6] =	stream.linear.gather [hbm4b:s25+s4], $0x2800, $0x38;
	[tilespmem:$0x1EC00] =	vst v63  }
0x19: {  	_ =	swait.ge [sflag:s15], $0x2800  }
0x1a: {  	[sflag:s15] =	ssyncset.done $0x0  }
0x1b: {  	[sflag:s15] =	ssyncadd.s32 $0xFFFFD800  }
0x1c: {  	[bflag:$0x0] =	sbarrier.arrive $0xFFFF  }
0x1d: {  	[tilespmem:s16], [sflag:$0x5] =	stream.linear.gather [hbm4b:s7+s4], $0x400, $0x38;
	[tilespmem:$0x1EC00] =	vst v63  }
0x1e: {  	_ =	swait.ge [sflag:s17], $0x400  }
0x1f: {  	[sflag:s17] =	ssyncset.done $0x0  }
0x20: {  	s31 =	simm.s32 $0x2C00;
	[sflag:s17] =	ssyncadd.s32 $0xFFFFFC00  }
0x21: {  	[tilespmem:s31], [sflag:$0x5] =	stream.linear.gather [hbm4b:s10+s4], $0x400, $0x38;
	[tilespmem:$0x1EC00] =	vst v63  }
0x22: {  	_ = 	snop  }
0x23: {  	[tilespmem:s20], [sflag:$0x1] =	stream.indirect.gather [hbm4b:s2+s19], $0x80, s4, s19, $0xb8;
	[tilespmem:$0x1EC00] =	vst v63  }
0x24: {  	s6 =	simm.s32 $0x80  }
0x25: {  	[tilespmem:s22], [sflag:$0x2] =	stream.indirect.gather [hbm4b:s2+s19], $0x80, s6, s19, $0xb8;
	[tilespmem:$0x1EC00] =	vst v63  }
0x26: {  	_ =	swait.ge [sflag:s28], $0x3E80  }
0x27: {  	[sflag:s28] =	ssyncset.done $0x0  }
0x28: {  	[sflag:s28] =	ssyncadd.s32 $0xFFFFC180  }
0x29: {  	[spmem:s3] =	stream.indirect.scatter.add.f32 [tilespmem:s20], [sflag:$0x3], $0x80, s16, s19, $0xb8;
	[tilespmem:$0x1EC00] =	vst v63  }
0x2a: {  	_ =	swait.ge [sflag:s23], $0x3E80  }
0x2b: {  	[sflag:s23] =	ssyncset.done $0x0  }
0x2c: {  	s0 =	simm.s32 $0x100;
	[sflag:s23] =	ssyncadd.s32 $0xFFFFC180  }
0x2d: {  	[tilespmem:s20], [sflag:$0x1] =	stream.indirect.gather [hbm4b:s2+s19], $0x80, s0, s19, $0xb8;
	[tilespmem:$0x1EC00] =	vst v63  }
0x2e: {  	_ =	swait.ge [sflag:s24], $0x3E80  }
0x2f: {  	s18 =	sand.u32 $0x3, s28;
	[sflag:s24] =	ssyncset.done $0x0  }
0x30: {  	p0 =	sne.s32 s18, $0x0;
	s6 =	simm.s32 $0x2880;
	[sflag:s24] =	ssyncadd.s32 $0xFFFFC180  }
0x31: {  	[spmem:s3] =	stream.indirect.scatter.add.f32 [tilespmem:s22], [sflag:$0x4], $0x80, s6, s19, $0xb8;
	[tilespmem:$0x1EC00] =	vst v63  }
0x32: {  	s9 =	simm.s32 $0x180;
	p1 =	por @!p0 $0x0, $0x0;
	_ =	swait.ge [sflag:s26], $0x3E80  }
0x33: {  	s21 =	simm.s32 @!p0 $0x5;
	p1 =	por p1, p0;
	[sflag:s26] =	ssyncset.done $0x0  }
0x34: {  	s29 =	simm.s32 @!p1 $0x400;
	s25 =	sadd.s32 @!p1 $0x1, s11;
	[sflag:s26] =	ssyncadd.s32 $0xFFFFC180  }
0x35: {  	[tilespmem:s22], [sflag:$0x2] =	stream.indirect.gather [hbm4b:s2+s19], $0x80, s9, s19, $0xb8;
	[tilespmem:$0x1EC00] =	vst v63  }
0x36: {  	s18 =	sand.u32 @!p1 $0x400, s29;
	s25 =	sshll.u32 @!p1 s25, $0x7;
	_ =	swait.ge @!p0 [sflag:s21], $0x400  }
0x37: {  	s18 =	sor.u32 @!p1 $0x2800, s18;
	s25 =	sand.u32 @!p1 $0x1FFFFF80, s25;
	[sflag:s21] =	ssyncset.done @!p0 $0x0  }
0x38: {  	s25 =	sadd.s32 @!p1 s5, s25;
	[sflag:s21] =	ssyncadd.s32 @!p0 $0xFFFFFC00;
	s21 =	simm.s32 @!p1 $0x0  }
0x39: {  	[tilespmem:s18], [sflag:$0x5] =	stream.linear.gather @!p1 [hbm4b:s25+s21], $0x400, $0x38;
	[tilespmem:$0x1EC00] =	vst v63  }
0x3a: {  	_ =	swait.ge [sflag:s28], $0x3E80  }
0x3b: {  	s29 =	sand.u32 $0x700, s0;
	[sflag:s28] =	ssyncset.done $0x0  }
0x3c: {  	s25 =	sor.u32 $0x2800, s29;
	[sflag:s28] =	ssyncadd.s32 $0xFFFFC180  }
0x3d: {  	[spmem:s3] =	stream.indirect.scatter.add.f32 [tilespmem:s20], [sflag:$0x3], $0x80, s25, s19, $0xb8;
	[tilespmem:$0x1EC00] =	vst v63  }
0x3e: {  	s31 =	simm.s32 $0x200;
	_ =	swait.ge [sflag:s23], $0x3E80  }
0x3f: {  	s21 =	simm.s32 $0x3;
	s25 =	simm.s32 $0x2;
	[sflag:s23] =	ssyncset.done $0x0  }
0x40: {  	s18 =	simm.s32 $0x300;
	s30 =	sand.u32 $0x3, s25;
	[sflag:s23] =	ssyncadd.s32 $0xFFFFC180  }
0x41: {  	[tilespmem:s20], [sflag:$0x1] =	stream.indirect.gather [hbm4b:s2+s19], $0x80, s31, s19, $0xb8;
	[tilespmem:$0x1EC00] =	vst v63  }
.LBB2_2:
0x42: {  	p1 =	sne.s32 s30, $0x0;
	s0 =	sadd.s32 $0x100, s0  }
0x43: {  	s30 =	smov.u32 s21;
	s21 =	sadd.s32 $0x1, s21;
	s31 =	smov.u32 s18  }
0x44: {  	p0 =	sne.s32 s21, $0x27;
	p2 =	sgt.u32 @!p1 s25, $0x23;
	_ =	swait.ge [sflag:s24], $0x3E80  }
0x45: {  	s29 =	sor.u32 $0x2880, s29;
	p2 =	por p2, p1;
	[sflag:s24] =	ssyncset.done $0x0  }
0x46: {  	s6 =	sadd.s32 $0xFFFFFF80, s18;
	s25 =	sshrl.u32 @!p2 s25, $0x2;
	[sflag:s24] =	ssyncadd.s32 $0xFFFFC180  }
0x47: {  	[spmem:s3] =	stream.indirect.scatter.add.f32 [tilespmem:s22], [sflag:$0x4], $0x80, s29, s19, $0xb8;
	[tilespmem:$0x1EC00] =	vst v63  }
0x48: {  	s29 =	simm.s32 @!p1 $0x5;
	s25 =	sadd.s32 @!p2 $0x1, s25;
	_ =	swait.ge [sflag:s26], $0x3E80  }
0x49: {  	s9 =	sadd.s32 @!p2 s11, s25;
	s25 =	sshll.u32 @!p2 s25, $0xA;
	[sflag:s26] =	ssyncset.done $0x0  }
0x4a: {  	s25 =	sand.u32 @!p2 $0x400, s25;
	s9 =	sshll.u32 @!p2 s9, $0x7;
	[sflag:s26] =	ssyncadd.s32 $0xFFFFC180  }
0x4b: {  	[tilespmem:s22], [sflag:$0x2] =	stream.indirect.gather [hbm4b:s2+s19], $0x80, s6, s19, $0xb8;
	[tilespmem:$0x1EC00] =	vst v63  }
0x4c: {  	s9 =	sand.u32 @!p2 $0x1FFFFF80, s9;
	s6 =	sor.u32 @!p2 $0x2800, s25;
	_ =	swait.ge @!p1 [sflag:s29], $0x400  }
0x4d: {  	s9 =	sadd.s32 @!p2 s5, s9;
	s25 =	smov.u32 s30;
	[sflag:s29] =	ssyncset.done @!p1 $0x0  }
0x4e: {  	[sflag:s29] =	ssyncadd.s32 @!p1 $0xFFFFFC00;
	s29 =	simm.s32 @!p2 $0x0  }
0x4f: {  	[tilespmem:s6], [sflag:$0x5] =	stream.linear.gather @!p2 [hbm4b:s9+s29], $0x400, $0x38;
	[tilespmem:$0x1EC00] =	vst v63  }
0x50: {  	_ =	swait.ge [sflag:s28], $0x3E80  }
0x51: {  	s29 =	sand.u32 $0x700, s0;
	[sflag:s28] =	ssyncset.done $0x0  }
0x52: {  	s6 =	sor.u32 $0x2800, s29;
	[sflag:s28] =	ssyncadd.s32 $0xFFFFC180  }
0x53: {  	[spmem:s3] =	stream.indirect.scatter.add.f32 [tilespmem:s20], [sflag:$0x3], $0x80, s6, s19, $0xb8;
	[tilespmem:$0x1EC00] =	vst v63  }
.Ltmp0:
0x54: {  	_ = 	snop;
	(pc) =	sbr.rel @p0 .LBB2_2-.Ltmp0, $4  }
0x55: {  	_ =	swait.ge [sflag:s23], $0x3E80  }
0x56: {  	[sflag:s23] =	ssyncset.done $0x0  }
0x57: {  	s18 =	sadd.s32 $0x100, s18;
	s30 =	sand.u32 $0x3, s25;
	[sflag:s23] =	ssyncadd.s32 $0xFFFFC180  }
0x58: {  	[tilespmem:s20], [sflag:$0x1] =	stream.indirect.gather [hbm4b:s2+s19], $0x80, s31, s19, $0xb8;
	[tilespmem:$0x1EC00] =	vst v63  }
0x59: {  	p0 =	sne.s32 s30, $0x0;
	_ =	swait.ge [sflag:s24], $0x3E80  }
0x5a: {  	p1 =	sgt.u32 @!p0 s25, $0x23;
	[sflag:s24] =	ssyncset.done $0x0  }
0x5b: {  	s6 =	sor.u32 $0x2880, s29;
	p1 =	por p1, p0;
	[sflag:s24] =	ssyncadd.s32 $0xFFFFC180  }
0x5c: {  	[spmem:s3] =	stream.indirect.scatter.add.f32 [tilespmem:s22], [sflag:$0x4], $0x80, s6, s19, $0xb8;
	[tilespmem:$0x1EC00] =	vst v63  }
0x5d: {  	s31 =	sadd.s32 $0xFFFFFF80, s18;
	s9 =	sshrl.u32 @!p1 s25, $0x2;
	_ =	swait.ge [sflag:s26], $0x3E80  }
0x5e: {  	s21 =	simm.s32 @!p0 $0x5;
	s9 =	sadd.s32 @!p1 $0x1, s9;
	[sflag:s26] =	ssyncset.done $0x0  }
0x5f: {  	s25 =	sadd.s32 @!p1 s11, s9;
	s9 =	sshll.u32 @!p1 s9, $0xA;
	[sflag:s26] =	ssyncadd.s32 $0xFFFFC180  }
0x60: {  	[tilespmem:s22], [sflag:$0x2] =	stream.indirect.gather [hbm4b:s2+s19], $0x80, s31, s19, $0xb8;
	[tilespmem:$0x1EC00] =	vst v63  }
0x61: {  	s6 =	sand.u32 @!p1 $0x400, s9;
	s9 =	sshll.u32 @!p1 s25, $0x7;
	_ =	swait.ge @!p0 [sflag:s21], $0x400  }
0x62: {  	s6 =	sor.u32 @!p1 $0x2800, s6;
	s9 =	sand.u32 @!p1 $0x1FFFFF80, s9;
	[sflag:s21] =	ssyncset.done @!p0 $0x0  }
0x63: {  	s9 =	sadd.s32 @!p1 s5, s9;
	[sflag:s21] =	ssyncadd.s32 @!p0 $0xFFFFFC00;
	s21 =	simm.s32 @!p1 $0x0  }
0x64: {  	[tilespmem:s6], [sflag:$0x5] =	stream.linear.gather @!p1 [hbm4b:s9+s21], $0x400, $0x38;
	[tilespmem:$0x1EC00] =	vst v63  }
0x65: {  	s0 =	sadd.s32 $0x100, s0;
	_ =	swait.ge [sflag:s28], $0x3E80  }
0x66: {  	s0 =	sand.u32 $0x700, s0;
	[sflag:s28] =	ssyncset.done $0x0  }
0x67: {  	s25 =	sor.u32 $0x2800, s0;
	[sflag:s28] =	ssyncadd.s32 $0xFFFFC180  }
0x68: {  	[spmem:s3] =	stream.indirect.scatter.add.f32 [tilespmem:s20], [sflag:$0x3], $0x80, s25, s19, $0xb8;
	[tilespmem:$0x1EC00] =	vst v63  }
0x69: {  	_ =	swait.ge [sflag:s23], $0x3E80  }
0x6a: {  	[sflag:s23] =	ssyncset.done $0x0  }
0x6b: {  	[sflag:s23] =	ssyncadd.s32 $0xFFFFC180  }
0x6c: {  	[tilespmem:s20], [sflag:$0x1] =	stream.indirect.gather [hbm4b:s2+s19], $0x80, s18, s19, $0xb8;
	[tilespmem:$0x1EC00] =	vst v63  }
0x6d: {  	_ =	swait.ge [sflag:s24], $0x3E80  }
0x6e: {  	[sflag:s24] =	ssyncset.done $0x0  }
0x6f: {  	s0 =	sor.u32 $0x2880, s0;
	[sflag:s24] =	ssyncadd.s32 $0xFFFFC180  }
0x70: {  	[spmem:s3] =	stream.indirect.scatter.add.f32 [tilespmem:s22], [sflag:$0x4], $0x80, s0, s19, $0xb8;
	[tilespmem:$0x1EC00] =	vst v63  }
0x71: {  	_ =	swait.ge [sflag:s26], $0x3E80  }
0x72: {  	[sflag:s26] =	ssyncset.done $0x0  }
0x73: {  	s29 =	simm.s32 $0x2780;
	[sflag:s26] =	ssyncadd.s32 $0xFFFFC180  }
0x74: {  	[tilespmem:s22], [sflag:$0x2] =	stream.indirect.gather [hbm4b:s2+s19], $0x80, s29, s19, $0xb8;
	[tilespmem:$0x1EC00] =	vst v63  }
0x75: {  	_ =	swait.ge [sflag:s28], $0x3E80  }
0x76: {  	[sflag:s28] =	ssyncset.done $0x0  }
0x77: {  	s30 =	simm.s32 $0x2F00;
	[sflag:s28] =	ssyncadd.s32 $0xFFFFC180  }
0x78: {  	[spmem:s3] =	stream.indirect.scatter.add.f32 [tilespmem:s20], [sflag:$0x3], $0x80, s30, s19, $0xb8;
	[tilespmem:$0x1EC00] =	vst v63  }
0x79: {  	_ =	swait.ge [sflag:s23], $0x3E80  }
0x7a: {  	[sflag:s23] =	ssyncset.done $0x0  }
0x7b: {  	[sflag:s23] =	ssyncadd.s32 $0xFFFFC180  }
0x7c: {  	_ =	swait.ge [sflag:s24], $0x3E80  }
0x7d: {  	[sflag:s24] =	ssyncset.done $0x0  }
0x7e: {  	s31 =	simm.s32 $0x2F80;
	[sflag:s24] =	ssyncadd.s32 $0xFFFFC180  }
0x7f: {  	[spmem:s3] =	stream.indirect.scatter.add.f32 [tilespmem:s22], [sflag:$0x4], $0x80, s31, s19, $0xb8;
	[tilespmem:$0x1EC00] =	vst v63  }
0x80: {  	_ =	swait.ge [sflag:s26], $0x3E80  }
0x81: {  	s1 =	sadd.s32 $0x1, s1;
	[sflag:s26] =	ssyncset.done $0x0  }
0x82: {  	p0 =	sne.s32 s1, s13;
	[sflag:s26] =	ssyncadd.s32 $0xFFFFC180  }
.Ltmp1:
0x83: {  	[bflag:$0x0] =	sbarrier.arrive $0xFFFF;
	(pc) =	sbr.rel @p0 .LBB2_1-.Ltmp1, $4  }
0x84: {  	[hbm:s12], [sflag:s8] =	dma.local [spmem:s14], $0x2780  }
0x85: {  	_ =	swait.ge [sflag:s15], $0x2780  }
0x86: {  	[sflag:s15] =	ssyncset.done $0x0  }
0x87: {  	[sflag:s15] =	ssyncadd.s32 $0xFFFFD880  }
0x88: {  	_ =	sfence.sel $0x180000  }
0x89: {  	[bflag:$0x0] =	sbarrier.arrive $0xFFFF  }
0x8a: {  	_ =	strace $0x9000004A  }
0x8b: {  	s0 =	stileid.u32;
	[bflag:$0x2] =	sbarrier.arrive $0xFFFF  }
0x8c: {  	p0 =	sne.s32 s0, $0x0;
	s0 =	rddreg [dreg:$0x3]  }
0x8d: {  	s0 =	sadd.s32 @!p0 $0x100000, s0  }
0x8e: {  	[sflag:s0] =	ssyncadd.tile.s32 @!p0 $0x1;
	_ =	shalt  }
.Lfunc_end2:
_tile_overlayer_lowered:
.L_overlay_start_2:
0x8f: {  	(tag) =	ssettag $0x2  }
0x90: {  	s0 =	rddreg [dreg:$0x0];
	s2 =	stileid.u32  }
0x91: {  	s1 =	rddreg [dreg:$0x1];
	p0 =	sne.s32 s2, $0x0  }
0x92: {  	s3 =	rddreg [dreg:$0x2];
	[bflag:$0x3] =	sbarrier.arrive $0xFFFF;
	s2 =	simm.s32 @!p0 $0x1C06  }
0x93: {  	[timem:s3], [sflag:s2] =	dma.local @!p0 [hbm:s0], s1  }
0x94: {  	s0 =	simm.s32 @!p0 $0x6  }
0x95: {  	_ =	swait.ge @!p0 [sflag:s0], s1  }
0x96: {  	s1 =	ssub.s32 @!p0 $0x0, s1;
	[sflag:s0] =	ssyncset.done @!p0 $0x0  }
0x97: {  	[sflag:s0] =	ssyncadd.s32 @!p0 s1  }
0x98: {  	[bflag:$0x3] =	sbarrier.arrive $0xFFFF  }
0x99: {  	_ =	shalt  }

// kernel: kernel.15.cloned.1.call-start
scs
__scs_entry_jumppad:
0x0: {  	(pc) =	sbr.rel $0x88, $3  }
0x1: {  	(tag) =	ssettag $0x0;
	lr =	simm.s32 $0x1  }
0x2: {  	[smem:$0x3F99] =	sst lr;
	_ =	strace $0xD0000000  }
0x3: {  	_ = 	snop  }
0x4: {  	_ = 	snop  }
0x5: {  	_ = 	snop  }
0x6: {  	_ = 	snop  }
0x7: {  	_ = 	snop  }
__scs_overlays_trampoline_lowered:
0x8: {  	[smem:$0x3FA8] =	sst s0  }
0x9: {  	[smem:$0x3FA9] =	sst s1  }
0xa: {  	[smem:$0x3FAA] =	sst s2  }
0xb: {  	[smem:$0x3FAB] =	sst s3  }
0xc: {  	[smem:$0x3FAC] =	sst s4  }
0xd: {  	[smem:$0x3FAD] =	sst s5  }
0xe: {  	[smem:$0x3FAE] =	sst s6  }
0xf: {  	[smem:$0x3FAF] =	sst s7  }
0x10: {  	[smem:$0x3FB0] =	sst s8  }
0x11: {  	[smem:$0x3FB1] =	sst s9;
	s0 =	simm.s32 @!p0 $0x0  }
0x12: {  	s1 =	sld [smem:$0x3F97];
	s0 =	simm.s32 @p0 $0x1  }
0x13: {  	[smem:$0x3FB2] =	sst s0;
	s0 =	simm.s32 @!p1 $0x0  }
0x14: {  	s2 =	sld [smem:$0x3F96];
	s0 =	simm.s32 @p1 $0x1  }
0x15: {  	[smem:$0x3FB3] =	sst s0;
	s0 =	simm.s32 @!p2 $0x0  }
0x16: {  	s3 =	sld [smem:$0x3FDB];
	s0 =	simm.s32 @p2 $0x1  }
0x17: {  	s4 =	simm.s32 $0x1BF5;
	[smem:$0x3FB5] =	sst s0  }
0x18: {  	s0 =	sld [smem:$0x3F98];
	_ =	swait.ge [sflag:s4], $0x0  }
0x19: {  	s7 =	sld [smem:$0x3F99]  }
0x1a: {  	s8 =	sadd.s32 $0xFFFFE003, lr  }
0x1b: {  	s9 =	sadd.s32 $0xFFFFFEF7, lr;
	s5 =	simm.s32 $0xFFFFFFFF;
	p2 =	slt.u32 s8, $0xFFFFF086  }
0x1c: {  	p1 =	slt.u32 s9, $0xF7A;
	s5 =	simm.s32 @!p2 $0x0  }
0x1d: {  	s5 =	simm.s32 @p1 $0x1;
	p0 =	seq.s32 s7, s2  }
0x1e: {  	s7 =	smul.u32 @!p0 $0xF7A, s2;
	p2 =	seq.s32 @!p0 s5, $0x0  }
0x1f: {  	s9 =	smul.u32 $0xF7A, s1;
	s8 =	simm.s32 @!p0 $0x1BF5;
	p2 =	por !p2, p0  }
0x20: {  	[sflag:s8] =	ssyncset.s32 @!p0 $0xFFFFF086;
	s6 =	sadd.s32 @!p0 s3, s7;
	s7 =	simm.s32 @!p0 $0x108  }
0x21: {  	s3 =	sadd.s32 s3, s9;
	s6 =	sadd.s32 @!p0 $0x88, s6;
	s7 =	simm.s32 @p2 $0x1082  }
0x22: {  	[simem:s7], [sflag:s8] =	dma.local @!p0 [hbm:s6], $0xF7A  }
0x23: {  	s9 =	sor.u32 $0xD0000000, s2;
	s6 =	simm.s32 $0x108;
	_ =	swait.ge @!p0 [sflag:s8], $0x0  }
0x24: {  	s3 =	sadd.s32 $0x88, s3;
	s6 =	simm.s32 @!p1 $0x1082;
	[sflag:s4] =	ssyncset.s32 $0xFFFFF086  }
0x25: {  	[simem:s6], [sflag:s4] =	dma.local [hbm:s3], $0xF7A  }
0x26: {  	[smem:$0x3F99] =	sst s1;
	(tag) =	ssettag s2;
	_ =	strace s9  }
0x27: {  	s1 =	sld [smem:$0x3FA9]  }
0x28: {  	s2 =	sld [smem:$0x3FAA]  }
0x29: {  	s4 =	sld [smem:$0x3FAC]  }
0x2a: {  	p0 =	seq.s32 s5, $0x0;
	s5 =	sld [smem:$0x3FAD]  }
0x2b: {  	s6 =	sld [smem:$0x3FAE]  }
0x2c: {  	s7 =	sld [smem:$0x3FAF]  }
0x2d: {  	s3 =	simm.s32 $0x108;
	s8 =	sld [smem:$0x3FB0]  }
0x2e: {  	s3 =	simm.s32 @!p0 $0x1082;
	s9 =	sld [smem:$0x3FB1]  }
0x2f: {  	lr =	sadd.s32 s0, s3;
	s0 =	sld [smem:$0x3FA8]  }
0x30: {  	s3 =	sld [smem:$0x3FAB]  }
0x31: {  	[smem:$0x3FB4] =	sst s10  }
0x32: {  	s10 =	sld [smem:$0x3FB2];
	_ =	sdelay $0x3  }
0x33: {  	p0 =	seq.s32 s10, $0x1;
	s10 =	sld [smem:$0x3FB4];
	_ =	sdelay $0x3  }
0x34: {  	[smem:$0x3FB4] =	sst s10  }
0x35: {  	s10 =	sld [smem:$0x3FB3];
	_ =	sdelay $0x3  }
0x36: {  	p1 =	seq.s32 s10, $0x1;
	s10 =	sld [smem:$0x3FB4];
	_ =	sdelay $0x3  }
0x37: {  	[smem:$0x3FB4] =	sst s10  }
0x38: {  	s10 =	sld [smem:$0x3FB5]  }
0x39: {  	_ = 	snop;
	(pc) =	sbr.ind lr, $3  }
0x3a: {  	_ = 	snop  }
0x3b: {  	_ = 	snop  }
0x3c: {  	p2 =	seq.s32 s10, $0x1;
	s10 =	sld [smem:$0x3FB4]  }
0x3d: {  	_ =	shalt  }
0x3e: {  	_ =	shalt  }
0x3f: {  	_ =	shalt  }
0x40: {  	_ =	shalt  }
0x41: {  	_ =	shalt  }
0x42: {  	_ =	shalt  }
0x43: {  	_ =	shalt  }
0x44: {  	_ =	shalt  }
0x45: {  	_ =	shalt  }
0x46: {  	_ =	shalt  }
0x47: {  	_ =	shalt  }
0x48: {  	_ =	shalt  }
0x49: {  	_ =	shalt  }
0x4a: {  	_ =	shalt  }
0x4b: {  	_ =	shalt  }
0x4c: {  	_ =	shalt  }
0x4d: {  	_ =	shalt  }
0x4e: {  	_ =	shalt  }
0x4f: {  	_ =	shalt  }
0x50: {  	_ =	shalt  }
0x51: {  	_ =	shalt  }
0x52: {  	_ =	shalt  }
0x53: {  	_ =	shalt  }
0x54: {  	_ =	shalt  }
0x55: {  	_ =	shalt  }
0x56: {  	_ =	shalt  }
0x57: {  	_ =	shalt  }
0x58: {  	_ =	shalt  }
0x59: {  	_ =	shalt  }
0x5a: {  	_ =	shalt  }
0x5b: {  	_ =	shalt  }
0x5c: {  	_ =	shalt  }
0x5d: {  	_ =	shalt  }
0x5e: {  	_ =	shalt  }
0x5f: {  	_ =	shalt  }
0x60: {  	_ =	shalt  }
0x61: {  	_ =	shalt  }
0x62: {  	_ =	shalt  }
0x63: {  	_ =	shalt  }
0x64: {  	_ =	shalt  }
0x65: {  	_ =	shalt  }
0x66: {  	_ =	shalt  }
0x67: {  	_ =	shalt  }
0x68: {  	_ =	shalt  }
0x69: {  	_ =	shalt  }
0x6a: {  	_ =	shalt  }
0x6b: {  	_ =	shalt  }
0x6c: {  	_ =	shalt  }
0x6d: {  	_ =	shalt  }
0x6e: {  	_ =	shalt  }
0x6f: {  	_ =	shalt  }
0x70: {  	_ =	shalt  }
0x71: {  	_ =	shalt  }
0x72: {  	_ =	shalt  }
0x73: {  	_ =	shalt  }
0x74: {  	_ =	shalt  }
0x75: {  	_ =	shalt  }
0x76: {  	_ =	shalt  }
0x77: {  	_ =	shalt  }
0x78: {  	_ =	shalt  }
0x79: {  	_ =	shalt  }
0x7a: {  	_ =	shalt  }
0x7b: {  	_ =	shalt  }
0x7c: {  	_ =	shalt  }
0x7d: {  	_ =	shalt  }
0x7e: {  	_ =	shalt  }
0x7f: {  	_ =	shalt  }
0x80: {  	_ =	shalt  }
0x81: {  	_ =	shalt  }
0x82: {  	_ =	shalt  }
0x83: {  	_ =	shalt  }
0x84: {  	_ =	shalt  }
0x85: {  	_ =	shalt  }
0x86: {  	_ =	shalt  }
0x87: {  	_ =	shalt  }
.Lfunc_end0:
.L_simem_size_0:
called_computation.2_lowered:
.L_overlay_start_0:
0x88: {  	s2 =	sld [smem:$0x3FD9]  }
0x89: {  	s3 =	sld [smem:$0x3FFE];
	_ =	sdelay $0x1  }
0x8a: {  	s1 =	srdreg.scid  }
0x8b: {  	s0 =	sand.u32 $0x1, s1  }
0x8c: {  	s17 =	sshll.u32 s0, $0xA;
	s2 =	sadd.s32 s3, s2  }
0x8d: {  	s2 =	sadd.s32 s2, s17  }
0x8e: {  	[smem:$0x3FC0] =	sst s2  }
0x8f: {  	_ = 	snop  }
0x90: {  	s2 =	sld [smem:$0x3FD0];
	(tm) =	ssettm $0x1  }
0x91: {  	s18 =	sld [smem:$0x3FFB];
	_ =	sdelay $0x3  }
0x92: {  	_ =	strace s18  }
0x93: {  	s3 =	sld [smem:$0x3FFC];
	_ =	sdelay $0x3  }
0x94: {  	_ =	strace s3  }
0x95: {  	s3 =	sld [smem:$0x3FFD];
	_ =	sdelay $0x3  }
0x96: {  	_ =	strace s3  }
0x97: {  	_ =	strace $0x8FFFFFFF  }
0x98: {  	s19 =	sld [smem:$0x3FDB];
	_ =	sdelay $0x1  }
0x99: {  	s4 =	simm.s32 $_scs_section_size  }
0x9a: {  	s5 =	simm.s32 $_size__tile_overlayer_lowered;
	s6 =	simm.s32 $_tile_overlayer_lowered  }
0x9b: {  	s22 =	simm.s32 $0x1BFF;
	s21 =	sshll.u32 s6, $0x1;
	s3 =	sadd.s32 s4, s19  }
0x9c: {  	s7 =	simm.s32 $0x0;
	s20 =	sshll.u32 s5, $0x1;
	s5 =	sadd.s32 s21, s3  }
0x9d: {  	[timem:s7], [sflag:s22] =	dma.local [hbm:s5], s20  }
0x9e: {  	_ =	swait.ge [sflag:s22], s20  }
0x9f: {  	s4 =	ssub.s32 $0x0, s20;
	[sflag:s22] =	ssyncset.done $0x0  }
0xa0: {  	[sflag:s22] =	ssyncadd.s32 s4;
	_ =	sdelay $0x1  }
0xa1: {  	s23 =	simm.s32 $0x1B8B  }
0xa2: {  	_ =	swait.ge [sflag:s23], $0x1  }
0xa3: {  	[sflag:s23] =	ssyncset.done $0x0  }
0xa4: {  	s25 =	simm.s32 $0x1B8E;
	s24 =	sld [smem:$0x3FFE];
	[sflag:s23] =	ssyncadd.s32 $0xFFFFFFFF  }
0xa5: {  	s26 =	simm.s32 $execute0_lowered;
	[smem:$0x3FD2] =	sst s25  }
0xa6: {  	s5 =	sshll.u32 s26, $0x1;
	_ =	strace $0x8000004C;
	[dreg:$0x1] =	wrdreg $0xFFFFFFFF  }
0xa7: {  	s28 =	simm.s32 $_size_execute0_lowered;
	s3 =	sadd.s32 s3, s5;
	[dreg:$0x0] =	wrdreg $0x0  }
0xa8: {  	s5 =	sshll.u32 s28, $0x1;
	[dreg:$0x2] =	wrdreg s3  }
0xa9: {  	[dreg:$0x3] =	wrdreg s5  }
0xaa: {  	[dreg:$0x4] =	wrdreg $0xC0  }
0xab: {  	_ =	task [dreg:s7], $0x5FFFF  }
0xac: {  	[dreg:$0x1] =	wrdreg $0xFFFFFFFF  }
0xad: {  	[dreg:$0x0] =	wrdreg $0x60  }
0xae: {  	[dreg:$0x2] =	wrdreg s24  }
0xaf: {  	[dreg:$0x3] =	wrdreg s2  }
0xb0: {  	[dreg:$0x4] =	wrdreg $0xB0000  }
0xb1: {  	[dreg:$0x5] =	wrdreg $0x9  }
0xb2: {  	_ =	task.clear_ibuf [dreg:s7], $0x6FFFF;
	_ =	strace $0x9000004C  }
0xb3: {  	s29 =	simm.s32 $0x9;
	_ =	strace $0x8000004E  }
0xb4: {  	_ =	swait.ge [sflag:s29], $0x1  }
0xb5: {  	[sflag:s29] =	ssyncadd.s32 $0xFFFFFFFF  }
0xb6: {  	_ =	strace $0x9000004E  }
0xb7: {  	_ =	sfence  }
0xb8: {  	s30 =	sld [smem:$0x0];
	_ =	sdelay $0x2  }
0xb9: {  	s31 =	sshll.u32 s1, $0xD;
	s1 =	sshrl.u32 s1, $0x2  }
0xba: {  	s3 =	sand.u32 $0x4000, s31;
	s1 =	sadd.s32 s1, s30  }
0xbb: {  	s0 =	sor.u32 s3, s0;
	s1 =	sshll.u32 s1, $0x11  }
0xbc: {  	s0 =	sor.u32 s1, s0  }
0xbd: {  	s0 =	sadd.s32 $0x8F2B, s0  }
0xbe: {  	[sflag:s0] =	ssyncadd.remote.s32 $0x1  }
0xbf: {  	_ =	sfence.sel $0xFFFF  }
0xc0: {  	[dreg:$0x0] =	wrdreg $0xFFFFFFFF;
	(pc) =	sbr.abs _section_cstart, $3  }
0xc1: {  	[dreg:$0x1] =	wrdreg $0xFFFFFFFF  }
0xc2: {  	_ =	task.clear_ibuf [dreg:s7], $0x2FFFF;
	_ =	strace $0x9FFFFFFF  }
0xc3: {  	(tm) =	ssettm $0x7FFFFFFF  }
tec
execute0_lowered:
.L_overlay_start_1:
0x0: {  	(tag) =	ssettag $0x1  }
0x1: {  	s1 =	rddreg [dreg:$0x0]  }
0x2: {  	s0 =	srdreg.scid;
	s2 =	rddreg [dreg:$0x1]  }
0x3: {  	s13 =	stileid.u32;
	s3 =	rddreg [dreg:$0x2]  }
0x4: {  	s15 =	simm.s32 $0x6;
	s16 =	simm.s32 $0x2800;
	s17 =	simm.s32 $0x5  }
0x5: {  	s19 =	simm.s32 $0x7D;
	s20 =	simm.s32 $0x3000;
	s22 =	simm.s32 $0x7000  }
0x6: {  	s23 =	simm.s32 $0x3;
	s24 =	simm.s32 $0x2;
	s28 =	simm.s32 $0x1  }
0x7: {  	s0 =	sand.u32 $0x1, s0;
	s6 =	smul.u32 $0x13C00, s13;
	s5 =	sadd.s32 $0x16400, s1  }
0x8: {  	s12 =	smul.u32 $0x4F000, s13;
	s30 =	sshll.u32 s13, $0x6;
	s4 =	sshll.u32 s0, $0x4  }
0x9: {  	s8 =	smul.u32 $0x13C000, s0;
	s0 =	ssub.s32 $0x2, s0;
	s11 =	sor.u32 s13, s4  }
0xa: {  	s4 =	simm.s32 $0x0;
	s10 =	sshrl.u32 s6, $0x3;
	s26 =	sshrl.u32 s0, $0x1  }
0xb: {  	s12 =	sshrl.u32 s12, $0x2;
	s7 =	smul.u32 $0x500, s11;
	[smem:$0x7FF] =	sst s4  }
0xc: {  	s10 =	sadd.s32 s10, s1;
	s6 =	sadd.s32 s6, s8;
	s0 =	ssub.s32 s0, s26  }
0xd: {  	s14 =	sadd.s32 s12, s3;
	s8 =	sor.u32 $0x1C06, s30;
	s11 =	smul.u32 $0xA, s11  }
0xe: {  	s26 =	simm.s32 $0x4;
	_ =	strace $0x8000004D;
	s6 =	sshrl.u32 s6, $0x3  }
0xf: {  	s29 =	sadd.s32 $0x2A400, s10;
	s13 =	smax.u32 s0, $0x1;
	s14 =	sshrl.u32 s14, $0x3  }
0x10: {  	s9 =	sadd.s32 s7, s1;
	s1 =	sadd.s32 s6, s1;
	s7 =	sadd.s32 s5, s7  }
0x11: {  	[dreg:$0x4] =	wrdreg s29;
	s31 =	sadd.s32 $0x20400, s9;
	s10 =	sadd.s32 $0x80, s7  }
0x12: {  	s12 =	sadd.s32 $0x51C00, s1;
	s1 =	simm.s32 $0x0;
	[dreg:$0x5] =	wrdreg s31  }
.LBB2_1:
0x13: {  	s0 =	rddreg [dreg:$0x4]  }
0x14: {  	[spmem:s14], [sflag:s8] =	dma.local [hbm:s0], $0x2780  }
0x15: {  	_ =	swait.ge [sflag:s15], $0x2780  }
0x16: {  	[sflag:s15] =	ssyncset.done $0x0  }
0x17: {  	s25 =	rddreg [dreg:$0x5];
	[sflag:s15] =	ssyncadd.s32 $0xFFFFD880  }
0x18: {  	[tilespmem:s4], [sflag:$0x6] =	stream.linear.gather [hbm4b:s25+s4], $0x2800, $0x38;
	[tilespmem:$0x1EC00] =	vst v63  }
0x19: {  	_ =	swait.ge [sflag:s15], $0x2800  }
0x1a: {  	[sflag:s15] =	ssyncset.done $0x0  }
0x1b: {  	[sflag:s15] =	ssyncadd.s32 $0xFFFFD800  }
0x1c: {  	[bflag:$0x0] =	sbarrier.arrive $0xFFFF  }
0x1d: {  	[tilespmem:s16], [sflag:$0x5] =	stream.linear.gather [hbm4b:s7+s4], $0x400, $0x38;
	[tilespmem:$0x1EC00] =	vst v63  }
0x1e: {  	_ =	swait.ge [sflag:s17], $0x400  }
0x1f: {  	[sflag:s17] =	ssyncset.done $0x0  }
0x20: {  	s31 =	simm.s32 $0x2C00;
	[sflag:s17] =	ssyncadd.s32 $0xFFFFFC00  }
0x21: {  	[tilespmem:s31], [sflag:$0x5] =	stream.linear.gather [hbm4b:s10+s4], $0x400, $0x38;
	[tilespmem:$0x1EC00] =	vst v63  }
0x22: {  	_ = 	snop  }
0x23: {  	[tilespmem:s20], [sflag:$0x1] =	stream.indirect.gather [hbm4b:s2+s19], $0x80, s4, s19, $0xb8;
	[tilespmem:$0x1EC00] =	vst v63  }
0x24: {  	s6 =	simm.s32 $0x80  }
0x25: {  	[tilespmem:s22], [sflag:$0x2] =	stream.indirect.gather [hbm4b:s2+s19], $0x80, s6, s19, $0xb8;
	[tilespmem:$0x1EC00] =	vst v63  }
0x26: {  	_ =	swait.ge [sflag:s28], $0x3E80  }
0x27: {  	[sflag:s28] =	ssyncset.done $0x0  }
0x28: {  	[sflag:s28] =	ssyncadd.s32 $0xFFFFC180  }
0x29: {  	[spmem:s3] =	stream.indirect.scatter.add.f32 [tilespmem:s20], [sflag:$0x3], $0x80, s16, s19, $0xb8;
	[tilespmem:$0x1EC00] =	vst v63  }
0x2a: {  	_ =	swait.ge [sflag:s23], $0x3E80  }
0x2b: {  	[sflag:s23] =	ssyncset.done $0x0  }
0x2c: {  	s0 =	simm.s32 $0x100;
	[sflag:s23] =	ssyncadd.s32 $0xFFFFC180  }
0x2d: {  	[tilespmem:s20], [sflag:$0x1] =	stream.indirect.gather [hbm4b:s2+s19], $0x80, s0, s19, $0xb8;
	[tilespmem:$0x1EC00] =	vst v63  }
0x2e: {  	_ =	swait.ge [sflag:s24], $0x3E80  }
0x2f: {  	s18 =	sand.u32 $0x3, s28;
	[sflag:s24] =	ssyncset.done $0x0  }
0x30: {  	p0 =	sne.s32 s18, $0x0;
	s6 =	simm.s32 $0x2880;
	[sflag:s24] =	ssyncadd.s32 $0xFFFFC180  }
0x31: {  	[spmem:s3] =	stream.indirect.scatter.add.f32 [tilespmem:s22], [sflag:$0x4], $0x80, s6, s19, $0xb8;
	[tilespmem:$0x1EC00] =	vst v63  }
0x32: {  	s9 =	simm.s32 $0x180;
	p1 =	por @!p0 $0x0, $0x0;
	_ =	swait.ge [sflag:s26], $0x3E80  }
0x33: {  	s21 =	simm.s32 @!p0 $0x5;
	p1 =	por p1, p0;
	[sflag:s26] =	ssyncset.done $0x0  }
0x34: {  	s29 =	simm.s32 @!p1 $0x400;
	s25 =	sadd.s32 @!p1 $0x1, s11;
	[sflag:s26] =	ssyncadd.s32 $0xFFFFC180  }
0x35: {  	[tilespmem:s22], [sflag:$0x2] =	stream.indirect.gather [hbm4b:s2+s19], $0x80, s9, s19, $0xb8;
	[tilespmem:$0x1EC00] =	vst v63  }
0x36: {  	s18 =	sand.u32 @!p1 $0x400, s29;
	s25 =	sshll.u32 @!p1 s25, $0x7;
	_ =	swait.ge @!p0 [sflag:s21], $0x400  }
0x37: {  	s18 =	sor.u32 @!p1 $0x2800, s18;
	s25 =	sand.u32 @!p1 $0x1FFFFF80, s25;
	[sflag:s21] =	ssyncset.done @!p0 $0x0  }
0x38: {  	s25 =	sadd.s32 @!p1 s5, s25;
	[sflag:s21] =	ssyncadd.s32 @!p0 $0xFFFFFC00;
	s21 =	simm.s32 @!p1 $0x0  }
0x39: {  	[tilespmem:s18], [sflag:$0x5] =	stream.linear.gather @!p1 [hbm4b:s25+s21], $0x400, $0x38;
	[tilespmem:$0x1EC00] =	vst v63  }
0x3a: {  	_ =	swait.ge [sflag:s28], $0x3E80  }
0x3b: {  	s29 =	sand.u32 $0x700, s0;
	[sflag:s28] =	ssyncset.done $0x0  }
0x3c: {  	s25 =	sor.u32 $0x2800, s29;
	[sflag:s28] =	ssyncadd.s32 $0xFFFFC180  }
0x3d: {  	[spmem:s3] =	stream.indirect.scatter.add.f32 [tilespmem:s20], [sflag:$0x3], $0x80, s25, s19, $0xb8;
	[tilespmem:$0x1EC00] =	vst v63  }
0x3e: {  	s31 =	simm.s32 $0x200;
	_ =	swait.ge [sflag:s23], $0x3E80  }
0x3f: {  	s21 =	simm.s32 $0x3;
	s25 =	simm.s32 $0x2;
	[sflag:s23] =	ssyncset.done $0x0  }
0x40: {  	s18 =	simm.s32 $0x300;
	s30 =	sand.u32 $0x3, s25;
	[sflag:s23] =	ssyncadd.s32 $0xFFFFC180  }
0x41: {  	[tilespmem:s20], [sflag:$0x1] =	stream.indirect.gather [hbm4b:s2+s19], $0x80, s31, s19, $0xb8;
	[tilespmem:$0x1EC00] =	vst v63  }
.LBB2_2:
0x42: {  	p1 =	sne.s32 s30, $0x0;
	s0 =	sadd.s32 $0x100, s0  }
0x43: {  	s30 =	smov.u32 s21;
	s21 =	sadd.s32 $0x1, s21;
	s31 =	smov.u32 s18  }
0x44: {  	p0 =	sne.s32 s21, $0x27;
	p2 =	sgt.u32 @!p1 s25, $0x23;
	_ =	swait.ge [sflag:s24], $0x3E80  }
0x45: {  	s29 =	sor.u32 $0x2880, s29;
	p2 =	por p2, p1;
	[sflag:s24] =	ssyncset.done $0x0  }
0x46: {  	s6 =	sadd.s32 $0xFFFFFF80, s18;
	s25 =	sshrl.u32 @!p2 s25, $0x2;
	[sflag:s24] =	ssyncadd.s32 $0xFFFFC180  }
0x47: {  	[spmem:s3] =	stream.indirect.scatter.add.f32 [tilespmem:s22], [sflag:$0x4], $0x80, s29, s19, $0xb8;
	[tilespmem:$0x1EC00] =	vst v63  }
0x48: {  	s29 =	simm.s32 @!p1 $0x5;
	s25 =	sadd.s32 @!p2 $0x1, s25;
	_ =	swait.ge [sflag:s26], $0x3E80  }
0x49: {  	s9 =	sadd.s32 @!p2 s11, s25;
	s25 =	sshll.u32 @!p2 s25, $0xA;
	[sflag:s26] =	ssyncset.done $0x0  }
0x4a: {  	s25 =	sand.u32 @!p2 $0x400, s25;
	s9 =	sshll.u32 @!p2 s9, $0x7;
	[sflag:s26] =	ssyncadd.s32 $0xFFFFC180  }
0x4b: {  	[tilespmem:s22], [sflag:$0x2] =	stream.indirect.gather [hbm4b:s2+s19], $0x80, s6, s19, $0xb8;
	[tilespmem:$0x1EC00] =	vst v63  }
0x4c: {  	s9 =	sand.u32 @!p2 $0x1FFFFF80, s9;
	s6 =	sor.u32 @!p2 $0x2800, s25;
	_ =	swait.ge @!p1 [sflag:s29], $0x400  }
0x4d: {  	s9 =	sadd.s32 @!p2 s5, s9;
	s25 =	smov.u32 s30;
	[sflag:s29] =	ssyncset.done @!p1 $0x0  }
0x4e: {  	[sflag:s29] =	ssyncadd.s32 @!p1 $0xFFFFFC00;
	s29 =	simm.s32 @!p2 $0x0  }
0x4f: {  	[tilespmem:s6], [sflag:$0x5] =	stream.linear.gather @!p2 [hbm4b:s9+s29], $0x400, $0x38;
	[tilespmem:$0x1EC00] =	vst v63  }
0x50: {  	_ =	swait.ge [sflag:s28], $0x3E80  }
0x51: {  	s29 =	sand.u32 $0x700, s0;
	[sflag:s28] =	ssyncset.done $0x0  }
0x52: {  	s6 =	sor.u32 $0x2800, s29;
	[sflag:s28] =	ssyncadd.s32 $0xFFFFC180  }
0x53: {  	[spmem:s3] =	stream.indirect.scatter.add.f32 [tilespmem:s20], [sflag:$0x3], $0x80, s6, s19, $0xb8;
	[tilespmem:$0x1EC00] =	vst v63  }
.Ltmp0:
0x54: {  	_ = 	snop;
	(pc) =	sbr.rel @p0 .LBB2_2-.Ltmp0, $4  }
0x55: {  	_ =	swait.ge [sflag:s23], $0x3E80  }
0x56: {  	[sflag:s23] =	ssyncset.done $0x0  }
0x57: {  	s18 =	sadd.s32 $0x100, s18;
	s30 =	sand.u32 $0x3, s25;
	[sflag:s23] =	ssyncadd.s32 $0xFFFFC180  }
0x58: {  	[tilespmem:s20], [sflag:$0x1] =	stream.indirect.gather [hbm4b:s2+s19], $0x80, s31, s19, $0xb8;
	[tilespmem:$0x1EC00] =	vst v63  }
0x59: {  	p0 =	sne.s32 s30, $0x0;
	_ =	swait.ge [sflag:s24], $0x3E80  }
0x5a: {  	p1 =	sgt.u32 @!p0 s25, $0x23;
	[sflag:s24] =	ssyncset.done $0x0  }
0x5b: {  	s6 =	sor.u32 $0x2880, s29;
	p1 =	por p1, p0;
	[sflag:s24] =	ssyncadd.s32 $0xFFFFC180  }
0x5c: {  	[spmem:s3] =	stream.indirect.scatter.add.f32 [tilespmem:s22], [sflag:$0x4], $0x80, s6, s19, $0xb8;
	[tilespmem:$0x1EC00] =	vst v63  }
0x5d: {  	s31 =	sadd.s32 $0xFFFFFF80, s18;
	s9 =	sshrl.u32 @!p1 s25, $0x2;
	_ =	swait.ge [sflag:s26], $0x3E80  }
0x5e: {  	s21 =	simm.s32 @!p0 $0x5;
	s9 =	sadd.s32 @!p1 $0x1, s9;
	[sflag:s26] =	ssyncset.done $0x0  }
0x5f: {  	s25 =	sadd.s32 @!p1 s11, s9;
	s9 =	sshll.u32 @!p1 s9, $0xA;
	[sflag:s26] =	ssyncadd.s32 $0xFFFFC180  }
0x60: {  	[tilespmem:s22], [sflag:$0x2] =	stream.indirect.gather [hbm4b:s2+s19], $0x80, s31, s19, $0xb8;
	[tilespmem:$0x1EC00] =	vst v63  }
0x61: {  	s6 =	sand.u32 @!p1 $0x400, s9;
	s9 =	sshll.u32 @!p1 s25, $0x7;
	_ =	swait.ge @!p0 [sflag:s21], $0x400  }
0x62: {  	s6 =	sor.u32 @!p1 $0x2800, s6;
	s9 =	sand.u32 @!p1 $0x1FFFFF80, s9;
	[sflag:s21] =	ssyncset.done @!p0 $0x0  }
0x63: {  	s9 =	sadd.s32 @!p1 s5, s9;
	[sflag:s21] =	ssyncadd.s32 @!p0 $0xFFFFFC00;
	s21 =	simm.s32 @!p1 $0x0  }
0x64: {  	[tilespmem:s6], [sflag:$0x5] =	stream.linear.gather @!p1 [hbm4b:s9+s21], $0x400, $0x38;
	[tilespmem:$0x1EC00] =	vst v63  }
0x65: {  	s0 =	sadd.s32 $0x100, s0;
	_ =	swait.ge [sflag:s28], $0x3E80  }
0x66: {  	s0 =	sand.u32 $0x700, s0;
	[sflag:s28] =	ssyncset.done $0x0  }
0x67: {  	s25 =	sor.u32 $0x2800, s0;
	[sflag:s28] =	ssyncadd.s32 $0xFFFFC180  }
0x68: {  	[spmem:s3] =	stream.indirect.scatter.add.f32 [tilespmem:s20], [sflag:$0x3], $0x80, s25, s19, $0xb8;
	[tilespmem:$0x1EC00] =	vst v63  }
0x69: {  	_ =	swait.ge [sflag:s23], $0x3E80  }
0x6a: {  	[sflag:s23] =	ssyncset.done $0x0  }
0x6b: {  	[sflag:s23] =	ssyncadd.s32 $0xFFFFC180  }
0x6c: {  	[tilespmem:s20], [sflag:$0x1] =	stream.indirect.gather [hbm4b:s2+s19], $0x80, s18, s19, $0xb8;
	[tilespmem:$0x1EC00] =	vst v63  }
0x6d: {  	_ =	swait.ge [sflag:s24], $0x3E80  }
0x6e: {  	[sflag:s24] =	ssyncset.done $0x0  }
0x6f: {  	s0 =	sor.u32 $0x2880, s0;
	[sflag:s24] =	ssyncadd.s32 $0xFFFFC180  }
0x70: {  	[spmem:s3] =	stream.indirect.scatter.add.f32 [tilespmem:s22], [sflag:$0x4], $0x80, s0, s19, $0xb8;
	[tilespmem:$0x1EC00] =	vst v63  }
0x71: {  	_ =	swait.ge [sflag:s26], $0x3E80  }
0x72: {  	[sflag:s26] =	ssyncset.done $0x0  }
0x73: {  	s29 =	simm.s32 $0x2780;
	[sflag:s26] =	ssyncadd.s32 $0xFFFFC180  }
0x74: {  	[tilespmem:s22], [sflag:$0x2] =	stream.indirect.gather [hbm4b:s2+s19], $0x80, s29, s19, $0xb8;
	[tilespmem:$0x1EC00] =	vst v63  }
0x75: {  	_ =	swait.ge [sflag:s28], $0x3E80  }
0x76: {  	[sflag:s28] =	ssyncset.done $0x0  }
0x77: {  	s30 =	simm.s32 $0x2F00;
	[sflag:s28] =	ssyncadd.s32 $0xFFFFC180  }
0x78: {  	[spmem:s3] =	stream.indirect.scatter.add.f32 [tilespmem:s20], [sflag:$0x3], $0x80, s30, s19, $0xb8;
	[tilespmem:$0x1EC00] =	vst v63  }
0x79: {  	_ =	swait.ge [sflag:s23], $0x3E80  }
0x7a: {  	[sflag:s23] =	ssyncset.done $0x0  }
0x7b: {  	[sflag:s23] =	ssyncadd.s32 $0xFFFFC180  }
0x7c: {  	_ =	swait.ge [sflag:s24], $0x3E80  }
0x7d: {  	[sflag:s24] =	ssyncset.done $0x0  }
0x7e: {  	s31 =	simm.s32 $0x2F80;
	[sflag:s24] =	ssyncadd.s32 $0xFFFFC180  }
0x7f: {  	[spmem:s3] =	stream.indirect.scatter.add.f32 [tilespmem:s22], [sflag:$0x4], $0x80, s31, s19, $0xb8;
	[tilespmem:$0x1EC00] =	vst v63  }
0x80: {  	_ =	swait.ge [sflag:s26], $0x3E80  }
0x81: {  	s1 =	sadd.s32 $0x1, s1;
	[sflag:s26] =	ssyncset.done $0x0  }
0x82: {  	p0 =	sne.s32 s1, s13;
	[sflag:s26] =	ssyncadd.s32 $0xFFFFC180  }
.Ltmp1:
0x83: {  	[bflag:$0x0] =	sbarrier.arrive $0xFFFF;
	(pc) =	sbr.rel @p0 .LBB2_1-.Ltmp1, $4  }
0x84: {  	[hbm:s12], [sflag:s8] =	dma.local [spmem:s14], $0x2780  }
0x85: {  	_ =	swait.ge [sflag:s15], $0x2780  }
0x86: {  	[sflag:s15] =	ssyncset.done $0x0  }
0x87: {  	[sflag:s15] =	ssyncadd.s32 $0xFFFFD880  }
0x88: {  	_ =	sfence.sel $0x180000  }
0x89: {  	[bflag:$0x0] =	sbarrier.arrive $0xFFFF  }
0x8a: {  	_ =	strace $0x9000004D  }
0x8b: {  	s0 =	stileid.u32;
	[bflag:$0x2] =	sbarrier.arrive $0xFFFF  }
0x8c: {  	p0 =	sne.s32 s0, $0x0;
	s0 =	rddreg [dreg:$0x3]  }
0x8d: {  	s0 =	sadd.s32 @!p0 $0x100000, s0  }
0x8e: {  	[sflag:s0] =	ssyncadd.tile.s32 @!p0 $0x1;
	_ =	shalt  }
.Lfunc_end2:
_tile_overlayer_lowered:
.L_overlay_start_2:
0x8f: {  	(tag) =	ssettag $0x2  }
0x90: {  	s0 =	rddreg [dreg:$0x0];
	s2 =	stileid.u32  }
0x91: {  	s1 =	rddreg [dreg:$0x1];
	p0 =	sne.s32 s2, $0x0  }
0x92: {  	s3 =	rddreg [dreg:$0x2];
	[bflag:$0x3] =	sbarrier.arrive $0xFFFF;
	s2 =	simm.s32 @!p0 $0x1C06  }
0x93: {  	[timem:s3], [sflag:s2] =	dma.local @!p0 [hbm:s0], s1  }
0x94: {  	s0 =	simm.s32 @!p0 $0x6  }
0x95: {  	_ =	swait.ge @!p0 [sflag:s0], s1  }
0x96: {  	s1 =	ssub.s32 @!p0 $0x0, s1;
	[sflag:s0] =	ssyncset.done @!p0 $0x0  }
0x97: {  	[sflag:s0] =	ssyncadd.s32 @!p0 s1  }
0x98: {  	[bflag:$0x3] =	sbarrier.arrive $0xFFFF  }
0x99: {  	_ =	shalt  }

// kernel: kernel.9.cloned.1.call-start
scs
__scs_entry_jumppad:
0x0: {  	(pc) =	sbr.rel $0x88, $3  }
0x1: {  	(tag) =	ssettag $0x0;
	lr =	simm.s32 $0x1  }
0x2: {  	[smem:$0x3F99] =	sst lr;
	_ =	strace $0xD0000000  }
0x3: {  	_ = 	snop  }
0x4: {  	_ = 	snop  }
0x5: {  	_ = 	snop  }
0x6: {  	_ = 	snop  }
0x7: {  	_ = 	snop  }
__scs_overlays_trampoline_lowered:
0x8: {  	[smem:$0x3FA8] =	sst s0  }
0x9: {  	[smem:$0x3FA9] =	sst s1  }
0xa: {  	[smem:$0x3FAA] =	sst s2  }
0xb: {  	[smem:$0x3FAB] =	sst s3  }
0xc: {  	[smem:$0x3FAC] =	sst s4  }
0xd: {  	[smem:$0x3FAD] =	sst s5  }
0xe: {  	[smem:$0x3FAE] =	sst s6  }
0xf: {  	[smem:$0x3FAF] =	sst s7  }
0x10: {  	[smem:$0x3FB0] =	sst s8  }
0x11: {  	[smem:$0x3FB1] =	sst s9;
	s0 =	simm.s32 @!p0 $0x0  }
0x12: {  	s1 =	sld [smem:$0x3F97];
	s0 =	simm.s32 @p0 $0x1  }
0x13: {  	[smem:$0x3FB2] =	sst s0;
	s0 =	simm.s32 @!p1 $0x0  }
0x14: {  	s2 =	sld [smem:$0x3F96];
	s0 =	simm.s32 @p1 $0x1  }
0x15: {  	[smem:$0x3FB3] =	sst s0;
	s0 =	simm.s32 @!p2 $0x0  }
0x16: {  	s3 =	sld [smem:$0x3FDB];
	s0 =	simm.s32 @p2 $0x1  }
0x17: {  	s4 =	simm.s32 $0x1BF5;
	[smem:$0x3FB5] =	sst s0  }
0x18: {  	s0 =	sld [smem:$0x3F98];
	_ =	swait.ge [sflag:s4], $0x0  }
0x19: {  	s7 =	sld [smem:$0x3F99]  }
0x1a: {  	s8 =	sadd.s32 $0xFFFFE003, lr  }
0x1b: {  	s9 =	sadd.s32 $0xFFFFFEF7, lr;
	s5 =	simm.s32 $0xFFFFFFFF;
	p2 =	slt.u32 s8, $0xFFFFF086  }
0x1c: {  	p1 =	slt.u32 s9, $0xF7A;
	s5 =	simm.s32 @!p2 $0x0  }
0x1d: {  	s5 =	simm.s32 @p1 $0x1;
	p0 =	seq.s32 s7, s2  }
0x1e: {  	s7 =	smul.u32 @!p0 $0xF7A, s2;
	p2 =	seq.s32 @!p0 s5, $0x0  }
0x1f: {  	s9 =	smul.u32 $0xF7A, s1;
	s8 =	simm.s32 @!p0 $0x1BF5;
	p2 =	por !p2, p0  }
0x20: {  	[sflag:s8] =	ssyncset.s32 @!p0 $0xFFFFF086;
	s6 =	sadd.s32 @!p0 s3, s7;
	s7 =	simm.s32 @!p0 $0x108  }
0x21: {  	s3 =	sadd.s32 s3, s9;
	s6 =	sadd.s32 @!p0 $0x88, s6;
	s7 =	simm.s32 @p2 $0x1082  }
0x22: {  	[simem:s7], [sflag:s8] =	dma.local @!p0 [hbm:s6], $0xF7A  }
0x23: {  	s9 =	sor.u32 $0xD0000000, s2;
	s6 =	simm.s32 $0x108;
	_ =	swait.ge @!p0 [sflag:s8], $0x0  }
0x24: {  	s3 =	sadd.s32 $0x88, s3;
	s6 =	simm.s32 @!p1 $0x1082;
	[sflag:s4] =	ssyncset.s32 $0xFFFFF086  }
0x25: {  	[simem:s6], [sflag:s4] =	dma.local [hbm:s3], $0xF7A  }
0x26: {  	[smem:$0x3F99] =	sst s1;
	(tag) =	ssettag s2;
	_ =	strace s9  }
0x27: {  	s1 =	sld [smem:$0x3FA9]  }
0x28: {  	s2 =	sld [smem:$0x3FAA]  }
0x29: {  	s4 =	sld [smem:$0x3FAC]  }
0x2a: {  	p0 =	seq.s32 s5, $0x0;
	s5 =	sld [smem:$0x3FAD]  }
0x2b: {  	s6 =	sld [smem:$0x3FAE]  }
0x2c: {  	s7 =	sld [smem:$0x3FAF]  }
0x2d: {  	s3 =	simm.s32 $0x108;
	s8 =	sld [smem:$0x3FB0]  }
0x2e: {  	s3 =	simm.s32 @!p0 $0x1082;
	s9 =	sld [smem:$0x3FB1]  }
0x2f: {  	lr =	sadd.s32 s0, s3;
	s0 =	sld [smem:$0x3FA8]  }
0x30: {  	s3 =	sld [smem:$0x3FAB]  }
0x31: {  	[smem:$0x3FB4] =	sst s10  }
0x32: {  	s10 =	sld [smem:$0x3FB2];
	_ =	sdelay $0x3  }
0x33: {  	p0 =	seq.s32 s10, $0x1;
	s10 =	sld [smem:$0x3FB4];
	_ =	sdelay $0x3  }
0x34: {  	[smem:$0x3FB4] =	sst s10  }
0x35: {  	s10 =	sld [smem:$0x3FB3];
	_ =	sdelay $0x3  }
0x36: {  	p1 =	seq.s32 s10, $0x1;
	s10 =	sld [smem:$0x3FB4];
	_ =	sdelay $0x3  }
0x37: {  	[smem:$0x3FB4] =	sst s10  }
0x38: {  	s10 =	sld [smem:$0x3FB5]  }
0x39: {  	_ = 	snop;
	(pc) =	sbr.ind lr, $3  }
0x3a: {  	_ = 	snop  }
0x3b: {  	_ = 	snop  }
0x3c: {  	p2 =	seq.s32 s10, $0x1;
	s10 =	sld [smem:$0x3FB4]  }
0x3d: {  	_ =	shalt  }
0x3e: {  	_ =	shalt  }
0x3f: {  	_ =	shalt  }
0x40: {  	_ =	shalt  }
0x41: {  	_ =	shalt  }
0x42: {  	_ =	shalt  }
0x43: {  	_ =	shalt  }
0x44: {  	_ =	shalt  }
0x45: {  	_ =	shalt  }
0x46: {  	_ =	shalt  }
0x47: {  	_ =	shalt  }
0x48: {  	_ =	shalt  }
0x49: {  	_ =	shalt  }
0x4a: {  	_ =	shalt  }
0x4b: {  	_ =	shalt  }
0x4c: {  	_ =	shalt  }
0x4d: {  	_ =	shalt  }
0x4e: {  	_ =	shalt  }
0x4f: {  	_ =	shalt  }
0x50: {  	_ =	shalt  }
0x51: {  	_ =	shalt  }
0x52: {  	_ =	shalt  }
0x53: {  	_ =	shalt  }
0x54: {  	_ =	shalt  }
0x55: {  	_ =	shalt  }
0x56: {  	_ =	shalt  }
0x57: {  	_ =	shalt  }
0x58: {  	_ =	shalt  }
0x59: {  	_ =	shalt  }
0x5a: {  	_ =	shalt  }
0x5b: {  	_ =	shalt  }
0x5c: {  	_ =	shalt  }
0x5d: {  	_ =	shalt  }
0x5e: {  	_ =	shalt  }
0x5f: {  	_ =	shalt  }
0x60: {  	_ =	shalt  }
0x61: {  	_ =	shalt  }
0x62: {  	_ =	shalt  }
0x63: {  	_ =	shalt  }
0x64: {  	_ =	shalt  }
0x65: {  	_ =	shalt  }
0x66: {  	_ =	shalt  }
0x67: {  	_ =	shalt  }
0x68: {  	_ =	shalt  }
0x69: {  	_ =	shalt  }
0x6a: {  	_ =	shalt  }
0x6b: {  	_ =	shalt  }
0x6c: {  	_ =	shalt  }
0x6d: {  	_ =	shalt  }
0x6e: {  	_ =	shalt  }
0x6f: {  	_ =	shalt  }
0x70: {  	_ =	shalt  }
0x71: {  	_ =	shalt  }
0x72: {  	_ =	shalt  }
0x73: {  	_ =	shalt  }
0x74: {  	_ =	shalt  }
0x75: {  	_ =	shalt  }
0x76: {  	_ =	shalt  }
0x77: {  	_ =	shalt  }
0x78: {  	_ =	shalt  }
0x79: {  	_ =	shalt  }
0x7a: {  	_ =	shalt  }
0x7b: {  	_ =	shalt  }
0x7c: {  	_ =	shalt  }
0x7d: {  	_ =	shalt  }
0x7e: {  	_ =	shalt  }
0x7f: {  	_ =	shalt  }
0x80: {  	_ =	shalt  }
0x81: {  	_ =	shalt  }
0x82: {  	_ =	shalt  }
0x83: {  	_ =	shalt  }
0x84: {  	_ =	shalt  }
0x85: {  	_ =	shalt  }
0x86: {  	_ =	shalt  }
0x87: {  	_ =	shalt  }
.Lfunc_end0:
.L_simem_size_0:
called_computation_lowered:
.L_overlay_start_0:
0x88: {  	s2 =	sld [smem:$0x3FD9]  }
0x89: {  	s3 =	sld [smem:$0x3FFE];
	_ =	sdelay $0x1  }
0x8a: {  	s1 =	srdreg.scid  }
0x8b: {  	s0 =	sand.u32 $0x1, s1  }
0x8c: {  	s16 =	sshll.u32 s0, $0xA;
	s2 =	sadd.s32 s3, s2  }
0x8d: {  	s2 =	sadd.s32 s2, s16  }
0x8e: {  	[smem:$0x3FC0] =	sst s2  }
0x8f: {  	_ = 	snop  }
0x90: {  	(tm) =	ssettm $0x1  }
0x91: {  	s17 =	sld [smem:$0x3FFB];
	_ =	sdelay $0x3  }
0x92: {  	_ =	strace s17  }
0x93: {  	s2 =	sld [smem:$0x3FFC];
	_ =	sdelay $0x3  }
0x94: {  	_ =	strace s2  }
0x95: {  	s2 =	sld [smem:$0x3FFD];
	_ =	sdelay $0x3  }
0x96: {  	_ =	strace s2  }
0x97: {  	_ =	strace $0x8FFFFFFF  }
0x98: {  	s18 =	sld [smem:$0x3FDB];
	_ =	sdelay $0x1  }
0x99: {  	s19 =	simm.s32 $_scs_section_size  }
0x9a: {  	s4 =	simm.s32 $_size__tile_overlayer_lowered;
	s5 =	simm.s32 $_tile_overlayer_lowered  }
0x9b: {  	s22 =	simm.s32 $0x1BFF;
	s21 =	sshll.u32 s5, $0x1;
	s2 =	sadd.s32 s19, s18  }
0x9c: {  	s6 =	simm.s32 $0x0;
	s20 =	sshll.u32 s4, $0x1;
	s4 =	sadd.s32 s21, s2  }
0x9d: {  	[timem:s6], [sflag:s22] =	dma.local [hbm:s4], s20  }
0x9e: {  	_ =	swait.ge [sflag:s22], s20  }
0x9f: {  	s3 =	ssub.s32 $0x0, s20;
	[sflag:s22] =	ssyncset.done $0x0  }
0xa0: {  	[sflag:s22] =	ssyncadd.s32 s3;
	_ =	sdelay $0x1  }
0xa1: {  	s23 =	simm.s32 $0x1B8B  }
0xa2: {  	_ =	swait.ge [sflag:s23], $0x1  }
0xa3: {  	[sflag:s23] =	ssyncset.done $0x0  }
0xa4: {  	s25 =	simm.s32 $0x1B8E;
	s24 =	sld [smem:$0x3FFE];
	[sflag:s23] =	ssyncadd.s32 $0xFFFFFFFF  }
0xa5: {  	s26 =	simm.s32 $execute0_lowered;
	[smem:$0x3FD2] =	sst s25  }
0xa6: {  	s4 =	sshll.u32 s26, $0x1;
	_ =	strace $0x80000046;
	[dreg:$0x1] =	wrdreg $0xFFFFFFFF  }
0xa7: {  	s28 =	simm.s32 $_size_execute0_lowered;
	s2 =	sadd.s32 s2, s4;
	[dreg:$0x0] =	wrdreg $0x0  }
0xa8: {  	s4 =	sshll.u32 s28, $0x1;
	[dreg:$0x2] =	wrdreg s2  }
0xa9: {  	[dreg:$0x3] =	wrdreg s4  }
0xaa: {  	[dreg:$0x4] =	wrdreg $0xC0  }
0xab: {  	_ =	task [dreg:s6], $0x5FFFF  }
0xac: {  	[dreg:$0x1] =	wrdreg $0xFFFFFFFF  }
0xad: {  	[dreg:$0x0] =	wrdreg $0x60  }
0xae: {  	[dreg:$0x2] =	wrdreg s24  }
0xaf: {  	[dreg:$0x3] =	wrdreg $0x9  }
0xb0: {  	_ =	task.clear_ibuf [dreg:s6], $0x4FFFF;
	_ =	strace $0x90000046  }
0xb1: {  	s29 =	simm.s32 $0x9;
	_ =	strace $0x80000048  }
0xb2: {  	_ =	swait.ge [sflag:s29], $0x1  }
0xb3: {  	[sflag:s29] =	ssyncadd.s32 $0xFFFFFFFF  }
0xb4: {  	_ =	strace $0x90000048  }
0xb5: {  	_ =	sfence  }
0xb6: {  	s30 =	sld [smem:$0x0];
	_ =	sdelay $0x2  }
0xb7: {  	s31 =	sshll.u32 s1, $0xD;
	s1 =	sshrl.u32 s1, $0x2  }
0xb8: {  	s3 =	sand.u32 $0x4000, s31;
	s1 =	sadd.s32 s1, s30  }
0xb9: {  	s0 =	sor.u32 s3, s0;
	s1 =	sshll.u32 s1, $0x11  }
0xba: {  	s0 =	sor.u32 s1, s0  }
0xbb: {  	s0 =	sadd.s32 $0x8F2B, s0  }
0xbc: {  	[sflag:s0] =	ssyncadd.remote.s32 $0x1  }
0xbd: {  	_ =	sfence.sel $0xFFFF  }
0xbe: {  	[dreg:$0x0] =	wrdreg $0xFFFFFFFF;
	(pc) =	sbr.abs _section_cstart, $3  }
0xbf: {  	[dreg:$0x1] =	wrdreg $0xFFFFFFFF  }
0xc0: {  	_ =	task.clear_ibuf [dreg:s6], $0x2FFFF;
	_ =	strace $0x9FFFFFFF  }
0xc1: {  	(tm) =	ssettm $0x7FFFFFFF  }
tec
execute0_lowered:
.L_overlay_start_1:
0x0: {  	(tag) =	ssettag $0x1  }
0x1: {  	s0 =	srdreg.scid  }
0x2: {  	s5 =	rddreg [dreg:$0x0];
	s3 =	sand.u32 $0x1, s0  }
0x3: {  	s2 =	simm.s32 $0x0;
	s0 =	stileid.u32;
	s1 =	sshll.u32 s3, $0x4  }
0x4: {  	s8 =	simm.s32 $0x80;
	s9 =	simm.s32 $0x400;
	s4 =	sor.u32 s0, s1  }
0x5: {  	s10 =	simm.s32 $0x0;
	[smem:$0x7FF] =	sst s2;
	s1 =	sshrl.u32 s4, $0x3  }
0x6: {  	s7 =	sshll.u32 s0, $0x7;
	s3 =	ssub.s32 $0x2, s3;
	s6 =	smul.u32 $0x14000, s1  }
0x7: {  	s7 =	sand.u32 $0x380, s7;
	s31 =	sshrl.u32 s3, $0x1;
	s4 =	smul.u32 $0x4E2, s4  }
0x8: {  	s1 =	rddreg [dreg:$0x1];
	_ =	strace $0x80000047;
	s6 =	sor.u32 s7, s6  }
0x9: {  	s4 =	sadd.s32 s4, s5;
	s7 =	simm.s32 $0x2780;
	s6 =	sshrl.u32 s6, $0x3  }
0xa: {  	s5 =	sadd.s32 s6, s5;
	s6 =	ssub.s32 s3, s31;
	s3 =	sadd.s32 $0x2600, s4  }
0xb: {  	v0 =	vimm.f32 $0.0e+00;
	v1 =	vimm.f32 $1.000000000e+00;
	s4 =	sadd.s32 $0xC400, s5;
	s5 =	smax.u32 s6, $0x1;
	s6 =	simm.s32 $0x1  }
.LBB2_1:
0xc: {  	[tilespmem:s2], [sflag:$0x1] =	stream.linear.gather [hbm4b:s3+s2], $0x2710, $0x38;
	[tilespmem:$0x4F80] =	vst v63  }
0xd: {  	_ =	swait.ge [sflag:s6], $0x2710  }
0xe: {  	[sflag:s6] =	ssyncset.done $0x0  }
0xf: {  	s11 =	simm.s32 $0x0;
	[sflag:s6] =	ssyncadd.s32 $0xFFFFD8F0  }
.LBB2_2:
0x10: {  	p0 =	sne.s32 s11, $0x9FC0  }
.Ltmp0:
0x11: {  	_ = 	snop;
	(pc) =	sbr.rel @p0 .LBB2_2-.Ltmp0, $3  }
0x12: {  	_ =	sdelay $0x1  }
0x13: {  	s12 =	sshra.s32 s11, $0x2  }
0x14: {  	s11 =	sadd.s32 $0x40, s11;
	[tilespmem:s12+$0x2780] =	vst v0  }
0x15: {  	s12 =	simm.s32 $0x0;
	s11 =	simm.s32 $0x40  }
.LBB2_4:
0x16: {  	p0 =	sne.s32 s11, $0x9C00;
	v2 =	vld [tilespmem:s12+$0x0];
	_ =	sdelay $0x3  }
.Ltmp1:
0x17: {  	(pc) =	sbr.rel @p0 .LBB2_4-.Ltmp1, $2  }
0x18: {  	_ =	sdelay $0x2  }
0x19: {  	s12 =	sshra.s32 s11, $0x2;
	s11 =	sadd.s32 $0x40, s11;
	[tilespmem:v2+s7+$0x0] =	vst.idx.add.f32.msk $0xffff, v1  }
0x1a: {  	v2 =	vld [tilespmem:s12+$0x0];
	_ =	sdelay $0x5  }
0x1b: {  	s10 =	sadd.s32 $0x1, s10  }
0x1c: {  	p0 =	sne.s32 s10, s5  }
.Ltmp2:
0x1d: {  	[tilespmem:v2+s7+$0x0] =	vst.idx.add.f32.msk $0xffff, v1;
	(pc) =	sbr.rel @p0 .LBB2_1-.Ltmp2, $4  }
0x1e: {  	[hbm4b:s4+s8] =	stream.strided.scatter [tilespmem:s7], [sflag:$0x1], $0x2800, s9, s8, $0x38;
	[tilespmem:$0x4F80] =	vst v63  }
0x1f: {  	_ =	swait.ge [sflag:s6], $0x2800  }
0x20: {  	[sflag:s6] =	ssyncset.done $0x0  }
0x21: {  	[sflag:s6] =	ssyncadd.s32 $0xFFFFD800  }
0x22: {  	_ =	sfence.sel $0x180000  }
0x23: {  	[bflag:$0x0] =	sbarrier.arrive $0xFFFF  }
0x24: {  	p0 =	sne.s32 s0, $0x0;
	_ =	strace $0x90000047  }
0x25: {  	s0 =	sadd.s32 @!p0 $0x100000, s1;
	[bflag:$0x2] =	sbarrier.arrive $0xFFFF  }
0x26: {  	[sflag:s0] =	ssyncadd.tile.s32 @!p0 $0x1;
	_ =	shalt  }
.Lfunc_end2:
_tile_overlayer_lowered:
.L_overlay_start_2:
0x27: {  	(tag) =	ssettag $0x2  }
0x28: {  	s0 =	rddreg [dreg:$0x0];
	s2 =	stileid.u32  }
0x29: {  	s1 =	rddreg [dreg:$0x1];
	p0 =	sne.s32 s2, $0x0  }
0x2a: {  	s3 =	rddreg [dreg:$0x2];
	[bflag:$0x3] =	sbarrier.arrive $0xFFFF;
	s2 =	simm.s32 @!p0 $0x1C01  }
0x2b: {  	[timem:s3], [sflag:s2] =	dma.local @!p0 [hbm:s0], s1  }
0x2c: {  	s0 =	simm.s32 @!p0 $0x1  }
0x2d: {  	_ =	swait.ge @!p0 [sflag:s0], s1  }
0x2e: {  	s1 =	ssub.s32 @!p0 $0x0, s1;
	[sflag:s0] =	ssyncset.done @!p0 $0x0  }
0x2f: {  	[sflag:s0] =	ssyncadd.s32 @!p0 s1  }
0x30: {  	[bflag:$0x3] =	sbarrier.arrive $0xFFFF  }
0x31: {  	_ =	shalt  }

</sc_bundles>
